<compile_context>
chip_gen: v7x
topology: tpu7x:2x2x1
jax: 0.10.2.dev20260603
libtpu: 0.0.44.dev20260713+nightly
codegen_flags: <defaults>
</compile_context>

<pallas_src>
import jax
import jax.numpy as jnp
from jax import lax
from jax.experimental import pallas as pl
from jax.experimental.pallas import tpu as pltpu
from jax.experimental.pallas import tpu_sc as plsc

_N = 10000
_D = 256
_DH = 128
_E = 160000
_NC = 2
_NS = 16

_K = 128
_KD = 128
_EPAD = 163840
_EPT = _EPAD // _NS
_NCH = _EPT // _K
_NCHH = _NCH // 2
_NCHD = _EPAD // (_NC * _NS) // _KD
_NROW = _EPAD // _K
_NROWD = _EPAD // _KD

_NP = 10240
_RPT = _NP // _NS
_RC = 128
_NRC = _RPT // _RC

_MESH = plsc.VectorSubcoreMesh(core_axis_name="c", subcore_axis_name="s")


def _deg_body(dst2d_hbm, ones_hbm, zeros_hbm, out_hbm,
              acc, didx_v, ones_v, tmp_v, s0):
    c = lax.axis_index("c")
    s = lax.axis_index("s")
    w = s * _NC + c
    pltpu.sync_copy(dst2d_hbm.at[pl.ds(w * _NCHD, _NCHD)], didx_v)
    pltpu.sync_copy(ones_hbm, ones_v)
    pltpu.sync_copy(zeros_hbm, tmp_v)
    for i in range(_NRC):
        pltpu.sync_copy(tmp_v, acc.at[pl.ds(s * _RPT + i * _RC, _RC)])
    plsc.subcore_barrier()

    def body(k, carry):
        pltpu.async_copy(ones_v, acc.at[didx_v.at[k]], s0, add=True)
        pltpu.make_async_copy(ones_hbm, ones_v, s0).wait()
        return carry

    lax.fori_loop(0, _NCHD, body, 0)
    plsc.subcore_barrier()
    for i in range(_NRC):
        r0 = s * _RPT + i * _RC
        pltpu.sync_copy(acc.at[pl.ds(r0, _RC)], tmp_v)
        pltpu.sync_copy(tmp_v, out_hbm.at[pl.ds(c * _NP + r0, _RC)])


_deg_call = pl.kernel(
    _deg_body,
    out_type=jax.ShapeDtypeStruct((_NC * _NP, _DH), jnp.float32),
    mesh=_MESH,
    scratch_types=[
        pltpu.VMEM_SHARED((_NP, _DH), jnp.float32),
        pltpu.VMEM((_NCHD, _KD), jnp.int32),
        pltpu.VMEM((_KD, _DH), jnp.float32),
        pltpu.VMEM((_RC, _DH), jnp.float32),
        pltpu.SemaphoreType.DMA,
    ],
)


def _agg_body(h_hbm, idx2_hbm, zeros_hbm, out_hbm,
              acc, idx_v, ra_v, rb_v, g0, g1, s0, s1, i0):
    c = lax.axis_index("c")
    s = lax.axis_index("s")
    rbase = s * _NCH
    rows = (ra_v, rb_v)
    gs = (g0, g1)
    ss = (s0, s1)

    pltpu.async_copy(idx2_hbm.at[c, pl.ds(rbase, _NCHH)], idx_v, i0)
    pltpu.sync_copy(zeros_hbm, ra_v)
    for i in range(_NRC):
        b = i % 2
        if i >= 2:
            pltpu.make_async_copy(ra_v, acc.at[pl.ds(s * _RPT, _RC)],
                                  ss[b]).wait()
        pltpu.async_copy(ra_v, acc.at[pl.ds(s * _RPT + i * _RC, _RC)], ss[b])
    for b in range(2):
        pltpu.make_async_copy(ra_v, acc.at[pl.ds(s * _RPT, _RC)], ss[b]).wait()
    pltpu.make_async_copy(idx2_hbm.at[c, pl.ds(0, _NCHH)], idx_v, i0).wait()
    plsc.subcore_barrier()

    def gfire(k, b):
        pltpu.async_copy(h_hbm.at[idx_v.at[k, pl.ds(0, _K)]], rows[b], gs[b])

    def gwait(b):
        pltpu.make_async_copy(h_hbm.at[pl.ds(0, _K)], rows[b], gs[b]).wait()

    def sfire(k, b):
        pltpu.async_copy(rows[b], acc.at[idx_v.at[k, pl.ds(_K, _K)]], ss[b],
                         add=True)

    def swait(b):
        pltpu.make_async_copy(h_hbm.at[pl.ds(0, _K)], rows[b], ss[b]).wait()

    def run_half():
        gfire(0, 0)
        gwait(0)
        sfire(0, 0)
        gfire(1, 1)

        def body(j, carry):
            for t in range(2):
                k = 2 * j + 1 + t
                b = (1 + t) % 2
                gwait(b)
                swait(t)
                sfire(k, b)
                gfire(k + 1, t)
            return carry

        lax.fori_loop(0, (_NCHH - 2) // 2, body, 0)
        gwait(1)
        swait(0)
        sfire(_NCHH - 1, 1)
        swait(1)

    run_half()
    pltpu.sync_copy(idx2_hbm.at[c, pl.ds(rbase + _NCHH, _NCHH)], idx_v)
    run_half()
    plsc.subcore_barrier()
    for i in range(_NRC):
        b = i % 2
        r0 = s * _RPT + i * _RC
        if i >= 2:
            pltpu.make_async_copy(rows[b], out_hbm.at[pl.ds(c * _NP, _RC)],
                                  gs[b]).wait()
        pltpu.sync_copy(acc.at[pl.ds(r0, _RC)], rows[b])
        pltpu.async_copy(rows[b], out_hbm.at[pl.ds(c * _NP + r0, _RC)], gs[b])
    for b in range(2):
        pltpu.make_async_copy(rows[b], out_hbm.at[pl.ds(c * _NP, _RC)],
                              gs[b]).wait()


_agg_call = pl.kernel(
    _agg_body,
    out_type=jax.ShapeDtypeStruct((_NC * _NP, _DH), jnp.float32),
    mesh=_MESH,
    scratch_types=[
        pltpu.VMEM_SHARED((_NP, _DH), jnp.float32),
        pltpu.VMEM((_NCHH, 2 * _K), jnp.int32),
        pltpu.VMEM((_K, _DH), jnp.float32),
        pltpu.VMEM((_K, _DH), jnp.float32),
        pltpu.SemaphoreType.DMA,
        pltpu.SemaphoreType.DMA,
        pltpu.SemaphoreType.DMA,
        pltpu.SemaphoreType.DMA,
        pltpu.SemaphoreType.DMA,
    ],
)


_B = 1000
_G = _N // _B


def _dinv_from(dg_ref):
    dsum = dg_ref[0, :, 0:1] + dg_ref[1, :, 0:1] + 1.0
    return lax.rsqrt(dsum)


def _lin1_body(x_ref, w_ref, dg_ref, out_ref):
    h = jnp.dot(x_ref[...], w_ref[...], preferred_element_type=jnp.float32)
    ht = h * _dinv_from(dg_ref)
    out_ref[0] = ht[:, :_DH]
    out_ref[1] = ht[:, _DH:]


def _lin2_body(s_ref, h_ref, dg_ref, w_ref, b1_ref, out_ref):
    dinv = _dinv_from(dg_ref)
    xa = jnp.maximum(dinv * (s_ref[0] + h_ref[0]) + b1_ref[:, :_DH], 0.0)
    xb = jnp.maximum(dinv * (s_ref[1] + h_ref[1]) + b1_ref[:, _DH:], 0.0)
    x2 = jnp.concatenate([xa, xb], axis=1)
    h2 = jnp.dot(x2, w_ref[...], preferred_element_type=jnp.float32)
    ht = h2 * dinv
    out_ref[0] = ht[:, :_DH]
    out_ref[1] = ht[:, _DH:]


def _fin_body(s_ref, h_ref, dg_ref, b2_ref, out_ref):
    dinv = _dinv_from(dg_ref)
    oa = dinv * (s_ref[0] + h_ref[0]) + b2_ref[:, :_DH]
    ob = dinv * (s_ref[1] + h_ref[1]) + b2_ref[:, _DH:]
    out_ref[...] = jnp.concatenate([oa, ob], axis=1)


_half_spec = pl.BlockSpec((2, _B, _DH), lambda i: (0, i, 0))
_w_spec = pl.BlockSpec((_D, _D), lambda i: (0, 0))
_b_spec = pl.BlockSpec((1, _D), lambda i: (0, 0))
_half_out = jax.ShapeDtypeStruct((2, _N, _DH), jnp.float32)

_lin1_call = pl.pallas_call(
    _lin1_body,
    grid=(_G,),
    in_specs=[pl.BlockSpec((_B, _D), lambda i: (i, 0)), _w_spec, _half_spec],
    out_specs=_half_spec,
    out_shape=_half_out,
)

_lin2_call = pl.pallas_call(
    _lin2_body,
    grid=(_G,),
    in_specs=[_half_spec, _half_spec, _half_spec, _w_spec, _b_spec],
    out_specs=_half_spec,
    out_shape=_half_out,
)

_fin_call = pl.pallas_call(
    _fin_body,
    grid=(_G,),
    in_specs=[_half_spec, _half_spec, _half_spec, _b_spec],
    out_specs=pl.BlockSpec((_B, _D), lambda i: (i, 0)),
    out_shape=jax.ShapeDtypeStruct((_N, _D), jnp.float32),
)


def kernel(x, edge_index, W1, b1, W2, b2):
    assert x.shape == (_N, _D) and edge_index.shape == (2, _E)
    src = edge_index[0].astype(jnp.int32)
    dst = edge_index[1].astype(jnp.int32)
    pad = _EPAD - _E
    src_p = jnp.concatenate([src, jnp.zeros((pad,), jnp.int32)])
    dst_p = jnp.concatenate([dst, jnp.full((pad,), _N, jnp.int32)])
    srcv = src_p.reshape(_NROW, _K)
    dstv = dst_p.reshape(_NROW, _K)
    dstd = dst_p.reshape(_NROWD, _KD)
    idx2 = jnp.stack([jnp.concatenate([srcv, dstv], axis=1),
                      jnp.concatenate([srcv + _N, dstv], axis=1)])
    zeros_h = jnp.zeros((_RC, _DH), jnp.float32)
    ones_d = jnp.ones((_KD, _DH), jnp.float32)

    deg2 = _deg_call(dstd, ones_d, zeros_h).reshape(_NC, _NP, _DH)
    h1 = _lin1_call(x, W1, deg2)
    s1 = _agg_call(h1.reshape(_NC * _N, _DH), idx2, zeros_h)
    h2 = _lin2_call(s1.reshape(_NC, _NP, _DH), h1, deg2, W2,
                    b1.reshape(1, _D))
    s2 = _agg_call(h2.reshape(_NC * _N, _DH), idx2, zeros_h)
    return _fin_call(s2.reshape(_NC, _NP, _DH), h2, deg2, b2.reshape(1, _D))

# --- scband reference (transcript-rebuilt; emitter-appended) ---
"""Pipeline reference for scband-gcn-43671227466240 (READ-ONLY COPY).

The authoritative reference and input builder live on the scoring server;
editing this copy changes nothing except your own understanding.
"""

import jax, jax.numpy as jnp
import numpy as np

N_NODES = 10000
D_IN = 256
D_HID = 256
D_OUT = 256
N_EDGES = 160000


def _gcn_conv(x, src, dst, W, b, n):
    # PyG GCNConv with normalize=True, add_self_loops=True (eval mode)
    loop = jnp.arange(n, dtype=src.dtype)
    src2 = jnp.concatenate([src, loop])
    dst2 = jnp.concatenate([dst, loop])
    ew = jnp.ones(src2.shape[0], dtype=x.dtype)
    deg = jax.ops.segment_sum(ew, dst2, num_segments=n)
    deg_inv_sqrt = jnp.where(deg > 0, deg ** -0.5, 0.0)
    norm = deg_inv_sqrt[src2] * ew * deg_inv_sqrt[dst2]
    h = x @ W  # linear transform first (PyG order)
    msg = h[src2] * norm[:, None]
    out = jax.ops.segment_sum(msg, dst2, num_segments=n)
    return out + b


def setup_inputs(seed: int = 0) -> dict:
    key = jax.random.key(seed)
    k1, k2, k3, k4, k5 = jax.random.split(key, 5)
    x = jax.random.normal(k1, (N_NODES, D_IN), dtype=jnp.float32)
    edge_index = jax.random.randint(k2, (2, N_EDGES), 0, N_NODES, dtype=jnp.int64)
    # Glorot-initialized weights per GCNConv defaults
    W1 = jax.random.normal(k3, (D_IN, D_HID), dtype=jnp.float32) * (2.0 / (D_IN + D_HID)) ** 0.5
    b1 = jnp.zeros((D_HID,), dtype=jnp.float32)
    W2 = jax.random.normal(k4, (D_HID, D_OUT), dtype=jnp.float32) * (2.0 / (D_HID + D_OUT)) ** 0.5
    b2 = jnp.zeros((D_OUT,), dtype=jnp.float32)
    return {"x": x, "edge_index": edge_index, "W1": W1, "b1": b1, "W2": W2, "b2": b2}


def reference(x, edge_index, W1, b1, W2, b2):
    n = x.shape[0]
    src, dst = edge_index[0], edge_index[1]
    h = _gcn_conv(x, src, dst, W1, b1, n)
    h = jax.nn.relu(h)
    # dropout is identity in eval mode
    out = _gcn_conv(h, src, dst, W2, b2, n)
    return out

if __name__ == "__main__":
    import jax
    _d = setup_inputs()
    print(jax.jit(kernel)(*tuple(_d.values())))

</pallas_src>

<mosaic_0001>
#map = affine_map<(d0, d1) -> (0, 0)>
#map1 = affine_map<(d0, d1) -> (0, 0, 0)>
module attributes {stable_mosaic.version = 14 : i64} {
  func.func @_agg_body(%arg0: i32, %arg1: i32, %arg2: memref<20000x128xf32, #tpu.memory_space<hbm>>, %arg3: memref<2x1280x256xi32, #tpu.memory_space<hbm>>, %arg4: memref<128x128xf32, #tpu.memory_space<hbm>>, %arg5: memref<20480x128xf32, #tpu.memory_space<hbm>>, %arg6: memref<10240x128xf32, #tpu.memory_space<vmem_shared>>, %arg7: memref<40x256xi32, #tpu.memory_space<vmem>>, %arg8: memref<128x128xf32, #tpu.memory_space<vmem>>, %arg9: memref<128x128xf32, #tpu.memory_space<vmem>>, %arg10: memref<!tpu.dma_semaphore, #tpu.memory_space<semaphore_mem>>, %arg11: memref<!tpu.dma_semaphore, #tpu.memory_space<semaphore_mem>>, %arg12: memref<!tpu.dma_semaphore, #tpu.memory_space<semaphore_mem>>, %arg13: memref<!tpu.dma_semaphore, #tpu.memory_space<semaphore_mem>>, %arg14: memref<!tpu.dma_semaphore, #tpu.memory_space<semaphore_mem>>) attributes {dimension_semantics = [#tpu.dimension_semantics<core_parallel>, #tpu.dimension_semantics<subcore_parallel>], iteration_bounds = array<i64: 2, 16>, scalar_prefetch = 0 : i64, scratch_operands = 9 : i64, tpu.core_type = #tpu.core_type<sc_vector_subcore>, window_params = [{transform_indices = #map}, {transform_indices = #map1}, {transform_indices = #map}, {transform_indices = #map}]} {
    %mul3A = arith.constant 80 : i32
    %mul3A_0 = arith.muli %arg1, %mul3A : i32
    %dma_start3A = arith.constant 0 : i32
    %dma_start3A_1 = tpu.memref_slice %arg3[%arg0, %mul3A_0, %dma_start3A] : memref<2x1280x256xi32, #tpu.memory_space<hbm>> -> memref<1x40x256xi32, #tpu.memory_space<hbm>>
    %dma_start3A_2 = tpu.memref_squeeze %dma_start3A_1 : memref<1x40x256xi32, #tpu.memory_space<hbm>> -> memref<40x256xi32, #tpu.memory_space<hbm>>
    %dma_start3A_3 = arith.constant 0 : i32
    %dma_start3A_4 = tpu.memref_slice %arg3[%arg0, %mul3A_0, %dma_start3A_3] : memref<2x1280x256xi32, #tpu.memory_space<hbm>> -> memref<1x40x256xi32, #tpu.memory_space<hbm>>
    %dma_start3A_5 = tpu.memref_squeeze %dma_start3A_4 : memref<1x40x256xi32, #tpu.memory_space<hbm>> -> memref<40x256xi32, #tpu.memory_space<hbm>>
    tpu.enqueue_dma source(%dma_start3A_5 : memref<40x256xi32, #tpu.memory_space<hbm>>) target(%arg7 : memref<40x256xi32, #tpu.memory_space<vmem>>) target_semaphore(%arg14 : memref<!tpu.dma_semaphore, #tpu.memory_space<semaphore_mem>>)
    "tpu.region"() ({
      %run_scoped3A = tpu.sem_alloc : memref<!tpu.dma_semaphore, #tpu.memory_space<semaphore_mem>>
      tpu.enqueue_dma source(%arg4 : memref<128x128xf32, #tpu.memory_space<hbm>>) target(%arg8 : memref<128x128xf32, #tpu.memory_space<vmem>>) target_semaphore(%run_scoped3A : memref<!tpu.dma_semaphore, #tpu.memory_space<semaphore_mem>>)
      tpu.wait_dma2 semaphore(%run_scoped3A : memref<!tpu.dma_semaphore, #tpu.memory_space<semaphore_mem>>) src(%arg4 : memref<128x128xf32, #tpu.memory_space<hbm>>) dst(%arg8 : memref<128x128xf32, #tpu.memory_space<vmem>>)
      tpu.yield
    }) : () -> ()
    %mul3A_6 = arith.constant 640 : i32
    %mul3A_7 = arith.muli %arg1, %mul3A_6 : i32
    %add3A = arith.constant 0 : i32
    %add3A_8 = arith.addi %mul3A_7, %add3A : i32
    %dma_start3A_9 = arith.constant 0 : i32
    %dma_start3A_10 = tpu.memref_slice %arg6[%add3A_8, %dma_start3A_9] : memref<10240x128xf32, #tpu.memory_space<vmem_shared>> -> memref<128x128xf32, #tpu.memory_space<vmem_shared>>
    %dma_start3A_11 = arith.constant 0 : i32
    %dma_start3A_12 = tpu.memref_slice %arg6[%add3A_8, %dma_start3A_11] : memref<10240x128xf32, #tpu.memory_space<vmem_shared>> -> memref<128x128xf32, #tpu.memory_space<vmem_shared>>
    tpu.enqueue_dma source(%arg8 : memref<128x128xf32, #tpu.memory_space<vmem>>) target(%dma_start3A_12 : memref<128x128xf32, #tpu.memory_space<vmem_shared>>) target_semaphore(%arg12 : memref<!tpu.dma_semaphore, #tpu.memory_space<semaphore_mem>>)
    %mul3A_13 = arith.constant 640 : i32
    %mul3A_14 = arith.muli %arg1, %mul3A_13 : i32
    %add3A_15 = arith.constant 128 : i32
    %add3A_16 = arith.addi %mul3A_14, %add3A_15 : i32
    %dma_start3A_17 = arith.constant 0 : i32
    %dma_start3A_18 = tpu.memref_slice %arg6[%add3A_16, %dma_start3A_17] : memref<10240x128xf32, #tpu.memory_space<vmem_shared>> -> memref<128x128xf32, #tpu.memory_space<vmem_shared>>
    %dma_start3A_19 = arith.constant 0 : i32
    %dma_start3A_20 = tpu.memref_slice %arg6[%add3A_16, %dma_start3A_19] : memref<10240x128xf32, #tpu.memory_space<vmem_shared>> -> memref<128x128xf32, #tpu.memory_space<vmem_shared>>
    tpu.enqueue_dma source(%arg8 : memref<128x128xf32, #tpu.memory_space<vmem>>) target(%dma_start3A_20 : memref<128x128xf32, #tpu.memory_space<vmem_shared>>) target_semaphore(%arg13 : memref<!tpu.dma_semaphore, #tpu.memory_space<semaphore_mem>>)
    %mul3A_21 = arith.constant 640 : i32
    %mul3A_22 = arith.muli %arg1, %mul3A_21 : i32
    %dma_wait3A = arith.constant 0 : i32
    %dma_wait3A_23 = tpu.memref_slice %arg6[%mul3A_22, %dma_wait3A] : memref<10240x128xf32, #tpu.memory_space<vmem_shared>> -> memref<128x128xf32, #tpu.memory_space<vmem_shared>>
    %dma_wait3A_24 = arith.constant 0 : i32
    %dma_wait3A_25 = tpu.memref_slice %arg6[%mul3A_22, %dma_wait3A_24] : memref<10240x128xf32, #tpu.memory_space<vmem_shared>> -> memref<128x128xf32, #tpu.memory_space<vmem_shared>>
    tpu.wait_dma2 semaphore(%arg12 : memref<!tpu.dma_semaphore, #tpu.memory_space<semaphore_mem>>) src(%arg8 : memref<128x128xf32, #tpu.memory_space<vmem>>) dst(%dma_wait3A_25 : memref<128x128xf32, #tpu.memory_space<vmem_shared>>)
    %mul3A_26 = arith.constant 640 : i32
    %mul3A_27 = arith.muli %arg1, %mul3A_26 : i32
    %add3A_28 = arith.constant 256 : i32
    %add3A_29 = arith.addi %mul3A_27, %add3A_28 : i32
    %dma_start3A_30 = arith.constant 0 : i32
    %dma_start3A_31 = tpu.memref_slice %arg6[%add3A_29, %dma_start3A_30] : memref<10240x128xf32, #tpu.memory_space<vmem_shared>> -> memref<128x128xf32, #tpu.memory_space<vmem_shared>>
    %dma_start3A_32 = arith.constant 0 : i32
    %dma_start3A_33 = tpu.memref_slice %arg6[%add3A_29, %dma_start3A_32] : memref<10240x128xf32, #tpu.memory_space<vmem_shared>> -> memref<128x128xf32, #tpu.memory_space<vmem_shared>>
    tpu.enqueue_dma source(%arg8 : memref<128x128xf32, #tpu.memory_space<vmem>>) target(%dma_start3A_33 : memref<128x128xf32, #tpu.memory_space<vmem_shared>>) target_semaphore(%arg12 : memref<!tpu.dma_semaphore, #tpu.memory_space<semaphore_mem>>)
    %mul3A_34 = arith.constant 640 : i32
    %mul3A_35 = arith.muli %arg1, %mul3A_34 : i32
    %dma_wait3A_36 = arith.constant 0 : i32
    %dma_wait3A_37 = tpu.memref_slice %arg6[%mul3A_35, %dma_wait3A_36] : memref<10240x128xf32, #tpu.memory_space<vmem_shared>> -> memref<128x128xf32, #tpu.memory_space<vmem_shared>>
    %dma_wait3A_38 = arith.constant 0 : i32
    %dma_wait3A_39 = tpu.memref_slice %arg6[%mul3A_35, %dma_wait3A_38] : memref<10240x128xf32, #tpu.memory_space<vmem_shared>> -> memref<128x128xf32, #tpu.memory_space<vmem_shared>>
    tpu.wait_dma2 semaphore(%arg13 : memref<!tpu.dma_semaphore, #tpu.memory_space<semaphore_mem>>) src(%arg8 : memref<128x128xf32, #tpu.memory_space<vmem>>) dst(%dma_wait3A_39 : memref<128x128xf32, #tpu.memory_space<vmem_shared>>)
    %mul3A_40 = arith.constant 640 : i32
    %mul3A_41 = arith.muli %arg1, %mul3A_40 : i32
    %add3A_42 = arith.constant 384 : i32
    %add3A_43 = arith.addi %mul3A_41, %add3A_42 : i32
    %dma_start3A_44 = arith.constant 0 : i32
    %dma_start3A_45 = tpu.memref_slice %arg6[%add3A_43, %dma_start3A_44] : memref<10240x128xf32, #tpu.memory_space<vmem_shared>> -> memref<128x128xf32, #tpu.memory_space<vmem_shared>>
    %dma_start3A_46 = arith.constant 0 : i32
    %dma_start3A_47 = tpu.memref_slice %arg6[%add3A_43, %dma_start3A_46] : memref<10240x128xf32, #tpu.memory_space<vmem_shared>> -> memref<128x128xf32, #tpu.memory_space<vmem_shared>>
    tpu.enqueue_dma source(%arg8 : memref<128x128xf32, #tpu.memory_space<vmem>>) target(%dma_start3A_47 : memref<128x128xf32, #tpu.memory_space<vmem_shared>>) target_semaphore(%arg13 : memref<!tpu.dma_semaphore, #tpu.memory_space<semaphore_mem>>)
    %mul3A_48 = arith.constant 640 : i32
    %mul3A_49 = arith.muli %arg1, %mul3A_48 : i32
    %dma_wait3A_50 = arith.constant 0 : i32
    %dma_wait3A_51 = tpu.memref_slice %arg6[%mul3A_49, %dma_wait3A_50] : memref<10240x128xf32, #tpu.memory_space<vmem_shared>> -> memref<128x128xf32, #tpu.memory_space<vmem_shared>>
    %dma_wait3A_52 = arith.constant 0 : i32
    %dma_wait3A_53 = tpu.memref_slice %arg6[%mul3A_49, %dma_wait3A_52] : memref<10240x128xf32, #tpu.memory_space<vmem_shared>> -> memref<128x128xf32, #tpu.memory_space<vmem_shared>>
    tpu.wait_dma2 semaphore(%arg12 : memref<!tpu.dma_semaphore, #tpu.memory_space<semaphore_mem>>) src(%arg8 : memref<128x128xf32, #tpu.memory_space<vmem>>) dst(%dma_wait3A_53 : memref<128x128xf32, #tpu.memory_space<vmem_shared>>)
    %mul3A_54 = arith.constant 640 : i32
    %mul3A_55 = arith.muli %arg1, %mul3A_54 : i32
    %add3A_56 = arith.constant 512 : i32
    %add3A_57 = arith.addi %mul3A_55, %add3A_56 : i32
    %dma_start3A_58 = arith.constant 0 : i32
    %dma_start3A_59 = tpu.memref_slice %arg6[%add3A_57, %dma_start3A_58] : memref<10240x128xf32, #tpu.memory_space<vmem_shared>> -> memref<128x128xf32, #tpu.memory_space<vmem_shared>>
    %dma_start3A_60 = arith.constant 0 : i32
    %dma_start3A_61 = tpu.memref_slice %arg6[%add3A_57, %dma_start3A_60] : memref<10240x128xf32, #tpu.memory_space<vmem_shared>> -> memref<128x128xf32, #tpu.memory_space<vmem_shared>>
    tpu.enqueue_dma source(%arg8 : memref<128x128xf32, #tpu.memory_space<vmem>>) target(%dma_start3A_61 : memref<128x128xf32, #tpu.memory_space<vmem_shared>>) target_semaphore(%arg12 : memref<!tpu.dma_semaphore, #tpu.memory_space<semaphore_mem>>)
    %mul3A_62 = arith.constant 640 : i32
    %mul3A_63 = arith.muli %arg1, %mul3A_62 : i32
    %dma_wait3A_64 = arith.constant 0 : i32
    %dma_wait3A_65 = tpu.memref_slice %arg6[%mul3A_63, %dma_wait3A_64] : memref<10240x128xf32, #tpu.memory_space<vmem_shared>> -> memref<128x128xf32, #tpu.memory_space<vmem_shared>>
    %dma_wait3A_66 = arith.constant 0 : i32
    %dma_wait3A_67 = tpu.memref_slice %arg6[%mul3A_63, %dma_wait3A_66] : memref<10240x128xf32, #tpu.memory_space<vmem_shared>> -> memref<128x128xf32, #tpu.memory_space<vmem_shared>>
    tpu.wait_dma2 semaphore(%arg12 : memref<!tpu.dma_semaphore, #tpu.memory_space<semaphore_mem>>) src(%arg8 : memref<128x128xf32, #tpu.memory_space<vmem>>) dst(%dma_wait3A_67 : memref<128x128xf32, #tpu.memory_space<vmem_shared>>)
    %mul3A_68 = arith.constant 640 : i32
    %mul3A_69 = arith.muli %arg1, %mul3A_68 : i32
    %dma_wait3A_70 = arith.constant 0 : i32
    %dma_wait3A_71 = tpu.memref_slice %arg6[%mul3A_69, %dma_wait3A_70] : memref<10240x128xf32, #tpu.memory_space<vmem_shared>> -> memref<128x128xf32, #tpu.memory_space<vmem_shared>>
    %dma_wait3A_72 = arith.constant 0 : i32
    %dma_wait3A_73 = tpu.memref_slice %arg6[%mul3A_69, %dma_wait3A_72] : memref<10240x128xf32, #tpu.memory_space<vmem_shared>> -> memref<128x128xf32, #tpu.memory_space<vmem_shared>>
    tpu.wait_dma2 semaphore(%arg13 : memref<!tpu.dma_semaphore, #tpu.memory_space<semaphore_mem>>) src(%arg8 : memref<128x128xf32, #tpu.memory_space<vmem>>) dst(%dma_wait3A_73 : memref<128x128xf32, #tpu.memory_space<vmem_shared>>)
    %dma_wait3A_74 = arith.constant 0 : i32
    %dma_wait3A_75 = arith.constant 0 : i32
    %dma_wait3A_76 = tpu.memref_slice %arg3[%arg0, %dma_wait3A_74, %dma_wait3A_75] : memref<2x1280x256xi32, #tpu.memory_space<hbm>> -> memref<1x40x256xi32, #tpu.memory_space<hbm>>
    %dma_wait3A_77 = tpu.memref_squeeze %dma_wait3A_76 : memref<1x40x256xi32, #tpu.memory_space<hbm>> -> memref<40x256xi32, #tpu.memory_space<hbm>>
    %dma_wait3A_78 = arith.constant 0 : i32
    %dma_wait3A_79 = arith.constant 0 : i32
    %dma_wait3A_80 = tpu.memref_slice %arg3[%arg0, %dma_wait3A_78, %dma_wait3A_79] : memref<2x1280x256xi32, #tpu.memory_space<hbm>> -> memref<1x40x256xi32, #tpu.memory_space<hbm>>
    %dma_wait3A_81 = tpu.memref_squeeze %dma_wait3A_80 : memref<1x40x256xi32, #tpu.memory_space<hbm>> -> memref<40x256xi32, #tpu.memory_space<hbm>>
    tpu.wait_dma2 semaphore(%arg14 : memref<!tpu.dma_semaphore, #tpu.memory_space<semaphore_mem>>) src(%dma_wait3A_81 : memref<40x256xi32, #tpu.memory_space<hbm>>) dst(%arg7 : memref<40x256xi32, #tpu.memory_space<vmem>>)
    %barrier3A = arith.constant 0 : index
    tpu.barrier barrier_id(%barrier3A)
    %dma_start3A_82 = arith.constant 0 : i32
    %dma_start3A_83 = arith.constant 0 : i32
    %dma_start3A_84 = tpu.memref_slice %arg7[%dma_start3A_82, %dma_start3A_83] : memref<40x256xi32, #tpu.memory_space<vmem>> -> memref<1x128xi32, #tpu.memory_space<vmem>>
    %dma_start3A_85 = tpu.memref_squeeze %dma_start3A_84 : memref<1x128xi32, #tpu.memory_space<vmem>> -> memref<128xi32, #tpu.memory_space<vmem>>
    %dma_start3A_86 = arith.constant 0 : i32
    %dma_start3A_87 = arith.constant 0 : i32
    %dma_start3A_88 = tpu.memref_slice %arg2[%dma_start3A_86, %dma_start3A_87] : memref<20000x128xf32, #tpu.memory_space<hbm>> -> memref<20000x128xf32, #tpu.memory_space<hbm>>
    tpu.enqueue_indirect_dma source(%dma_start3A_88 : memref<20000x128xf32, #tpu.memory_space<hbm>>) target(%arg8 : memref<128x128xf32, #tpu.memory_space<vmem>>) offsets(%dma_start3A_85 : memref<128xi32, #tpu.memory_space<vmem>>) semaphore(%arg10 : memref<!tpu.dma_semaphore, #tpu.memory_space<semaphore_mem>>)
    %dma_wait3A_89 = arith.constant 0 : i32
    %dma_wait3A_90 = arith.constant 0 : i32
    %dma_wait3A_91 = tpu.memref_slice %arg2[%dma_wait3A_89, %dma_wait3A_90] : memref<20000x128xf32, #tpu.memory_space<hbm>> -> memref<128x128xf32, #tpu.memory_space<hbm>>
    %dma_wait3A_92 = arith.constant 0 : i32
    %dma_wait3A_93 = arith.constant 0 : i32
    %dma_wait3A_94 = tpu.memref_slice %arg2[%dma_wait3A_92, %dma_wait3A_93] : memref<20000x128xf32, #tpu.memory_space<hbm>> -> memref<128x128xf32, #tpu.memory_space<hbm>>
    tpu.wait_dma2 semaphore(%arg10 : memref<!tpu.dma_semaphore, #tpu.memory_space<semaphore_mem>>) src(%dma_wait3A_94 : memref<128x128xf32, #tpu.memory_space<hbm>>) dst(%arg8 : memref<128x128xf32, #tpu.memory_space<vmem>>)
    %dma_start3A_95 = arith.constant 0 : i32
    %dma_start3A_96 = arith.constant 128 : i32
    %dma_start3A_97 = tpu.memref_slice %arg7[%dma_start3A_95, %dma_start3A_96] : memref<40x256xi32, #tpu.memory_space<vmem>> -> memref<1x128xi32, #tpu.memory_space<vmem>>
    %dma_start3A_98 = tpu.memref_squeeze %dma_start3A_97 : memref<1x128xi32, #tpu.memory_space<vmem>> -> memref<128xi32, #tpu.memory_space<vmem>>
    %dma_start3A_99 = arith.constant 0 : i32
    %dma_start3A_100 = arith.constant 0 : i32
    %dma_start3A_101 = tpu.memref_slice %arg6[%dma_start3A_99, %dma_start3A_100] : memref<10240x128xf32, #tpu.memory_space<vmem_shared>> -> memref<10240x128xf32, #tpu.memory_space<vmem_shared>>
    tpu.enqueue_indirect_dma source(%arg8 : memref<128x128xf32, #tpu.memory_space<vmem>>) target(%dma_start3A_101 : memref<10240x128xf32, #tpu.memory_space<vmem_shared>>) offsets(%dma_start3A_98 : memref<128xi32, #tpu.memory_space<vmem>>) semaphore(%arg12 : memref<!tpu.dma_semaphore, #tpu.memory_space<semaphore_mem>>) {add = true}
    %dma_start3A_102 = arith.constant 1 : i32
    %dma_start3A_103 = arith.constant 0 : i32
    %dma_start3A_104 = tpu.memref_slice %arg7[%dma_start3A_102, %dma_start3A_103] : memref<40x256xi32, #tpu.memory_space<vmem>> -> memref<1x128xi32, #tpu.memory_space<vmem>>
    %dma_start3A_105 = tpu.memref_squeeze %dma_start3A_104 : memref<1x128xi32, #tpu.memory_space<vmem>> -> memref<128xi32, #tpu.memory_space<vmem>>
    %dma_start3A_106 = arith.constant 0 : i32
    %dma_start3A_107 = arith.constant 0 : i32
    %dma_start3A_108 = tpu.memref_slice %arg2[%dma_start3A_106, %dma_start3A_107] : memref<20000x128xf32, #tpu.memory_space<hbm>> -> memref<20000x128xf32, #tpu.memory_space<hbm>>
    tpu.enqueue_indirect_dma source(%dma_start3A_108 : memref<20000x128xf32, #tpu.memory_space<hbm>>) target(%arg9 : memref<128x128xf32, #tpu.memory_space<vmem>>) offsets(%dma_start3A_105 : memref<128xi32, #tpu.memory_space<vmem>>) semaphore(%arg11 : memref<!tpu.dma_semaphore, #tpu.memory_space<semaphore_mem>>)
    %scan3A = arith.constant 0 : i32
    %scan3A_109 = arith.constant 0 : i32
    %scan3A_110 = arith.constant 19 : i32
    %scan3A_111 = arith.addi %scan3A_109, %scan3A_110 : i32
    %scan3A_112 = arith.constant 1 : i32
    scf.for %scan3A_285 = %scan3A_109 to %scan3A_111 step %scan3A_112  : i32 {
      %mul3A_286 = arith.constant 2 : i32
      %mul3A_287 = arith.muli %mul3A_286, %scan3A_285 : i32
      %add3A_288 = arith.constant 1 : i32
      %add3A_289 = arith.addi %mul3A_287, %add3A_288 : i32
      %add3A_290 = arith.constant 0 : i32
      %add3A_291 = arith.addi %add3A_289, %add3A_290 : i32
      %dma_wait3A_292 = arith.constant 0 : i32
      %dma_wait3A_293 = arith.constant 0 : i32
      %dma_wait3A_294 = tpu.memref_slice %arg2[%dma_wait3A_292, %dma_wait3A_293] : memref<20000x128xf32, #tpu.memory_space<hbm>> -> memref<128x128xf32, #tpu.memory_space<hbm>>
      %dma_wait3A_295 = arith.constant 0 : i32
      %dma_wait3A_296 = arith.constant 0 : i32
      %dma_wait3A_297 = tpu.memref_slice %arg2[%dma_wait3A_295, %dma_wait3A_296] : memref<20000x128xf32, #tpu.memory_space<hbm>> -> memref<128x128xf32, #tpu.memory_space<hbm>>
      tpu.wait_dma2 semaphore(%arg11 : memref<!tpu.dma_semaphore, #tpu.memory_space<semaphore_mem>>) src(%dma_wait3A_297 : memref<128x128xf32, #tpu.memory_space<hbm>>) dst(%arg9 : memref<128x128xf32, #tpu.memory_space<vmem>>)
      %dma_wait3A_298 = arith.constant 0 : i32
      %dma_wait3A_299 = arith.constant 0 : i32
      %dma_wait3A_300 = tpu.memref_slice %arg2[%dma_wait3A_298, %dma_wait3A_299] : memref<20000x128xf32, #tpu.memory_space<hbm>> -> memref<128x128xf32, #tpu.memory_space<hbm>>
      %dma_wait3A_301 = arith.constant 0 : i32
      %dma_wait3A_302 = arith.constant 0 : i32
      %dma_wait3A_303 = tpu.memref_slice %arg2[%dma_wait3A_301, %dma_wait3A_302] : memref<20000x128xf32, #tpu.memory_space<hbm>> -> memref<128x128xf32, #tpu.memory_space<hbm>>
      tpu.wait_dma2 semaphore(%arg12 : memref<!tpu.dma_semaphore, #tpu.memory_space<semaphore_mem>>) src(%dma_wait3A_303 : memref<128x128xf32, #tpu.memory_space<hbm>>) dst(%arg8 : memref<128x128xf32, #tpu.memory_space<vmem>>)
      %dma_start3A_304 = arith.constant 128 : i32
      %dma_start3A_305 = tpu.memref_slice %arg7[%add3A_291, %dma_start3A_304] : memref<40x256xi32, #tpu.memory_space<vmem>> -> memref<1x128xi32, #tpu.memory_space<vmem>>
      %dma_start3A_306 = tpu.memref_squeeze %dma_start3A_305 : memref<1x128xi32, #tpu.memory_space<vmem>> -> memref<128xi32, #tpu.memory_space<vmem>>
      %dma_start3A_307 = arith.constant 0 : i32
      %dma_start3A_308 = arith.constant 0 : i32
      %dma_start3A_309 = tpu.memref_slice %arg6[%dma_start3A_307, %dma_start3A_308] : memref<10240x128xf32, #tpu.memory_space<vmem_shared>> -> memref<10240x128xf32, #tpu.memory_space<vmem_shared>>
      tpu.enqueue_indirect_dma source(%arg9 : memref<128x128xf32, #tpu.memory_space<vmem>>) target(%dma_start3A_309 : memref<10240x128xf32, #tpu.memory_space<vmem_shared>>) offsets(%dma_start3A_306 : memref<128xi32, #tpu.memory_space<vmem>>) semaphore(%arg13 : memref<!tpu.dma_semaphore, #tpu.memory_space<semaphore_mem>>) {add = true}
      %add3A_310 = arith.constant 1 : i32
      %add3A_311 = arith.addi %add3A_291, %add3A_310 : i32
      %dma_start3A_312 = arith.constant 0 : i32
      %dma_start3A_313 = tpu.memref_slice %arg7[%add3A_311, %dma_start3A_312] : memref<40x256xi32, #tpu.memory_space<vmem>> -> memref<1x128xi32, #tpu.memory_space<vmem>>
      %dma_start3A_314 = tpu.memref_squeeze %dma_start3A_313 : memref<1x128xi32, #tpu.memory_space<vmem>> -> memref<128xi32, #tpu.memory_space<vmem>>
      %dma_start3A_315 = arith.constant 0 : i32
      %dma_start3A_316 = arith.constant 0 : i32
      %dma_start3A_317 = tpu.memref_slice %arg2[%dma_start3A_315, %dma_start3A_316] : memref<20000x128xf32, #tpu.memory_space<hbm>> -> memref<20000x128xf32, #tpu.memory_space<hbm>>
      tpu.enqueue_indirect_dma source(%dma_start3A_317 : memref<20000x128xf32, #tpu.memory_space<hbm>>) target(%arg8 : memref<128x128xf32, #tpu.memory_space<vmem>>) offsets(%dma_start3A_314 : memref<128xi32, #tpu.memory_space<vmem>>) semaphore(%arg10 : memref<!tpu.dma_semaphore, #tpu.memory_space<semaphore_mem>>)
      %mul3A_318 = arith.constant 2 : i32
      %mul3A_319 = arith.muli %mul3A_318, %scan3A_285 : i32
      %add3A_320 = arith.constant 1 : i32
      %add3A_321 = arith.addi %mul3A_319, %add3A_320 : i32
      %add3A_322 = arith.constant 1 : i32
      %add3A_323 = arith.addi %add3A_321, %add3A_322 : i32
      %dma_wait3A_324 = arith.constant 0 : i32
      %dma_wait3A_325 = arith.constant 0 : i32
      %dma_wait3A_326 = tpu.memref_slice %arg2[%dma_wait3A_324, %dma_wait3A_325] : memref<20000x128xf32, #tpu.memory_space<hbm>> -> memref<128x128xf32, #tpu.memory_space<hbm>>
      %dma_wait3A_327 = arith.constant 0 : i32
      %dma_wait3A_328 = arith.constant 0 : i32
      %dma_wait3A_329 = tpu.memref_slice %arg2[%dma_wait3A_327, %dma_wait3A_328] : memref<20000x128xf32, #tpu.memory_space<hbm>> -> memref<128x128xf32, #tpu.memory_space<hbm>>
      tpu.wait_dma2 semaphore(%arg10 : memref<!tpu.dma_semaphore, #tpu.memory_space<semaphore_mem>>) src(%dma_wait3A_329 : memref<128x128xf32, #tpu.memory_space<hbm>>) dst(%arg8 : memref<128x128xf32, #tpu.memory_space<vmem>>)
      %dma_wait3A_330 = arith.constant 0 : i32
      %dma_wait3A_331 = arith.constant 0 : i32
      %dma_wait3A_332 = tpu.memref_slice %arg2[%dma_wait3A_330, %dma_wait3A_331] : memref<20000x128xf32, #tpu.memory_space<hbm>> -> memref<128x128xf32, #tpu.memory_space<hbm>>
      %dma_wait3A_333 = arith.constant 0 : i32
      %dma_wait3A_334 = arith.constant 0 : i32
      %dma_wait3A_335 = tpu.memref_slice %arg2[%dma_wait3A_333, %dma_wait3A_334] : memref<20000x128xf32, #tpu.memory_space<hbm>> -> memref<128x128xf32, #tpu.memory_space<hbm>>
      tpu.wait_dma2 semaphore(%arg13 : memref<!tpu.dma_semaphore, #tpu.memory_space<semaphore_mem>>) src(%dma_wait3A_335 : memref<128x128xf32, #tpu.memory_space<hbm>>) dst(%arg9 : memref<128x128xf32, #tpu.memory_space<vmem>>)
      %dma_start3A_336 = arith.constant 128 : i32
      %dma_start3A_337 = tpu.memref_slice %arg7[%add3A_323, %dma_start3A_336] : memref<40x256xi32, #tpu.memory_space<vmem>> -> memref<1x128xi32, #tpu.memory_space<vmem>>
      %dma_start3A_338 = tpu.memref_squeeze %dma_start3A_337 : memref<1x128xi32, #tpu.memory_space<vmem>> -> memref<128xi32, #tpu.memory_space<vmem>>
      %dma_start3A_339 = arith.constant 0 : i32
      %dma_start3A_340 = arith.constant 0 : i32
      %dma_start3A_341 = tpu.memref_slice %arg6[%dma_start3A_339, %dma_start3A_340] : memref<10240x128xf32, #tpu.memory_space<vmem_shared>> -> memref<10240x128xf32, #tpu.memory_space<vmem_shared>>
      tpu.enqueue_indirect_dma source(%arg8 : memref<128x128xf32, #tpu.memory_space<vmem>>) target(%dma_start3A_341 : memref<10240x128xf32, #tpu.memory_space<vmem_shared>>) offsets(%dma_start3A_338 : memref<128xi32, #tpu.memory_space<vmem>>) semaphore(%arg12 : memref<!tpu.dma_semaphore, #tpu.memory_space<semaphore_mem>>) {add = true}
      %add3A_342 = arith.constant 1 : i32
      %add3A_343 = arith.addi %add3A_323, %add3A_342 : i32
      %dma_start3A_344 = arith.constant 0 : i32
      %dma_start3A_345 = tpu.memref_slice %arg7[%add3A_343, %dma_start3A_344] : memref<40x256xi32, #tpu.memory_space<vmem>> -> memref<1x128xi32, #tpu.memory_space<vmem>>
      %dma_start3A_346 = tpu.memref_squeeze %dma_start3A_345 : memref<1x128xi32, #tpu.memory_space<vmem>> -> memref<128xi32, #tpu.memory_space<vmem>>
      %dma_start3A_347 = arith.constant 0 : i32
      %dma_start3A_348 = arith.constant 0 : i32
      %dma_start3A_349 = tpu.memref_slice %arg2[%dma_start3A_347, %dma_start3A_348] : memref<20000x128xf32, #tpu.memory_space<hbm>> -> memref<20000x128xf32, #tpu.memory_space<hbm>>
      tpu.enqueue_indirect_dma source(%dma_start3A_349 : memref<20000x128xf32, #tpu.memory_space<hbm>>) target(%arg9 : memref<128x128xf32, #tpu.memory_space<vmem>>) offsets(%dma_start3A_346 : memref<128xi32, #tpu.memory_space<vmem>>) semaphore(%arg11 : memref<!tpu.dma_semaphore, #tpu.memory_space<semaphore_mem>>)
    }
    %scan3A_113 = arith.constant 19 : i32
    %dma_wait3A_114 = arith.constant 0 : i32
    %dma_wait3A_115 = arith.constant 0 : i32
    %dma_wait3A_116 = tpu.memref_slice %arg2[%dma_wait3A_114, %dma_wait3A_115] : memref<20000x128xf32, #tpu.memory_space<hbm>> -> memref<128x128xf32, #tpu.memory_space<hbm>>
    %dma_wait3A_117 = arith.constant 0 : i32
    %dma_wait3A_118 = arith.constant 0 : i32
    %dma_wait3A_119 = tpu.memref_slice %arg2[%dma_wait3A_117, %dma_wait3A_118] : memref<20000x128xf32, #tpu.memory_space<hbm>> -> memref<128x128xf32, #tpu.memory_space<hbm>>
    tpu.wait_dma2 semaphore(%arg11 : memref<!tpu.dma_semaphore, #tpu.memory_space<semaphore_mem>>) src(%dma_wait3A_119 : memref<128x128xf32, #tpu.memory_space<hbm>>) dst(%arg9 : memref<128x128xf32, #tpu.memory_space<vmem>>)
    %dma_wait3A_120 = arith.constant 0 : i32
    %dma_wait3A_121 = arith.constant 0 : i32
    %dma_wait3A_122 = tpu.memref_slice %arg2[%dma_wait3A_120, %dma_wait3A_121] : memref<20000x128xf32, #tpu.memory_space<hbm>> -> memref<128x128xf32, #tpu.memory_space<hbm>>
    %dma_wait3A_123 = arith.constant 0 : i32
    %dma_wait3A_124 = arith.constant 0 : i32
    %dma_wait3A_125 = tpu.memref_slice %arg2[%dma_wait3A_123, %dma_wait3A_124] : memref<20000x128xf32, #tpu.memory_space<hbm>> -> memref<128x128xf32, #tpu.memory_space<hbm>>
    tpu.wait_dma2 semaphore(%arg12 : memref<!tpu.dma_semaphore, #tpu.memory_space<semaphore_mem>>) src(%dma_wait3A_125 : memref<128x128xf32, #tpu.memory_space<hbm>>) dst(%arg8 : memref<128x128xf32, #tpu.memory_space<vmem>>)
    %dma_start3A_126 = arith.constant 39 : i32
    %dma_start3A_127 = arith.constant 128 : i32
    %dma_start3A_128 = tpu.memref_slice %arg7[%dma_start3A_126, %dma_start3A_127] : memref<40x256xi32, #tpu.memory_space<vmem>> -> memref<1x128xi32, #tpu.memory_space<vmem>>
    %dma_start3A_129 = tpu.memref_squeeze %dma_start3A_128 : memref<1x128xi32, #tpu.memory_space<vmem>> -> memref<128xi32, #tpu.memory_space<vmem>>
    %dma_start3A_130 = arith.constant 0 : i32
    %dma_start3A_131 = arith.constant 0 : i32
    %dma_start3A_132 = tpu.memref_slice %arg6[%dma_start3A_130, %dma_start3A_131] : memref<10240x128xf32, #tpu.memory_space<vmem_shared>> -> memref<10240x128xf32, #tpu.memory_space<vmem_shared>>
    tpu.enqueue_indirect_dma source(%arg9 : memref<128x128xf32, #tpu.memory_space<vmem>>) target(%dma_start3A_132 : memref<10240x128xf32, #tpu.memory_space<vmem_shared>>) offsets(%dma_start3A_129 : memref<128xi32, #tpu.memory_space<vmem>>) semaphore(%arg13 : memref<!tpu.dma_semaphore, #tpu.memory_space<semaphore_mem>>) {add = true}
    %dma_wait3A_133 = arith.constant 0 : i32
    %dma_wait3A_134 = arith.constant 0 : i32
    %dma_wait3A_135 = tpu.memref_slice %arg2[%dma_wait3A_133, %dma_wait3A_134] : memref<20000x128xf32, #tpu.memory_space<hbm>> -> memref<128x128xf32, #tpu.memory_space<hbm>>
    %dma_wait3A_136 = arith.constant 0 : i32
    %dma_wait3A_137 = arith.constant 0 : i32
    %dma_wait3A_138 = tpu.memref_slice %arg2[%dma_wait3A_136, %dma_wait3A_137] : memref<20000x128xf32, #tpu.memory_space<hbm>> -> memref<128x128xf32, #tpu.memory_space<hbm>>
    tpu.wait_dma2 semaphore(%arg13 : memref<!tpu.dma_semaphore, #tpu.memory_space<semaphore_mem>>) src(%dma_wait3A_138 : memref<128x128xf32, #tpu.memory_space<hbm>>) dst(%arg9 : memref<128x128xf32, #tpu.memory_space<vmem>>)
    %add3A_139 = arith.constant 40 : i32
    %add3A_140 = arith.addi %mul3A_0, %add3A_139 : i32
    "tpu.region"() ({
      %run_scoped3A = tpu.sem_alloc : memref<!tpu.dma_semaphore, #tpu.memory_space<semaphore_mem>>
      %dma_start3A_285 = arith.constant 0 : i32
      %dma_start3A_286 = tpu.memref_slice %arg3[%arg0, %add3A_140, %dma_start3A_285] : memref<2x1280x256xi32, #tpu.memory_space<hbm>> -> memref<1x40x256xi32, #tpu.memory_space<hbm>>
      %dma_start3A_287 = tpu.memref_squeeze %dma_start3A_286 : memref<1x40x256xi32, #tpu.memory_space<hbm>> -> memref<40x256xi32, #tpu.memory_space<hbm>>
      %dma_start3A_288 = arith.constant 0 : i32
      %dma_start3A_289 = tpu.memref_slice %arg3[%arg0, %add3A_140, %dma_start3A_288] : memref<2x1280x256xi32, #tpu.memory_space<hbm>> -> memref<1x40x256xi32, #tpu.memory_space<hbm>>
      %dma_start3A_290 = tpu.memref_squeeze %dma_start3A_289 : memref<1x40x256xi32, #tpu.memory_space<hbm>> -> memref<40x256xi32, #tpu.memory_space<hbm>>
      tpu.enqueue_dma source(%dma_start3A_290 : memref<40x256xi32, #tpu.memory_space<hbm>>) target(%arg7 : memref<40x256xi32, #tpu.memory_space<vmem>>) target_semaphore(%run_scoped3A : memref<!tpu.dma_semaphore, #tpu.memory_space<semaphore_mem>>)
      %dma_wait3A_291 = arith.constant 0 : i32
      %dma_wait3A_292 = tpu.memref_slice %arg3[%arg0, %add3A_140, %dma_wait3A_291] : memref<2x1280x256xi32, #tpu.memory_space<hbm>> -> memref<1x40x256xi32, #tpu.memory_space<hbm>>
      %dma_wait3A_293 = tpu.memref_squeeze %dma_wait3A_292 : memref<1x40x256xi32, #tpu.memory_space<hbm>> -> memref<40x256xi32, #tpu.memory_space<hbm>>
      %dma_wait3A_294 = arith.constant 0 : i32
      %dma_wait3A_295 = tpu.memref_slice %arg3[%arg0, %add3A_140, %dma_wait3A_294] : memref<2x1280x256xi32, #tpu.memory_space<hbm>> -> memref<1x40x256xi32, #tpu.memory_space<hbm>>
      %dma_wait3A_296 = tpu.memref_squeeze %dma_wait3A_295 : memref<1x40x256xi32, #tpu.memory_space<hbm>> -> memref<40x256xi32, #tpu.memory_space<hbm>>
      tpu.wait_dma2 semaphore(%run_scoped3A : memref<!tpu.dma_semaphore, #tpu.memory_space<semaphore_mem>>) src(%dma_wait3A_296 : memref<40x256xi32, #tpu.memory_space<hbm>>) dst(%arg7 : memref<40x256xi32, #tpu.memory_space<vmem>>)
      tpu.yield
    }) : () -> ()
    %dma_start3A_141 = arith.constant 0 : i32
    %dma_start3A_142 = arith.constant 0 : i32
    %dma_start3A_143 = tpu.memref_slice %arg7[%dma_start3A_141, %dma_start3A_142] : memref<40x256xi32, #tpu.memory_space<vmem>> -> memref<1x128xi32, #tpu.memory_space<vmem>>
    %dma_start3A_144 = tpu.memref_squeeze %dma_start3A_143 : memref<1x128xi32, #tpu.memory_space<vmem>> -> memref<128xi32, #tpu.memory_space<vmem>>
    %dma_start3A_145 = arith.constant 0 : i32
    %dma_start3A_146 = arith.constant 0 : i32
    %dma_start3A_147 = tpu.memref_slice %arg2[%dma_start3A_145, %dma_start3A_146] : memref<20000x128xf32, #tpu.memory_space<hbm>> -> memref<20000x128xf32, #tpu.memory_space<hbm>>
    tpu.enqueue_indirect_dma source(%dma_start3A_147 : memref<20000x128xf32, #tpu.memory_space<hbm>>) target(%arg8 : memref<128x128xf32, #tpu.memory_space<vmem>>) offsets(%dma_start3A_144 : memref<128xi32, #tpu.memory_space<vmem>>) semaphore(%arg10 : memref<!tpu.dma_semaphore, #tpu.memory_space<semaphore_mem>>)
    %dma_wait3A_148 = arith.constant 0 : i32
    %dma_wait3A_149 = arith.constant 0 : i32
    %dma_wait3A_150 = tpu.memref_slice %arg2[%dma_wait3A_148, %dma_wait3A_149] : memref<20000x128xf32, #tpu.memory_space<hbm>> -> memref<128x128xf32, #tpu.memory_space<hbm>>
    %dma_wait3A_151 = arith.constant 0 : i32
    %dma_wait3A_152 = arith.constant 0 : i32
    %dma_wait3A_153 = tpu.memref_slice %arg2[%dma_wait3A_151, %dma_wait3A_152] : memref<20000x128xf32, #tpu.memory_space<hbm>> -> memref<128x128xf32, #tpu.memory_space<hbm>>
    tpu.wait_dma2 semaphore(%arg10 : memref<!tpu.dma_semaphore, #tpu.memory_space<semaphore_mem>>) src(%dma_wait3A_153 : memref<128x128xf32, #tpu.memory_space<hbm>>) dst(%arg8 : memref<128x128xf32, #tpu.memory_space<vmem>>)
    %dma_start3A_154 = arith.constant 0 : i32
    %dma_start3A_155 = arith.constant 128 : i32
    %dma_start3A_156 = tpu.memref_slice %arg7[%dma_start3A_154, %dma_start3A_155] : memref<40x256xi32, #tpu.memory_space<vmem>> -> memref<1x128xi32, #tpu.memory_space<vmem>>
    %dma_start3A_157 = tpu.memref_squeeze %dma_start3A_156 : memref<1x128xi32, #tpu.memory_space<vmem>> -> memref<128xi32, #tpu.memory_space<vmem>>
    %dma_start3A_158 = arith.constant 0 : i32
    %dma_start3A_159 = arith.constant 0 : i32
    %dma_start3A_160 = tpu.memref_slice %arg6[%dma_start3A_158, %dma_start3A_159] : memref<10240x128xf32, #tpu.memory_space<vmem_shared>> -> memref<10240x128xf32, #tpu.memory_space<vmem_shared>>
    tpu.enqueue_indirect_dma source(%arg8 : memref<128x128xf32, #tpu.memory_space<vmem>>) target(%dma_start3A_160 : memref<10240x128xf32, #tpu.memory_space<vmem_shared>>) offsets(%dma_start3A_157 : memref<128xi32, #tpu.memory_space<vmem>>) semaphore(%arg12 : memref<!tpu.dma_semaphore, #tpu.memory_space<semaphore_mem>>) {add = true}
    %dma_start3A_161 = arith.constant 1 : i32
    %dma_start3A_162 = arith.constant 0 : i32
    %dma_start3A_163 = tpu.memref_slice %arg7[%dma_start3A_161, %dma_start3A_162] : memref<40x256xi32, #tpu.memory_space<vmem>> -> memref<1x128xi32, #tpu.memory_space<vmem>>
    %dma_start3A_164 = tpu.memref_squeeze %dma_start3A_163 : memref<1x128xi32, #tpu.memory_space<vmem>> -> memref<128xi32, #tpu.memory_space<vmem>>
    %dma_start3A_165 = arith.constant 0 : i32
    %dma_start3A_166 = arith.constant 0 : i32
    %dma_start3A_167 = tpu.memref_slice %arg2[%dma_start3A_165, %dma_start3A_166] : memref<20000x128xf32, #tpu.memory_space<hbm>> -> memref<20000x128xf32, #tpu.memory_space<hbm>>
    tpu.enqueue_indirect_dma source(%dma_start3A_167 : memref<20000x128xf32, #tpu.memory_space<hbm>>) target(%arg9 : memref<128x128xf32, #tpu.memory_space<vmem>>) offsets(%dma_start3A_164 : memref<128xi32, #tpu.memory_space<vmem>>) semaphore(%arg11 : memref<!tpu.dma_semaphore, #tpu.memory_space<semaphore_mem>>)
    %scan3A_168 = arith.constant 0 : i32
    %scan3A_169 = arith.constant 0 : i32
    %scan3A_170 = arith.constant 19 : i32
    %scan3A_171 = arith.addi %scan3A_169, %scan3A_170 : i32
    %scan3A_172 = arith.constant 1 : i32
    scf.for %scan3A_285 = %scan3A_169 to %scan3A_171 step %scan3A_172  : i32 {
      %mul3A_286 = arith.constant 2 : i32
      %mul3A_287 = arith.muli %mul3A_286, %scan3A_285 : i32
      %add3A_288 = arith.constant 1 : i32
      %add3A_289 = arith.addi %mul3A_287, %add3A_288 : i32
      %add3A_290 = arith.constant 0 : i32
      %add3A_291 = arith.addi %add3A_289, %add3A_290 : i32
      %dma_wait3A_292 = arith.constant 0 : i32
      %dma_wait3A_293 = arith.constant 0 : i32
      %dma_wait3A_294 = tpu.memref_slice %arg2[%dma_wait3A_292, %dma_wait3A_293] : memref<20000x128xf32, #tpu.memory_space<hbm>> -> memref<128x128xf32, #tpu.memory_space<hbm>>
      %dma_wait3A_295 = arith.constant 0 : i32
      %dma_wait3A_296 = arith.constant 0 : i32
      %dma_wait3A_297 = tpu.memref_slice %arg2[%dma_wait3A_295, %dma_wait3A_296] : memref<20000x128xf32, #tpu.memory_space<hbm>> -> memref<128x128xf32, #tpu.memory_space<hbm>>
      tpu.wait_dma2 semaphore(%arg11 : memref<!tpu.dma_semaphore, #tpu.memory_space<semaphore_mem>>) src(%dma_wait3A_297 : memref<128x128xf32, #tpu.memory_space<hbm>>) dst(%arg9 : memref<128x128xf32, #tpu.memory_space<vmem>>)
      %dma_wait3A_298 = arith.constant 0 : i32
      %dma_wait3A_299 = arith.constant 0 : i32
      %dma_wait3A_300 = tpu.memref_slice %arg2[%dma_wait3A_298, %dma_wait3A_299] : memref<20000x128xf32, #tpu.memory_space<hbm>> -> memref<128x128xf32, #tpu.memory_space<hbm>>
      %dma_wait3A_301 = arith.constant 0 : i32
      %dma_wait3A_302 = arith.constant 0 : i32
      %dma_wait3A_303 = tpu.memref_slice %arg2[%dma_wait3A_301, %dma_wait3A_302] : memref<20000x128xf32, #tpu.memory_space<hbm>> -> memref<128x128xf32, #tpu.memory_space<hbm>>
      tpu.wait_dma2 semaphore(%arg12 : memref<!tpu.dma_semaphore, #tpu.memory_space<semaphore_mem>>) src(%dma_wait3A_303 : memref<128x128xf32, #tpu.memory_space<hbm>>) dst(%arg8 : memref<128x128xf32, #tpu.memory_space<vmem>>)
      %dma_start3A_304 = arith.constant 128 : i32
      %dma_start3A_305 = tpu.memref_slice %arg7[%add3A_291, %dma_start3A_304] : memref<40x256xi32, #tpu.memory_space<vmem>> -> memref<1x128xi32, #tpu.memory_space<vmem>>
      %dma_start3A_306 = tpu.memref_squeeze %dma_start3A_305 : memref<1x128xi32, #tpu.memory_space<vmem>> -> memref<128xi32, #tpu.memory_space<vmem>>
      %dma_start3A_307 = arith.constant 0 : i32
      %dma_start3A_308 = arith.constant 0 : i32
      %dma_start3A_309 = tpu.memref_slice %arg6[%dma_start3A_307, %dma_start3A_308] : memref<10240x128xf32, #tpu.memory_space<vmem_shared>> -> memref<10240x128xf32, #tpu.memory_space<vmem_shared>>
      tpu.enqueue_indirect_dma source(%arg9 : memref<128x128xf32, #tpu.memory_space<vmem>>) target(%dma_start3A_309 : memref<10240x128xf32, #tpu.memory_space<vmem_shared>>) offsets(%dma_start3A_306 : memref<128xi32, #tpu.memory_space<vmem>>) semaphore(%arg13 : memref<!tpu.dma_semaphore, #tpu.memory_space<semaphore_mem>>) {add = true}
      %add3A_310 = arith.constant 1 : i32
      %add3A_311 = arith.addi %add3A_291, %add3A_310 : i32
      %dma_start3A_312 = arith.constant 0 : i32
      %dma_start3A_313 = tpu.memref_slice %arg7[%add3A_311, %dma_start3A_312] : memref<40x256xi32, #tpu.memory_space<vmem>> -> memref<1x128xi32, #tpu.memory_space<vmem>>
      %dma_start3A_314 = tpu.memref_squeeze %dma_start3A_313 : memref<1x128xi32, #tpu.memory_space<vmem>> -> memref<128xi32, #tpu.memory_space<vmem>>
      %dma_start3A_315 = arith.constant 0 : i32
      %dma_start3A_316 = arith.constant 0 : i32
      %dma_start3A_317 = tpu.memref_slice %arg2[%dma_start3A_315, %dma_start3A_316] : memref<20000x128xf32, #tpu.memory_space<hbm>> -> memref<20000x128xf32, #tpu.memory_space<hbm>>
      tpu.enqueue_indirect_dma source(%dma_start3A_317 : memref<20000x128xf32, #tpu.memory_space<hbm>>) target(%arg8 : memref<128x128xf32, #tpu.memory_space<vmem>>) offsets(%dma_start3A_314 : memref<128xi32, #tpu.memory_space<vmem>>) semaphore(%arg10 : memref<!tpu.dma_semaphore, #tpu.memory_space<semaphore_mem>>)
      %mul3A_318 = arith.constant 2 : i32
      %mul3A_319 = arith.muli %mul3A_318, %scan3A_285 : i32
      %add3A_320 = arith.constant 1 : i32
      %add3A_321 = arith.addi %mul3A_319, %add3A_320 : i32
      %add3A_322 = arith.constant 1 : i32
      %add3A_323 = arith.addi %add3A_321, %add3A_322 : i32
      %dma_wait3A_324 = arith.constant 0 : i32
      %dma_wait3A_325 = arith.constant 0 : i32
      %dma_wait3A_326 = tpu.memref_slice %arg2[%dma_wait3A_324, %dma_wait3A_325] : memref<20000x128xf32, #tpu.memory_space<hbm>> -> memref<128x128xf32, #tpu.memory_space<hbm>>
      %dma_wait3A_327 = arith.constant 0 : i32
      %dma_wait3A_328 = arith.constant 0 : i32
      %dma_wait3A_329 = tpu.memref_slice %arg2[%dma_wait3A_327, %dma_wait3A_328] : memref<20000x128xf32, #tpu.memory_space<hbm>> -> memref<128x128xf32, #tpu.memory_space<hbm>>
      tpu.wait_dma2 semaphore(%arg10 : memref<!tpu.dma_semaphore, #tpu.memory_space<semaphore_mem>>) src(%dma_wait3A_329 : memref<128x128xf32, #tpu.memory_space<hbm>>) dst(%arg8 : memref<128x128xf32, #tpu.memory_space<vmem>>)
      %dma_wait3A_330 = arith.constant 0 : i32
      %dma_wait3A_331 = arith.constant 0 : i32
      %dma_wait3A_332 = tpu.memref_slice %arg2[%dma_wait3A_330, %dma_wait3A_331] : memref<20000x128xf32, #tpu.memory_space<hbm>> -> memref<128x128xf32, #tpu.memory_space<hbm>>
      %dma_wait3A_333 = arith.constant 0 : i32
      %dma_wait3A_334 = arith.constant 0 : i32
      %dma_wait3A_335 = tpu.memref_slice %arg2[%dma_wait3A_333, %dma_wait3A_334] : memref<20000x128xf32, #tpu.memory_space<hbm>> -> memref<128x128xf32, #tpu.memory_space<hbm>>
      tpu.wait_dma2 semaphore(%arg13 : memref<!tpu.dma_semaphore, #tpu.memory_space<semaphore_mem>>) src(%dma_wait3A_335 : memref<128x128xf32, #tpu.memory_space<hbm>>) dst(%arg9 : memref<128x128xf32, #tpu.memory_space<vmem>>)
      %dma_start3A_336 = arith.constant 128 : i32
      %dma_start3A_337 = tpu.memref_slice %arg7[%add3A_323, %dma_start3A_336] : memref<40x256xi32, #tpu.memory_space<vmem>> -> memref<1x128xi32, #tpu.memory_space<vmem>>
      %dma_start3A_338 = tpu.memref_squeeze %dma_start3A_337 : memref<1x128xi32, #tpu.memory_space<vmem>> -> memref<128xi32, #tpu.memory_space<vmem>>
      %dma_start3A_339 = arith.constant 0 : i32
      %dma_start3A_340 = arith.constant 0 : i32
      %dma_start3A_341 = tpu.memref_slice %arg6[%dma_start3A_339, %dma_start3A_340] : memref<10240x128xf32, #tpu.memory_space<vmem_shared>> -> memref<10240x128xf32, #tpu.memory_space<vmem_shared>>
      tpu.enqueue_indirect_dma source(%arg8 : memref<128x128xf32, #tpu.memory_space<vmem>>) target(%dma_start3A_341 : memref<10240x128xf32, #tpu.memory_space<vmem_shared>>) offsets(%dma_start3A_338 : memref<128xi32, #tpu.memory_space<vmem>>) semaphore(%arg12 : memref<!tpu.dma_semaphore, #tpu.memory_space<semaphore_mem>>) {add = true}
      %add3A_342 = arith.constant 1 : i32
      %add3A_343 = arith.addi %add3A_323, %add3A_342 : i32
      %dma_start3A_344 = arith.constant 0 : i32
      %dma_start3A_345 = tpu.memref_slice %arg7[%add3A_343, %dma_start3A_344] : memref<40x256xi32, #tpu.memory_space<vmem>> -> memref<1x128xi32, #tpu.memory_space<vmem>>
      %dma_start3A_346 = tpu.memref_squeeze %dma_start3A_345 : memref<1x128xi32, #tpu.memory_space<vmem>> -> memref<128xi32, #tpu.memory_space<vmem>>
      %dma_start3A_347 = arith.constant 0 : i32
      %dma_start3A_348 = arith.constant 0 : i32
      %dma_start3A_349 = tpu.memref_slice %arg2[%dma_start3A_347, %dma_start3A_348] : memref<20000x128xf32, #tpu.memory_space<hbm>> -> memref<20000x128xf32, #tpu.memory_space<hbm>>
      tpu.enqueue_indirect_dma source(%dma_start3A_349 : memref<20000x128xf32, #tpu.memory_space<hbm>>) target(%arg9 : memref<128x128xf32, #tpu.memory_space<vmem>>) offsets(%dma_start3A_346 : memref<128xi32, #tpu.memory_space<vmem>>) semaphore(%arg11 : memref<!tpu.dma_semaphore, #tpu.memory_space<semaphore_mem>>)
    }
    %scan3A_173 = arith.constant 19 : i32
    %dma_wait3A_174 = arith.constant 0 : i32
    %dma_wait3A_175 = arith.constant 0 : i32
    %dma_wait3A_176 = tpu.memref_slice %arg2[%dma_wait3A_174, %dma_wait3A_175] : memref<20000x128xf32, #tpu.memory_space<hbm>> -> memref<128x128xf32, #tpu.memory_space<hbm>>
    %dma_wait3A_177 = arith.constant 0 : i32
    %dma_wait3A_178 = arith.constant 0 : i32
    %dma_wait3A_179 = tpu.memref_slice %arg2[%dma_wait3A_177, %dma_wait3A_178] : memref<20000x128xf32, #tpu.memory_space<hbm>> -> memref<128x128xf32, #tpu.memory_space<hbm>>
    tpu.wait_dma2 semaphore(%arg11 : memref<!tpu.dma_semaphore, #tpu.memory_space<semaphore_mem>>) src(%dma_wait3A_179 : memref<128x128xf32, #tpu.memory_space<hbm>>) dst(%arg9 : memref<128x128xf32, #tpu.memory_space<vmem>>)
    %dma_wait3A_180 = arith.constant 0 : i32
    %dma_wait3A_181 = arith.constant 0 : i32
    %dma_wait3A_182 = tpu.memref_slice %arg2[%dma_wait3A_180, %dma_wait3A_181] : memref<20000x128xf32, #tpu.memory_space<hbm>> -> memref<128x128xf32, #tpu.memory_space<hbm>>
    %dma_wait3A_183 = arith.constant 0 : i32
    %dma_wait3A_184 = arith.constant 0 : i32
    %dma_wait3A_185 = tpu.memref_slice %arg2[%dma_wait3A_183, %dma_wait3A_184] : memref<20000x128xf32, #tpu.memory_space<hbm>> -> memref<128x128xf32, #tpu.memory_space<hbm>>
    tpu.wait_dma2 semaphore(%arg12 : memref<!tpu.dma_semaphore, #tpu.memory_space<semaphore_mem>>) src(%dma_wait3A_185 : memref<128x128xf32, #tpu.memory_space<hbm>>) dst(%arg8 : memref<128x128xf32, #tpu.memory_space<vmem>>)
    %dma_start3A_186 = arith.constant 39 : i32
    %dma_start3A_187 = arith.constant 128 : i32
    %dma_start3A_188 = tpu.memref_slice %arg7[%dma_start3A_186, %dma_start3A_187] : memref<40x256xi32, #tpu.memory_space<vmem>> -> memref<1x128xi32, #tpu.memory_space<vmem>>
    %dma_start3A_189 = tpu.memref_squeeze %dma_start3A_188 : memref<1x128xi32, #tpu.memory_space<vmem>> -> memref<128xi32, #tpu.memory_space<vmem>>
    %dma_start3A_190 = arith.constant 0 : i32
    %dma_start3A_191 = arith.constant 0 : i32
    %dma_start3A_192 = tpu.memref_slice %arg6[%dma_start3A_190, %dma_start3A_191] : memref<10240x128xf32, #tpu.memory_space<vmem_shared>> -> memref<10240x128xf32, #tpu.memory_space<vmem_shared>>
    tpu.enqueue_indirect_dma source(%arg9 : memref<128x128xf32, #tpu.memory_space<vmem>>) target(%dma_start3A_192 : memref<10240x128xf32, #tpu.memory_space<vmem_shared>>) offsets(%dma_start3A_189 : memref<128xi32, #tpu.memory_space<vmem>>) semaphore(%arg13 : memref<!tpu.dma_semaphore, #tpu.memory_space<semaphore_mem>>) {add = true}
    %dma_wait3A_193 = arith.constant 0 : i32
    %dma_wait3A_194 = arith.constant 0 : i32
    %dma_wait3A_195 = tpu.memref_slice %arg2[%dma_wait3A_193, %dma_wait3A_194] : memref<20000x128xf32, #tpu.memory_space<hbm>> -> memref<128x128xf32, #tpu.memory_space<hbm>>
    %dma_wait3A_196 = arith.constant 0 : i32
    %dma_wait3A_197 = arith.constant 0 : i32
    %dma_wait3A_198 = tpu.memref_slice %arg2[%dma_wait3A_196, %dma_wait3A_197] : memref<20000x128xf32, #tpu.memory_space<hbm>> -> memref<128x128xf32, #tpu.memory_space<hbm>>
    tpu.wait_dma2 semaphore(%arg13 : memref<!tpu.dma_semaphore, #tpu.memory_space<semaphore_mem>>) src(%dma_wait3A_198 : memref<128x128xf32, #tpu.memory_space<hbm>>) dst(%arg9 : memref<128x128xf32, #tpu.memory_space<vmem>>)
    %barrier3A_199 = arith.constant 0 : index
    tpu.barrier barrier_id(%barrier3A_199)
    %mul3A_200 = arith.constant 640 : i32
    %mul3A_201 = arith.muli %arg1, %mul3A_200 : i32
    %add3A_202 = arith.constant 0 : i32
    %add3A_203 = arith.addi %mul3A_201, %add3A_202 : i32
    "tpu.region"() ({
      %run_scoped3A = tpu.sem_alloc : memref<!tpu.dma_semaphore, #tpu.memory_space<semaphore_mem>>
      %dma_start3A_285 = arith.constant 0 : i32
      %dma_start3A_286 = tpu.memref_slice %arg6[%add3A_203, %dma_start3A_285] : memref<10240x128xf32, #tpu.memory_space<vmem_shared>> -> memref<128x128xf32, #tpu.memory_space<vmem_shared>>
      %dma_start3A_287 = arith.constant 0 : i32
      %dma_start3A_288 = tpu.memref_slice %arg6[%add3A_203, %dma_start3A_287] : memref<10240x128xf32, #tpu.memory_space<vmem_shared>> -> memref<128x128xf32, #tpu.memory_space<vmem_shared>>
      tpu.enqueue_dma source(%dma_start3A_288 : memref<128x128xf32, #tpu.memory_space<vmem_shared>>) target(%arg8 : memref<128x128xf32, #tpu.memory_space<vmem>>) target_semaphore(%run_scoped3A : memref<!tpu.dma_semaphore, #tpu.memory_space<semaphore_mem>>)
      %dma_wait3A_289 = arith.constant 0 : i32
      %dma_wait3A_290 = tpu.memref_slice %arg6[%add3A_203, %dma_wait3A_289] : memref<10240x128xf32, #tpu.memory_space<vmem_shared>> -> memref<128x128xf32, #tpu.memory_space<vmem_shared>>
      %dma_wait3A_291 = arith.constant 0 : i32
      %dma_wait3A_292 = tpu.memref_slice %arg6[%add3A_203, %dma_wait3A_291] : memref<10240x128xf32, #tpu.memory_space<vmem_shared>> -> memref<128x128xf32, #tpu.memory_space<vmem_shared>>
      tpu.wait_dma2 semaphore(%run_scoped3A : memref<!tpu.dma_semaphore, #tpu.memory_space<semaphore_mem>>) src(%dma_wait3A_292 : memref<128x128xf32, #tpu.memory_space<vmem_shared>>) dst(%arg8 : memref<128x128xf32, #tpu.memory_space<vmem>>)
      tpu.yield
    }) : () -> ()
    %mul3A_204 = arith.constant 10240 : i32
    %mul3A_205 = arith.muli %arg0, %mul3A_204 : i32
    %add3A_206 = arith.addi %mul3A_205, %add3A_203 : i32
    %dma_start3A_207 = arith.constant 0 : i32
    %dma_start3A_208 = tpu.memref_slice %arg5[%add3A_206, %dma_start3A_207] : memref<20480x128xf32, #tpu.memory_space<hbm>> -> memref<128x128xf32, #tpu.memory_space<hbm>>
    %dma_start3A_209 = arith.constant 0 : i32
    %dma_start3A_210 = tpu.memref_slice %arg5[%add3A_206, %dma_start3A_209] : memref<20480x128xf32, #tpu.memory_space<hbm>> -> memref<128x128xf32, #tpu.memory_space<hbm>>
    tpu.enqueue_dma source(%arg8 : memref<128x128xf32, #tpu.memory_space<vmem>>) target(%dma_start3A_210 : memref<128x128xf32, #tpu.memory_space<hbm>>) target_semaphore(%arg10 : memref<!tpu.dma_semaphore, #tpu.memory_space<semaphore_mem>>)
    %mul3A_211 = arith.constant 640 : i32
    %mul3A_212 = arith.muli %arg1, %mul3A_211 : i32
    %add3A_213 = arith.constant 128 : i32
    %add3A_214 = arith.addi %mul3A_212, %add3A_213 : i32
    "tpu.region"() ({
      %run_scoped3A = tpu.sem_alloc : memref<!tpu.dma_semaphore, #tpu.memory_space<semaphore_mem>>
      %dma_start3A_285 = arith.constant 0 : i32
      %dma_start3A_286 = tpu.memref_slice %arg6[%add3A_214, %dma_start3A_285] : memref<10240x128xf32, #tpu.memory_space<vmem_shared>> -> memref<128x128xf32, #tpu.memory_space<vmem_shared>>
      %dma_start3A_287 = arith.constant 0 : i32
      %dma_start3A_288 = tpu.memref_slice %arg6[%add3A_214, %dma_start3A_287] : memref<10240x128xf32, #tpu.memory_space<vmem_shared>> -> memref<128x128xf32, #tpu.memory_space<vmem_shared>>
      tpu.enqueue_dma source(%dma_start3A_288 : memref<128x128xf32, #tpu.memory_space<vmem_shared>>) target(%arg9 : memref<128x128xf32, #tpu.memory_space<vmem>>) target_semaphore(%run_scoped3A : memref<!tpu.dma_semaphore, #tpu.memory_space<semaphore_mem>>)
      %dma_wait3A_289 = arith.constant 0 : i32
      %dma_wait3A_290 = tpu.memref_slice %arg6[%add3A_214, %dma_wait3A_289] : memref<10240x128xf32, #tpu.memory_space<vmem_shared>> -> memref<128x128xf32, #tpu.memory_space<vmem_shared>>
      %dma_wait3A_291 = arith.constant 0 : i32
      %dma_wait3A_292 = tpu.memref_slice %arg6[%add3A_214, %dma_wait3A_291] : memref<10240x128xf32, #tpu.memory_space<vmem_shared>> -> memref<128x128xf32, #tpu.memory_space<vmem_shared>>
      tpu.wait_dma2 semaphore(%run_scoped3A : memref<!tpu.dma_semaphore, #tpu.memory_space<semaphore_mem>>) src(%dma_wait3A_292 : memref<128x128xf32, #tpu.memory_space<vmem_shared>>) dst(%arg9 : memref<128x128xf32, #tpu.memory_space<vmem>>)
      tpu.yield
    }) : () -> ()
    %mul3A_215 = arith.constant 10240 : i32
    %mul3A_216 = arith.muli %arg0, %mul3A_215 : i32
    %add3A_217 = arith.addi %mul3A_216, %add3A_214 : i32
    %dma_start3A_218 = arith.constant 0 : i32
    %dma_start3A_219 = tpu.memref_slice %arg5[%add3A_217, %dma_start3A_218] : memref<20480x128xf32, #tpu.memory_space<hbm>> -> memref<128x128xf32, #tpu.memory_space<hbm>>
    %dma_start3A_220 = arith.constant 0 : i32
    %dma_start3A_221 = tpu.memref_slice %arg5[%add3A_217, %dma_start3A_220] : memref<20480x128xf32, #tpu.memory_space<hbm>> -> memref<128x128xf32, #tpu.memory_space<hbm>>
    tpu.enqueue_dma source(%arg9 : memref<128x128xf32, #tpu.memory_space<vmem>>) target(%dma_start3A_221 : memref<128x128xf32, #tpu.memory_space<hbm>>) target_semaphore(%arg11 : memref<!tpu.dma_semaphore, #tpu.memory_space<semaphore_mem>>)
    %mul3A_222 = arith.constant 640 : i32
    %mul3A_223 = arith.muli %arg1, %mul3A_222 : i32
    %add3A_224 = arith.constant 256 : i32
    %add3A_225 = arith.addi %mul3A_223, %add3A_224 : i32
    %mul3A_226 = arith.constant 10240 : i32
    %mul3A_227 = arith.muli %arg0, %mul3A_226 : i32
    %dma_wait3A_228 = arith.constant 0 : i32
    %dma_wait3A_229 = tpu.memref_slice %arg5[%mul3A_227, %dma_wait3A_228] : memref<20480x128xf32, #tpu.memory_space<hbm>> -> memref<128x128xf32, #tpu.memory_space<hbm>>
    %dma_wait3A_230 = arith.constant 0 : i32
    %dma_wait3A_231 = tpu.memref_slice %arg5[%mul3A_227, %dma_wait3A_230] : memref<20480x128xf32, #tpu.memory_space<hbm>> -> memref<128x128xf32, #tpu.memory_space<hbm>>
    tpu.wait_dma2 semaphore(%arg10 : memref<!tpu.dma_semaphore, #tpu.memory_space<semaphore_mem>>) src(%arg8 : memref<128x128xf32, #tpu.memory_space<vmem>>) dst(%dma_wait3A_231 : memref<128x128xf32, #tpu.memory_space<hbm>>)
    "tpu.region"() ({
      %run_scoped3A = tpu.sem_alloc : memref<!tpu.dma_semaphore, #tpu.memory_space<semaphore_mem>>
      %dma_start3A_285 = arith.constant 0 : i32
      %dma_start3A_286 = tpu.memref_slice %arg6[%add3A_225, %dma_start3A_285] : memref<10240x128xf32, #tpu.memory_space<vmem_shared>> -> memref<128x128xf32, #tpu.memory_space<vmem_shared>>
      %dma_start3A_287 = arith.constant 0 : i32
      %dma_start3A_288 = tpu.memref_slice %arg6[%add3A_225, %dma_start3A_287] : memref<10240x128xf32, #tpu.memory_space<vmem_shared>> -> memref<128x128xf32, #tpu.memory_space<vmem_shared>>
      tpu.enqueue_dma source(%dma_start3A_288 : memref<128x128xf32, #tpu.memory_space<vmem_shared>>) target(%arg8 : memref<128x128xf32, #tpu.memory_space<vmem>>) target_semaphore(%run_scoped3A : memref<!tpu.dma_semaphore, #tpu.memory_space<semaphore_mem>>)
      %dma_wait3A_289 = arith.constant 0 : i32
      %dma_wait3A_290 = tpu.memref_slice %arg6[%add3A_225, %dma_wait3A_289] : memref<10240x128xf32, #tpu.memory_space<vmem_shared>> -> memref<128x128xf32, #tpu.memory_space<vmem_shared>>
      %dma_wait3A_291 = arith.constant 0 : i32
      %dma_wait3A_292 = tpu.memref_slice %arg6[%add3A_225, %dma_wait3A_291] : memref<10240x128xf32, #tpu.memory_space<vmem_shared>> -> memref<128x128xf32, #tpu.memory_space<vmem_shared>>
      tpu.wait_dma2 semaphore(%run_scoped3A : memref<!tpu.dma_semaphore, #tpu.memory_space<semaphore_mem>>) src(%dma_wait3A_292 : memref<128x128xf32, #tpu.memory_space<vmem_shared>>) dst(%arg8 : memref<128x128xf32, #tpu.memory_space<vmem>>)
      tpu.yield
    }) : () -> ()
    %mul3A_232 = arith.constant 10240 : i32
    %mul3A_233 = arith.muli %arg0, %mul3A_232 : i32
    %add3A_234 = arith.addi %mul3A_233, %add3A_225 : i32
    %dma_start3A_235 = arith.constant 0 : i32
    %dma_start3A_236 = tpu.memref_slice %arg5[%add3A_234, %dma_start3A_235] : memref<20480x128xf32, #tpu.memory_space<hbm>> -> memref<128x128xf32, #tpu.memory_space<hbm>>
    %dma_start3A_237 = arith.constant 0 : i32
    %dma_start3A_238 = tpu.memref_slice %arg5[%add3A_234, %dma_start3A_237] : memref<20480x128xf32, #tpu.memory_space<hbm>> -> memref<128x128xf32, #tpu.memory_space<hbm>>
    tpu.enqueue_dma source(%arg8 : memref<128x128xf32, #tpu.memory_space<vmem>>) target(%dma_start3A_238 : memref<128x128xf32, #tpu.memory_space<hbm>>) target_semaphore(%arg10 : memref<!tpu.dma_semaphore, #tpu.memory_space<semaphore_mem>>)
    %mul3A_239 = arith.constant 640 : i32
    %mul3A_240 = arith.muli %arg1, %mul3A_239 : i32
    %add3A_241 = arith.constant 384 : i32
    %add3A_242 = arith.addi %mul3A_240, %add3A_241 : i32
    %mul3A_243 = arith.constant 10240 : i32
    %mul3A_244 = arith.muli %arg0, %mul3A_243 : i32
    %dma_wait3A_245 = arith.constant 0 : i32
    %dma_wait3A_246 = tpu.memref_slice %arg5[%mul3A_244, %dma_wait3A_245] : memref<20480x128xf32, #tpu.memory_space<hbm>> -> memref<128x128xf32, #tpu.memory_space<hbm>>
    %dma_wait3A_247 = arith.constant 0 : i32
    %dma_wait3A_248 = tpu.memref_slice %arg5[%mul3A_244, %dma_wait3A_247] : memref<20480x128xf32, #tpu.memory_space<hbm>> -> memref<128x128xf32, #tpu.memory_space<hbm>>
    tpu.wait_dma2 semaphore(%arg11 : memref<!tpu.dma_semaphore, #tpu.memory_space<semaphore_mem>>) src(%arg9 : memref<128x128xf32, #tpu.memory_space<vmem>>) dst(%dma_wait3A_248 : memref<128x128xf32, #tpu.memory_space<hbm>>)
    "tpu.region"() ({
      %run_scoped3A = tpu.sem_alloc : memref<!tpu.dma_semaphore, #tpu.memory_space<semaphore_mem>>
      %dma_start3A_285 = arith.constant 0 : i32
      %dma_start3A_286 = tpu.memref_slice %arg6[%add3A_242, %dma_start3A_285] : memref<10240x128xf32, #tpu.memory_space<vmem_shared>> -> memref<128x128xf32, #tpu.memory_space<vmem_shared>>
      %dma_start3A_287 = arith.constant 0 : i32
      %dma_start3A_288 = tpu.memref_slice %arg6[%add3A_242, %dma_start3A_287] : memref<10240x128xf32, #tpu.memory_space<vmem_shared>> -> memref<128x128xf32, #tpu.memory_space<vmem_shared>>
      tpu.enqueue_dma source(%dma_start3A_288 : memref<128x128xf32, #tpu.memory_space<vmem_shared>>) target(%arg9 : memref<128x128xf32, #tpu.memory_space<vmem>>) target_semaphore(%run_scoped3A : memref<!tpu.dma_semaphore, #tpu.memory_space<semaphore_mem>>)
      %dma_wait3A_289 = arith.constant 0 : i32
      %dma_wait3A_290 = tpu.memref_slice %arg6[%add3A_242, %dma_wait3A_289] : memref<10240x128xf32, #tpu.memory_space<vmem_shared>> -> memref<128x128xf32, #tpu.memory_space<vmem_shared>>
      %dma_wait3A_291 = arith.constant 0 : i32
      %dma_wait3A_292 = tpu.memref_slice %arg6[%add3A_242, %dma_wait3A_291] : memref<10240x128xf32, #tpu.memory_space<vmem_shared>> -> memref<128x128xf32, #tpu.memory_space<vmem_shared>>
      tpu.wait_dma2 semaphore(%run_scoped3A : memref<!tpu.dma_semaphore, #tpu.memory_space<semaphore_mem>>) src(%dma_wait3A_292 : memref<128x128xf32, #tpu.memory_space<vmem_shared>>) dst(%arg9 : memref<128x128xf32, #tpu.memory_space<vmem>>)
      tpu.yield
    }) : () -> ()
    %mul3A_249 = arith.constant 10240 : i32
    %mul3A_250 = arith.muli %arg0, %mul3A_249 : i32
    %add3A_251 = arith.addi %mul3A_250, %add3A_242 : i32
    %dma_start3A_252 = arith.constant 0 : i32
    %dma_start3A_253 = tpu.memref_slice %arg5[%add3A_251, %dma_start3A_252] : memref<20480x128xf32, #tpu.memory_space<hbm>> -> memref<128x128xf32, #tpu.memory_space<hbm>>
    %dma_start3A_254 = arith.constant 0 : i32
    %dma_start3A_255 = tpu.memref_slice %arg5[%add3A_251, %dma_start3A_254] : memref<20480x128xf32, #tpu.memory_space<hbm>> -> memref<128x128xf32, #tpu.memory_space<hbm>>
    tpu.enqueue_dma source(%arg9 : memref<128x128xf32, #tpu.memory_space<vmem>>) target(%dma_start3A_255 : memref<128x128xf32, #tpu.memory_space<hbm>>) target_semaphore(%arg11 : memref<!tpu.dma_semaphore, #tpu.memory_space<semaphore_mem>>)
    %mul3A_256 = arith.constant 640 : i32
    %mul3A_257 = arith.muli %arg1, %mul3A_256 : i32
    %add3A_258 = arith.constant 512 : i32
    %add3A_259 = arith.addi %mul3A_257, %add3A_258 : i32
    %mul3A_260 = arith.constant 10240 : i32
    %mul3A_261 = arith.muli %arg0, %mul3A_260 : i32
    %dma_wait3A_262 = arith.constant 0 : i32
    %dma_wait3A_263 = tpu.memref_slice %arg5[%mul3A_261, %dma_wait3A_262] : memref<20480x128xf32, #tpu.memory_space<hbm>> -> memref<128x128xf32, #tpu.memory_space<hbm>>
    %dma_wait3A_264 = arith.constant 0 : i32
    %dma_wait3A_265 = tpu.memref_slice %arg5[%mul3A_261, %dma_wait3A_264] : memref<20480x128xf32, #tpu.memory_space<hbm>> -> memref<128x128xf32, #tpu.memory_space<hbm>>
    tpu.wait_dma2 semaphore(%arg10 : memref<!tpu.dma_semaphore, #tpu.memory_space<semaphore_mem>>) src(%arg8 : memref<128x128xf32, #tpu.memory_space<vmem>>) dst(%dma_wait3A_265 : memref<128x128xf32, #tpu.memory_space<hbm>>)
    "tpu.region"() ({
      %run_scoped3A = tpu.sem_alloc : memref<!tpu.dma_semaphore, #tpu.memory_space<semaphore_mem>>
      %dma_start3A_285 = arith.constant 0 : i32
      %dma_start3A_286 = tpu.memref_slice %arg6[%add3A_259, %dma_start3A_285] : memref<10240x128xf32, #tpu.memory_space<vmem_shared>> -> memref<128x128xf32, #tpu.memory_space<vmem_shared>>
      %dma_start3A_287 = arith.constant 0 : i32
      %dma_start3A_288 = tpu.memref_slice %arg6[%add3A_259, %dma_start3A_287] : memref<10240x128xf32, #tpu.memory_space<vmem_shared>> -> memref<128x128xf32, #tpu.memory_space<vmem_shared>>
      tpu.enqueue_dma source(%dma_start3A_288 : memref<128x128xf32, #tpu.memory_space<vmem_shared>>) target(%arg8 : memref<128x128xf32, #tpu.memory_space<vmem>>) target_semaphore(%run_scoped3A : memref<!tpu.dma_semaphore, #tpu.memory_space<semaphore_mem>>)
      %dma_wait3A_289 = arith.constant 0 : i32
      %dma_wait3A_290 = tpu.memref_slice %arg6[%add3A_259, %dma_wait3A_289] : memref<10240x128xf32, #tpu.memory_space<vmem_shared>> -> memref<128x128xf32, #tpu.memory_space<vmem_shared>>
      %dma_wait3A_291 = arith.constant 0 : i32
      %dma_wait3A_292 = tpu.memref_slice %arg6[%add3A_259, %dma_wait3A_291] : memref<10240x128xf32, #tpu.memory_space<vmem_shared>> -> memref<128x128xf32, #tpu.memory_space<vmem_shared>>
      tpu.wait_dma2 semaphore(%run_scoped3A : memref<!tpu.dma_semaphore, #tpu.memory_space<semaphore_mem>>) src(%dma_wait3A_292 : memref<128x128xf32, #tpu.memory_space<vmem_shared>>) dst(%arg8 : memref<128x128xf32, #tpu.memory_space<vmem>>)
      tpu.yield
    }) : () -> ()
    %mul3A_266 = arith.constant 10240 : i32
    %mul3A_267 = arith.muli %arg0, %mul3A_266 : i32
    %add3A_268 = arith.addi %mul3A_267, %add3A_259 : i32
    %dma_start3A_269 = arith.constant 0 : i32
    %dma_start3A_270 = tpu.memref_slice %arg5[%add3A_268, %dma_start3A_269] : memref<20480x128xf32, #tpu.memory_space<hbm>> -> memref<128x128xf32, #tpu.memory_space<hbm>>
    %dma_start3A_271 = arith.constant 0 : i32
    %dma_start3A_272 = tpu.memref_slice %arg5[%add3A_268, %dma_start3A_271] : memref<20480x128xf32, #tpu.memory_space<hbm>> -> memref<128x128xf32, #tpu.memory_space<hbm>>
    tpu.enqueue_dma source(%arg8 : memref<128x128xf32, #tpu.memory_space<vmem>>) target(%dma_start3A_272 : memref<128x128xf32, #tpu.memory_space<hbm>>) target_semaphore(%arg10 : memref<!tpu.dma_semaphore, #tpu.memory_space<semaphore_mem>>)
    %mul3A_273 = arith.constant 10240 : i32
    %mul3A_274 = arith.muli %arg0, %mul3A_273 : i32
    %dma_wait3A_275 = arith.constant 0 : i32
    %dma_wait3A_276 = tpu.memref_slice %arg5[%mul3A_274, %dma_wait3A_275] : memref<20480x128xf32, #tpu.memory_space<hbm>> -> memref<128x128xf32, #tpu.memory_space<hbm>>
    %dma_wait3A_277 = arith.constant 0 : i32
    %dma_wait3A_278 = tpu.memref_slice %arg5[%mul3A_274, %dma_wait3A_277] : memref<20480x128xf32, #tpu.memory_space<hbm>> -> memref<128x128xf32, #tpu.memory_space<hbm>>
    tpu.wait_dma2 semaphore(%arg10 : memref<!tpu.dma_semaphore, #tpu.memory_space<semaphore_mem>>) src(%arg8 : memref<128x128xf32, #tpu.memory_space<vmem>>) dst(%dma_wait3A_278 : memref<128x128xf32, #tpu.memory_space<hbm>>)
    %mul3A_279 = arith.constant 10240 : i32
    %mul3A_280 = arith.muli %arg0, %mul3A_279 : i32
    %dma_wait3A_281 = arith.constant 0 : i32
    %dma_wait3A_282 = tpu.memref_slice %arg5[%mul3A_280, %dma_wait3A_281] : memref<20480x128xf32, #tpu.memory_space<hbm>> -> memref<128x128xf32, #tpu.memory_space<hbm>>
    %dma_wait3A_283 = arith.constant 0 : i32
    %dma_wait3A_284 = tpu.memref_slice %arg5[%mul3A_280, %dma_wait3A_283] : memref<20480x128xf32, #tpu.memory_space<hbm>> -> memref<128x128xf32, #tpu.memory_space<hbm>>
    tpu.wait_dma2 semaphore(%arg11 : memref<!tpu.dma_semaphore, #tpu.memory_space<semaphore_mem>>) src(%arg9 : memref<128x128xf32, #tpu.memory_space<vmem>>) dst(%dma_wait3A_284 : memref<128x128xf32, #tpu.memory_space<hbm>>)
    return
  }
}

#map = affine_map<(d0, d1) -> (0, 0)>
module attributes {stable_mosaic.version = 14 : i64} {
  func.func @_deg_body(%arg0: i32, %arg1: i32, %arg2: memref<1280x128xi32, #tpu.memory_space<hbm>>, %arg3: memref<128x128xf32, #tpu.memory_space<hbm>>, %arg4: memref<128x128xf32, #tpu.memory_space<hbm>>, %arg5: memref<20480x128xf32, #tpu.memory_space<hbm>>, %arg6: memref<10240x128xf32, #tpu.memory_space<vmem_shared>>, %arg7: memref<40x128xi32, #tpu.memory_space<vmem>>, %arg8: memref<128x128xf32, #tpu.memory_space<vmem>>, %arg9: memref<128x128xf32, #tpu.memory_space<vmem>>, %arg10: memref<!tpu.dma_semaphore, #tpu.memory_space<semaphore_mem>>) attributes {dimension_semantics = [#tpu.dimension_semantics<core_parallel>, #tpu.dimension_semantics<subcore_parallel>], iteration_bounds = array<i64: 2, 16>, scalar_prefetch = 0 : i64, scratch_operands = 5 : i64, tpu.core_type = #tpu.core_type<sc_vector_subcore>, window_params = [{transform_indices = #map}, {transform_indices = #map}, {transform_indices = #map}, {transform_indices = #map}]} {
    %mul3A = arith.constant 2 : i32
    %mul3A_0 = arith.muli %arg1, %mul3A : i32
    %add3A = arith.addi %mul3A_0, %arg0 : i32
    %mul3A_1 = arith.constant 40 : i32
    %mul3A_2 = arith.muli %add3A, %mul3A_1 : i32
    "tpu.region"() ({
      %run_scoped3A = tpu.sem_alloc : memref<!tpu.dma_semaphore, #tpu.memory_space<semaphore_mem>>
      %dma_start3A = arith.constant 0 : i32
      %dma_start3A_64 = tpu.memref_slice %arg2[%mul3A_2, %dma_start3A] : memref<1280x128xi32, #tpu.memory_space<hbm>> -> memref<40x128xi32, #tpu.memory_space<hbm>>
      %dma_start3A_65 = arith.constant 0 : i32
      %dma_start3A_66 = tpu.memref_slice %arg2[%mul3A_2, %dma_start3A_65] : memref<1280x128xi32, #tpu.memory_space<hbm>> -> memref<40x128xi32, #tpu.memory_space<hbm>>
      tpu.enqueue_dma source(%dma_start3A_66 : memref<40x128xi32, #tpu.memory_space<hbm>>) target(%arg7 : memref<40x128xi32, #tpu.memory_space<vmem>>) target_semaphore(%run_scoped3A : memref<!tpu.dma_semaphore, #tpu.memory_space<semaphore_mem>>)
      %dma_wait3A = arith.constant 0 : i32
      %dma_wait3A_67 = tpu.memref_slice %arg2[%mul3A_2, %dma_wait3A] : memref<1280x128xi32, #tpu.memory_space<hbm>> -> memref<40x128xi32, #tpu.memory_space<hbm>>
      %dma_wait3A_68 = arith.constant 0 : i32
      %dma_wait3A_69 = tpu.memref_slice %arg2[%mul3A_2, %dma_wait3A_68] : memref<1280x128xi32, #tpu.memory_space<hbm>> -> memref<40x128xi32, #tpu.memory_space<hbm>>
      tpu.wait_dma2 semaphore(%run_scoped3A : memref<!tpu.dma_semaphore, #tpu.memory_space<semaphore_mem>>) src(%dma_wait3A_69 : memref<40x128xi32, #tpu.memory_space<hbm>>) dst(%arg7 : memref<40x128xi32, #tpu.memory_space<vmem>>)
      tpu.yield
    }) : () -> ()
    "tpu.region"() ({
      %run_scoped3A = tpu.sem_alloc : memref<!tpu.dma_semaphore, #tpu.memory_space<semaphore_mem>>
      tpu.enqueue_dma source(%arg3 : memref<128x128xf32, #tpu.memory_space<hbm>>) target(%arg8 : memref<128x128xf32, #tpu.memory_space<vmem>>) target_semaphore(%run_scoped3A : memref<!tpu.dma_semaphore, #tpu.memory_space<semaphore_mem>>)
      tpu.wait_dma2 semaphore(%run_scoped3A : memref<!tpu.dma_semaphore, #tpu.memory_space<semaphore_mem>>) src(%arg3 : memref<128x128xf32, #tpu.memory_space<hbm>>) dst(%arg8 : memref<128x128xf32, #tpu.memory_space<vmem>>)
      tpu.yield
    }) : () -> ()
    "tpu.region"() ({
      %run_scoped3A = tpu.sem_alloc : memref<!tpu.dma_semaphore, #tpu.memory_space<semaphore_mem>>
      tpu.enqueue_dma source(%arg4 : memref<128x128xf32, #tpu.memory_space<hbm>>) target(%arg9 : memref<128x128xf32, #tpu.memory_space<vmem>>) target_semaphore(%run_scoped3A : memref<!tpu.dma_semaphore, #tpu.memory_space<semaphore_mem>>)
      tpu.wait_dma2 semaphore(%run_scoped3A : memref<!tpu.dma_semaphore, #tpu.memory_space<semaphore_mem>>) src(%arg4 : memref<128x128xf32, #tpu.memory_space<hbm>>) dst(%arg9 : memref<128x128xf32, #tpu.memory_space<vmem>>)
      tpu.yield
    }) : () -> ()
    %mul3A_3 = arith.constant 640 : i32
    %mul3A_4 = arith.muli %arg1, %mul3A_3 : i32
    %add3A_5 = arith.constant 0 : i32
    %add3A_6 = arith.addi %mul3A_4, %add3A_5 : i32
    "tpu.region"() ({
      %run_scoped3A = tpu.sem_alloc : memref<!tpu.dma_semaphore, #tpu.memory_space<semaphore_mem>>
      %dma_start3A = arith.constant 0 : i32
      %dma_start3A_64 = tpu.memref_slice %arg6[%add3A_6, %dma_start3A] : memref<10240x128xf32, #tpu.memory_space<vmem_shared>> -> memref<128x128xf32, #tpu.memory_space<vmem_shared>>
      %dma_start3A_65 = arith.constant 0 : i32
      %dma_start3A_66 = tpu.memref_slice %arg6[%add3A_6, %dma_start3A_65] : memref<10240x128xf32, #tpu.memory_space<vmem_shared>> -> memref<128x128xf32, #tpu.memory_space<vmem_shared>>
      tpu.enqueue_dma source(%arg9 : memref<128x128xf32, #tpu.memory_space<vmem>>) target(%dma_start3A_66 : memref<128x128xf32, #tpu.memory_space<vmem_shared>>) target_semaphore(%run_scoped3A : memref<!tpu.dma_semaphore, #tpu.memory_space<semaphore_mem>>)
      %dma_wait3A = arith.constant 0 : i32
      %dma_wait3A_67 = tpu.memref_slice %arg6[%add3A_6, %dma_wait3A] : memref<10240x128xf32, #tpu.memory_space<vmem_shared>> -> memref<128x128xf32, #tpu.memory_space<vmem_shared>>
      %dma_wait3A_68 = arith.constant 0 : i32
      %dma_wait3A_69 = tpu.memref_slice %arg6[%add3A_6, %dma_wait3A_68] : memref<10240x128xf32, #tpu.memory_space<vmem_shared>> -> memref<128x128xf32, #tpu.memory_space<vmem_shared>>
      tpu.wait_dma2 semaphore(%run_scoped3A : memref<!tpu.dma_semaphore, #tpu.memory_space<semaphore_mem>>) src(%arg9 : memref<128x128xf32, #tpu.memory_space<vmem>>) dst(%dma_wait3A_69 : memref<128x128xf32, #tpu.memory_space<vmem_shared>>)
      tpu.yield
    }) : () -> ()
    %mul3A_7 = arith.constant 640 : i32
    %mul3A_8 = arith.muli %arg1, %mul3A_7 : i32
    %add3A_9 = arith.constant 128 : i32
    %add3A_10 = arith.addi %mul3A_8, %add3A_9 : i32
    "tpu.region"() ({
      %run_scoped3A = tpu.sem_alloc : memref<!tpu.dma_semaphore, #tpu.memory_space<semaphore_mem>>
      %dma_start3A = arith.constant 0 : i32
      %dma_start3A_64 = tpu.memref_slice %arg6[%add3A_10, %dma_start3A] : memref<10240x128xf32, #tpu.memory_space<vmem_shared>> -> memref<128x128xf32, #tpu.memory_space<vmem_shared>>
      %dma_start3A_65 = arith.constant 0 : i32
      %dma_start3A_66 = tpu.memref_slice %arg6[%add3A_10, %dma_start3A_65] : memref<10240x128xf32, #tpu.memory_space<vmem_shared>> -> memref<128x128xf32, #tpu.memory_space<vmem_shared>>
      tpu.enqueue_dma source(%arg9 : memref<128x128xf32, #tpu.memory_space<vmem>>) target(%dma_start3A_66 : memref<128x128xf32, #tpu.memory_space<vmem_shared>>) target_semaphore(%run_scoped3A : memref<!tpu.dma_semaphore, #tpu.memory_space<semaphore_mem>>)
      %dma_wait3A = arith.constant 0 : i32
      %dma_wait3A_67 = tpu.memref_slice %arg6[%add3A_10, %dma_wait3A] : memref<10240x128xf32, #tpu.memory_space<vmem_shared>> -> memref<128x128xf32, #tpu.memory_space<vmem_shared>>
      %dma_wait3A_68 = arith.constant 0 : i32
      %dma_wait3A_69 = tpu.memref_slice %arg6[%add3A_10, %dma_wait3A_68] : memref<10240x128xf32, #tpu.memory_space<vmem_shared>> -> memref<128x128xf32, #tpu.memory_space<vmem_shared>>
      tpu.wait_dma2 semaphore(%run_scoped3A : memref<!tpu.dma_semaphore, #tpu.memory_space<semaphore_mem>>) src(%arg9 : memref<128x128xf32, #tpu.memory_space<vmem>>) dst(%dma_wait3A_69 : memref<128x128xf32, #tpu.memory_space<vmem_shared>>)
      tpu.yield
    }) : () -> ()
    %mul3A_11 = arith.constant 640 : i32
    %mul3A_12 = arith.muli %arg1, %mul3A_11 : i32
    %add3A_13 = arith.constant 256 : i32
    %add3A_14 = arith.addi %mul3A_12, %add3A_13 : i32
    "tpu.region"() ({
      %run_scoped3A = tpu.sem_alloc : memref<!tpu.dma_semaphore, #tpu.memory_space<semaphore_mem>>
      %dma_start3A = arith.constant 0 : i32
      %dma_start3A_64 = tpu.memref_slice %arg6[%add3A_14, %dma_start3A] : memref<10240x128xf32, #tpu.memory_space<vmem_shared>> -> memref<128x128xf32, #tpu.memory_space<vmem_shared>>
      %dma_start3A_65 = arith.constant 0 : i32
      %dma_start3A_66 = tpu.memref_slice %arg6[%add3A_14, %dma_start3A_65] : memref<10240x128xf32, #tpu.memory_space<vmem_shared>> -> memref<128x128xf32, #tpu.memory_space<vmem_shared>>
      tpu.enqueue_dma source(%arg9 : memref<128x128xf32, #tpu.memory_space<vmem>>) target(%dma_start3A_66 : memref<128x128xf32, #tpu.memory_space<vmem_shared>>) target_semaphore(%run_scoped3A : memref<!tpu.dma_semaphore, #tpu.memory_space<semaphore_mem>>)
      %dma_wait3A = arith.constant 0 : i32
      %dma_wait3A_67 = tpu.memref_slice %arg6[%add3A_14, %dma_wait3A] : memref<10240x128xf32, #tpu.memory_space<vmem_shared>> -> memref<128x128xf32, #tpu.memory_space<vmem_shared>>
      %dma_wait3A_68 = arith.constant 0 : i32
      %dma_wait3A_69 = tpu.memref_slice %arg6[%add3A_14, %dma_wait3A_68] : memref<10240x128xf32, #tpu.memory_space<vmem_shared>> -> memref<128x128xf32, #tpu.memory_space<vmem_shared>>
      tpu.wait_dma2 semaphore(%run_scoped3A : memref<!tpu.dma_semaphore, #tpu.memory_space<semaphore_mem>>) src(%arg9 : memref<128x128xf32, #tpu.memory_space<vmem>>) dst(%dma_wait3A_69 : memref<128x128xf32, #tpu.memory_space<vmem_shared>>)
      tpu.yield
    }) : () -> ()
    %mul3A_15 = arith.constant 640 : i32
    %mul3A_16 = arith.muli %arg1, %mul3A_15 : i32
    %add3A_17 = arith.constant 384 : i32
    %add3A_18 = arith.addi %mul3A_16, %add3A_17 : i32
    "tpu.region"() ({
      %run_scoped3A = tpu.sem_alloc : memref<!tpu.dma_semaphore, #tpu.memory_space<semaphore_mem>>
      %dma_start3A = arith.constant 0 : i32
      %dma_start3A_64 = tpu.memref_slice %arg6[%add3A_18, %dma_start3A] : memref<10240x128xf32, #tpu.memory_space<vmem_shared>> -> memref<128x128xf32, #tpu.memory_space<vmem_shared>>
      %dma_start3A_65 = arith.constant 0 : i32
      %dma_start3A_66 = tpu.memref_slice %arg6[%add3A_18, %dma_start3A_65] : memref<10240x128xf32, #tpu.memory_space<vmem_shared>> -> memref<128x128xf32, #tpu.memory_space<vmem_shared>>
      tpu.enqueue_dma source(%arg9 : memref<128x128xf32, #tpu.memory_space<vmem>>) target(%dma_start3A_66 : memref<128x128xf32, #tpu.memory_space<vmem_shared>>) target_semaphore(%run_scoped3A : memref<!tpu.dma_semaphore, #tpu.memory_space<semaphore_mem>>)
      %dma_wait3A = arith.constant 0 : i32
      %dma_wait3A_67 = tpu.memref_slice %arg6[%add3A_18, %dma_wait3A] : memref<10240x128xf32, #tpu.memory_space<vmem_shared>> -> memref<128x128xf32, #tpu.memory_space<vmem_shared>>
      %dma_wait3A_68 = arith.constant 0 : i32
      %dma_wait3A_69 = tpu.memref_slice %arg6[%add3A_18, %dma_wait3A_68] : memref<10240x128xf32, #tpu.memory_space<vmem_shared>> -> memref<128x128xf32, #tpu.memory_space<vmem_shared>>
      tpu.wait_dma2 semaphore(%run_scoped3A : memref<!tpu.dma_semaphore, #tpu.memory_space<semaphore_mem>>) src(%arg9 : memref<128x128xf32, #tpu.memory_space<vmem>>) dst(%dma_wait3A_69 : memref<128x128xf32, #tpu.memory_space<vmem_shared>>)
      tpu.yield
    }) : () -> ()
    %mul3A_19 = arith.constant 640 : i32
    %mul3A_20 = arith.muli %arg1, %mul3A_19 : i32
    %add3A_21 = arith.constant 512 : i32
    %add3A_22 = arith.addi %mul3A_20, %add3A_21 : i32
    "tpu.region"() ({
      %run_scoped3A = tpu.sem_alloc : memref<!tpu.dma_semaphore, #tpu.memory_space<semaphore_mem>>
      %dma_start3A = arith.constant 0 : i32
      %dma_start3A_64 = tpu.memref_slice %arg6[%add3A_22, %dma_start3A] : memref<10240x128xf32, #tpu.memory_space<vmem_shared>> -> memref<128x128xf32, #tpu.memory_space<vmem_shared>>
      %dma_start3A_65 = arith.constant 0 : i32
      %dma_start3A_66 = tpu.memref_slice %arg6[%add3A_22, %dma_start3A_65] : memref<10240x128xf32, #tpu.memory_space<vmem_shared>> -> memref<128x128xf32, #tpu.memory_space<vmem_shared>>
      tpu.enqueue_dma source(%arg9 : memref<128x128xf32, #tpu.memory_space<vmem>>) target(%dma_start3A_66 : memref<128x128xf32, #tpu.memory_space<vmem_shared>>) target_semaphore(%run_scoped3A : memref<!tpu.dma_semaphore, #tpu.memory_space<semaphore_mem>>)
      %dma_wait3A = arith.constant 0 : i32
      %dma_wait3A_67 = tpu.memref_slice %arg6[%add3A_22, %dma_wait3A] : memref<10240x128xf32, #tpu.memory_space<vmem_shared>> -> memref<128x128xf32, #tpu.memory_space<vmem_shared>>
      %dma_wait3A_68 = arith.constant 0 : i32
      %dma_wait3A_69 = tpu.memref_slice %arg6[%add3A_22, %dma_wait3A_68] : memref<10240x128xf32, #tpu.memory_space<vmem_shared>> -> memref<128x128xf32, #tpu.memory_space<vmem_shared>>
      tpu.wait_dma2 semaphore(%run_scoped3A : memref<!tpu.dma_semaphore, #tpu.memory_space<semaphore_mem>>) src(%arg9 : memref<128x128xf32, #tpu.memory_space<vmem>>) dst(%dma_wait3A_69 : memref<128x128xf32, #tpu.memory_space<vmem_shared>>)
      tpu.yield
    }) : () -> ()
    %barrier3A = arith.constant 0 : index
    tpu.barrier barrier_id(%barrier3A)
    %scan3A = arith.constant 0 : i32
    %scan3A_23 = arith.constant 0 : i32
    %scan3A_24 = arith.constant 40 : i32
    %scan3A_25 = arith.addi %scan3A_23, %scan3A_24 : i32
    %scan3A_26 = arith.constant 1 : i32
    scf.for %scan3A_64 = %scan3A_23 to %scan3A_25 step %scan3A_26  : i32 {
      %dma_start3A = arith.constant 0 : i32
      %dma_start3A_65 = tpu.memref_slice %arg7[%scan3A_64, %dma_start3A] : memref<40x128xi32, #tpu.memory_space<vmem>> -> memref<1x128xi32, #tpu.memory_space<vmem>>
      %dma_start3A_66 = tpu.memref_squeeze %dma_start3A_65 : memref<1x128xi32, #tpu.memory_space<vmem>> -> memref<128xi32, #tpu.memory_space<vmem>>
      %dma_start3A_67 = arith.constant 0 : i32
      %dma_start3A_68 = arith.constant 0 : i32
      %dma_start3A_69 = tpu.memref_slice %arg6[%dma_start3A_67, %dma_start3A_68] : memref<10240x128xf32, #tpu.memory_space<vmem_shared>> -> memref<10240x128xf32, #tpu.memory_space<vmem_shared>>
      tpu.enqueue_indirect_dma source(%arg8 : memref<128x128xf32, #tpu.memory_space<vmem>>) target(%dma_start3A_69 : memref<10240x128xf32, #tpu.memory_space<vmem_shared>>) offsets(%dma_start3A_66 : memref<128xi32, #tpu.memory_space<vmem>>) semaphore(%arg10 : memref<!tpu.dma_semaphore, #tpu.memory_space<semaphore_mem>>) {add = true}
      tpu.wait_dma2 semaphore(%arg10 : memref<!tpu.dma_semaphore, #tpu.memory_space<semaphore_mem>>) src(%arg3 : memref<128x128xf32, #tpu.memory_space<hbm>>) dst(%arg8 : memref<128x128xf32, #tpu.memory_space<vmem>>)
    }
    %scan3A_27 = arith.constant 40 : i32
    %barrier3A_28 = arith.constant 0 : index
    tpu.barrier barrier_id(%barrier3A_28)
    %mul3A_29 = arith.constant 640 : i32
    %mul3A_30 = arith.muli %arg1, %mul3A_29 : i32
    %add3A_31 = arith.constant 0 : i32
    %add3A_32 = arith.addi %mul3A_30, %add3A_31 : i32
    "tpu.region"() ({
      %run_scoped3A = tpu.sem_alloc : memref<!tpu.dma_semaphore, #tpu.memory_space<semaphore_mem>>
      %dma_start3A = arith.constant 0 : i32
      %dma_start3A_64 = tpu.memref_slice %arg6[%add3A_32, %dma_start3A] : memref<10240x128xf32, #tpu.memory_space<vmem_shared>> -> memref<128x128xf32, #tpu.memory_space<vmem_shared>>
      %dma_start3A_65 = arith.constant 0 : i32
      %dma_start3A_66 = tpu.memref_slice %arg6[%add3A_32, %dma_start3A_65] : memref<10240x128xf32, #tpu.memory_space<vmem_shared>> -> memref<128x128xf32, #tpu.memory_space<vmem_shared>>
      tpu.enqueue_dma source(%dma_start3A_66 : memref<128x128xf32, #tpu.memory_space<vmem_shared>>) target(%arg9 : memref<128x128xf32, #tpu.memory_space<vmem>>) target_semaphore(%run_scoped3A : memref<!tpu.dma_semaphore, #tpu.memory_space<semaphore_mem>>)
      %dma_wait3A = arith.constant 0 : i32
      %dma_wait3A_67 = tpu.memref_slice %arg6[%add3A_32, %dma_wait3A] : memref<10240x128xf32, #tpu.memory_space<vmem_shared>> -> memref<128x128xf32, #tpu.memory_space<vmem_shared>>
      %dma_wait3A_68 = arith.constant 0 : i32
      %dma_wait3A_69 = tpu.memref_slice %arg6[%add3A_32, %dma_wait3A_68] : memref<10240x128xf32, #tpu.memory_space<vmem_shared>> -> memref<128x128xf32, #tpu.memory_space<vmem_shared>>
      tpu.wait_dma2 semaphore(%run_scoped3A : memref<!tpu.dma_semaphore, #tpu.memory_space<semaphore_mem>>) src(%dma_wait3A_69 : memref<128x128xf32, #tpu.memory_space<vmem_shared>>) dst(%arg9 : memref<128x128xf32, #tpu.memory_space<vmem>>)
      tpu.yield
    }) : () -> ()
    %mul3A_33 = arith.constant 10240 : i32
    %mul3A_34 = arith.muli %arg0, %mul3A_33 : i32
    %add3A_35 = arith.addi %mul3A_34, %add3A_32 : i32
    "tpu.region"() ({
      %run_scoped3A = tpu.sem_alloc : memref<!tpu.dma_semaphore, #tpu.memory_space<semaphore_mem>>
      %dma_start3A = arith.constant 0 : i32
      %dma_start3A_64 = tpu.memref_slice %arg5[%add3A_35, %dma_start3A] : memref<20480x128xf32, #tpu.memory_space<hbm>> -> memref<128x128xf32, #tpu.memory_space<hbm>>
      %dma_start3A_65 = arith.constant 0 : i32
      %dma_start3A_66 = tpu.memref_slice %arg5[%add3A_35, %dma_start3A_65] : memref<20480x128xf32, #tpu.memory_space<hbm>> -> memref<128x128xf32, #tpu.memory_space<hbm>>
      tpu.enqueue_dma source(%arg9 : memref<128x128xf32, #tpu.memory_space<vmem>>) target(%dma_start3A_66 : memref<128x128xf32, #tpu.memory_space<hbm>>) target_semaphore(%run_scoped3A : memref<!tpu.dma_semaphore, #tpu.memory_space<semaphore_mem>>)
      %dma_wait3A = arith.constant 0 : i32
      %dma_wait3A_67 = tpu.memref_slice %arg5[%add3A_35, %dma_wait3A] : memref<20480x128xf32, #tpu.memory_space<hbm>> -> memref<128x128xf32, #tpu.memory_space<hbm>>
      %dma_wait3A_68 = arith.constant 0 : i32
      %dma_wait3A_69 = tpu.memref_slice %arg5[%add3A_35, %dma_wait3A_68] : memref<20480x128xf32, #tpu.memory_space<hbm>> -> memref<128x128xf32, #tpu.memory_space<hbm>>
      tpu.wait_dma2 semaphore(%run_scoped3A : memref<!tpu.dma_semaphore, #tpu.memory_space<semaphore_mem>>) src(%arg9 : memref<128x128xf32, #tpu.memory_space<vmem>>) dst(%dma_wait3A_69 : memref<128x128xf32, #tpu.memory_space<hbm>>)
      tpu.yield
    }) : () -> ()
    %mul3A_36 = arith.constant 640 : i32
    %mul3A_37 = arith.muli %arg1, %mul3A_36 : i32
    %add3A_38 = arith.constant 128 : i32
    %add3A_39 = arith.addi %mul3A_37, %add3A_38 : i32
    "tpu.region"() ({
      %run_scoped3A = tpu.sem_alloc : memref<!tpu.dma_semaphore, #tpu.memory_space<semaphore_mem>>
      %dma_start3A = arith.constant 0 : i32
      %dma_start3A_64 = tpu.memref_slice %arg6[%add3A_39, %dma_start3A] : memref<10240x128xf32, #tpu.memory_space<vmem_shared>> -> memref<128x128xf32, #tpu.memory_space<vmem_shared>>
      %dma_start3A_65 = arith.constant 0 : i32
      %dma_start3A_66 = tpu.memref_slice %arg6[%add3A_39, %dma_start3A_65] : memref<10240x128xf32, #tpu.memory_space<vmem_shared>> -> memref<128x128xf32, #tpu.memory_space<vmem_shared>>
      tpu.enqueue_dma source(%dma_start3A_66 : memref<128x128xf32, #tpu.memory_space<vmem_shared>>) target(%arg9 : memref<128x128xf32, #tpu.memory_space<vmem>>) target_semaphore(%run_scoped3A : memref<!tpu.dma_semaphore, #tpu.memory_space<semaphore_mem>>)
      %dma_wait3A = arith.constant 0 : i32
      %dma_wait3A_67 = tpu.memref_slice %arg6[%add3A_39, %dma_wait3A] : memref<10240x128xf32, #tpu.memory_space<vmem_shared>> -> memref<128x128xf32, #tpu.memory_space<vmem_shared>>
      %dma_wait3A_68 = arith.constant 0 : i32
      %dma_wait3A_69 = tpu.memref_slice %arg6[%add3A_39, %dma_wait3A_68] : memref<10240x128xf32, #tpu.memory_space<vmem_shared>> -> memref<128x128xf32, #tpu.memory_space<vmem_shared>>
      tpu.wait_dma2 semaphore(%run_scoped3A : memref<!tpu.dma_semaphore, #tpu.memory_space<semaphore_mem>>) src(%dma_wait3A_69 : memref<128x128xf32, #tpu.memory_space<vmem_shared>>) dst(%arg9 : memref<128x128xf32, #tpu.memory_space<vmem>>)
      tpu.yield
    }) : () -> ()
    %mul3A_40 = arith.constant 10240 : i32
    %mul3A_41 = arith.muli %arg0, %mul3A_40 : i32
    %add3A_42 = arith.addi %mul3A_41, %add3A_39 : i32
    "tpu.region"() ({
      %run_scoped3A = tpu.sem_alloc : memref<!tpu.dma_semaphore, #tpu.memory_space<semaphore_mem>>
      %dma_start3A = arith.constant 0 : i32
      %dma_start3A_64 = tpu.memref_slice %arg5[%add3A_42, %dma_start3A] : memref<20480x128xf32, #tpu.memory_space<hbm>> -> memref<128x128xf32, #tpu.memory_space<hbm>>
      %dma_start3A_65 = arith.constant 0 : i32
      %dma_start3A_66 = tpu.memref_slice %arg5[%add3A_42, %dma_start3A_65] : memref<20480x128xf32, #tpu.memory_space<hbm>> -> memref<128x128xf32, #tpu.memory_space<hbm>>
      tpu.enqueue_dma source(%arg9 : memref<128x128xf32, #tpu.memory_space<vmem>>) target(%dma_start3A_66 : memref<128x128xf32, #tpu.memory_space<hbm>>) target_semaphore(%run_scoped3A : memref<!tpu.dma_semaphore, #tpu.memory_space<semaphore_mem>>)
      %dma_wait3A = arith.constant 0 : i32
      %dma_wait3A_67 = tpu.memref_slice %arg5[%add3A_42, %dma_wait3A] : memref<20480x128xf32, #tpu.memory_space<hbm>> -> memref<128x128xf32, #tpu.memory_space<hbm>>
      %dma_wait3A_68 = arith.constant 0 : i32
      %dma_wait3A_69 = tpu.memref_slice %arg5[%add3A_42, %dma_wait3A_68] : memref<20480x128xf32, #tpu.memory_space<hbm>> -> memref<128x128xf32, #tpu.memory_space<hbm>>
      tpu.wait_dma2 semaphore(%run_scoped3A : memref<!tpu.dma_semaphore, #tpu.memory_space<semaphore_mem>>) src(%arg9 : memref<128x128xf32, #tpu.memory_space<vmem>>) dst(%dma_wait3A_69 : memref<128x128xf32, #tpu.memory_space<hbm>>)
      tpu.yield
    }) : () -> ()
    %mul3A_43 = arith.constant 640 : i32
    %mul3A_44 = arith.muli %arg1, %mul3A_43 : i32
    %add3A_45 = arith.constant 256 : i32
    %add3A_46 = arith.addi %mul3A_44, %add3A_45 : i32
    "tpu.region"() ({
      %run_scoped3A = tpu.sem_alloc : memref<!tpu.dma_semaphore, #tpu.memory_space<semaphore_mem>>
      %dma_start3A = arith.constant 0 : i32
      %dma_start3A_64 = tpu.memref_slice %arg6[%add3A_46, %dma_start3A] : memref<10240x128xf32, #tpu.memory_space<vmem_shared>> -> memref<128x128xf32, #tpu.memory_space<vmem_shared>>
      %dma_start3A_65 = arith.constant 0 : i32
      %dma_start3A_66 = tpu.memref_slice %arg6[%add3A_46, %dma_start3A_65] : memref<10240x128xf32, #tpu.memory_space<vmem_shared>> -> memref<128x128xf32, #tpu.memory_space<vmem_shared>>
      tpu.enqueue_dma source(%dma_start3A_66 : memref<128x128xf32, #tpu.memory_space<vmem_shared>>) target(%arg9 : memref<128x128xf32, #tpu.memory_space<vmem>>) target_semaphore(%run_scoped3A : memref<!tpu.dma_semaphore, #tpu.memory_space<semaphore_mem>>)
      %dma_wait3A = arith.constant 0 : i32
      %dma_wait3A_67 = tpu.memref_slice %arg6[%add3A_46, %dma_wait3A] : memref<10240x128xf32, #tpu.memory_space<vmem_shared>> -> memref<128x128xf32, #tpu.memory_space<vmem_shared>>
      %dma_wait3A_68 = arith.constant 0 : i32
      %dma_wait3A_69 = tpu.memref_slice %arg6[%add3A_46, %dma_wait3A_68] : memref<10240x128xf32, #tpu.memory_space<vmem_shared>> -> memref<128x128xf32, #tpu.memory_space<vmem_shared>>
      tpu.wait_dma2 semaphore(%run_scoped3A : memref<!tpu.dma_semaphore, #tpu.memory_space<semaphore_mem>>) src(%dma_wait3A_69 : memref<128x128xf32, #tpu.memory_space<vmem_shared>>) dst(%arg9 : memref<128x128xf32, #tpu.memory_space<vmem>>)
      tpu.yield
    }) : () -> ()
    %mul3A_47 = arith.constant 10240 : i32
    %mul3A_48 = arith.muli %arg0, %mul3A_47 : i32
    %add3A_49 = arith.addi %mul3A_48, %add3A_46 : i32
    "tpu.region"() ({
      %run_scoped3A = tpu.sem_alloc : memref<!tpu.dma_semaphore, #tpu.memory_space<semaphore_mem>>
      %dma_start3A = arith.constant 0 : i32
      %dma_start3A_64 = tpu.memref_slice %arg5[%add3A_49, %dma_start3A] : memref<20480x128xf32, #tpu.memory_space<hbm>> -> memref<128x128xf32, #tpu.memory_space<hbm>>
      %dma_start3A_65 = arith.constant 0 : i32
      %dma_start3A_66 = tpu.memref_slice %arg5[%add3A_49, %dma_start3A_65] : memref<20480x128xf32, #tpu.memory_space<hbm>> -> memref<128x128xf32, #tpu.memory_space<hbm>>
      tpu.enqueue_dma source(%arg9 : memref<128x128xf32, #tpu.memory_space<vmem>>) target(%dma_start3A_66 : memref<128x128xf32, #tpu.memory_space<hbm>>) target_semaphore(%run_scoped3A : memref<!tpu.dma_semaphore, #tpu.memory_space<semaphore_mem>>)
      %dma_wait3A = arith.constant 0 : i32
      %dma_wait3A_67 = tpu.memref_slice %arg5[%add3A_49, %dma_wait3A] : memref<20480x128xf32, #tpu.memory_space<hbm>> -> memref<128x128xf32, #tpu.memory_space<hbm>>
      %dma_wait3A_68 = arith.constant 0 : i32
      %dma_wait3A_69 = tpu.memref_slice %arg5[%add3A_49, %dma_wait3A_68] : memref<20480x128xf32, #tpu.memory_space<hbm>> -> memref<128x128xf32, #tpu.memory_space<hbm>>
      tpu.wait_dma2 semaphore(%run_scoped3A : memref<!tpu.dma_semaphore, #tpu.memory_space<semaphore_mem>>) src(%arg9 : memref<128x128xf32, #tpu.memory_space<vmem>>) dst(%dma_wait3A_69 : memref<128x128xf32, #tpu.memory_space<hbm>>)
      tpu.yield
    }) : () -> ()
    %mul3A_50 = arith.constant 640 : i32
    %mul3A_51 = arith.muli %arg1, %mul3A_50 : i32
    %add3A_52 = arith.constant 384 : i32
    %add3A_53 = arith.addi %mul3A_51, %add3A_52 : i32
    "tpu.region"() ({
      %run_scoped3A = tpu.sem_alloc : memref<!tpu.dma_semaphore, #tpu.memory_space<semaphore_mem>>
      %dma_start3A = arith.constant 0 : i32
      %dma_start3A_64 = tpu.memref_slice %arg6[%add3A_53, %dma_start3A] : memref<10240x128xf32, #tpu.memory_space<vmem_shared>> -> memref<128x128xf32, #tpu.memory_space<vmem_shared>>
      %dma_start3A_65 = arith.constant 0 : i32
      %dma_start3A_66 = tpu.memref_slice %arg6[%add3A_53, %dma_start3A_65] : memref<10240x128xf32, #tpu.memory_space<vmem_shared>> -> memref<128x128xf32, #tpu.memory_space<vmem_shared>>
      tpu.enqueue_dma source(%dma_start3A_66 : memref<128x128xf32, #tpu.memory_space<vmem_shared>>) target(%arg9 : memref<128x128xf32, #tpu.memory_space<vmem>>) target_semaphore(%run_scoped3A : memref<!tpu.dma_semaphore, #tpu.memory_space<semaphore_mem>>)
      %dma_wait3A = arith.constant 0 : i32
      %dma_wait3A_67 = tpu.memref_slice %arg6[%add3A_53, %dma_wait3A] : memref<10240x128xf32, #tpu.memory_space<vmem_shared>> -> memref<128x128xf32, #tpu.memory_space<vmem_shared>>
      %dma_wait3A_68 = arith.constant 0 : i32
      %dma_wait3A_69 = tpu.memref_slice %arg6[%add3A_53, %dma_wait3A_68] : memref<10240x128xf32, #tpu.memory_space<vmem_shared>> -> memref<128x128xf32, #tpu.memory_space<vmem_shared>>
      tpu.wait_dma2 semaphore(%run_scoped3A : memref<!tpu.dma_semaphore, #tpu.memory_space<semaphore_mem>>) src(%dma_wait3A_69 : memref<128x128xf32, #tpu.memory_space<vmem_shared>>) dst(%arg9 : memref<128x128xf32, #tpu.memory_space<vmem>>)
      tpu.yield
    }) : () -> ()
    %mul3A_54 = arith.constant 10240 : i32
    %mul3A_55 = arith.muli %arg0, %mul3A_54 : i32
    %add3A_56 = arith.addi %mul3A_55, %add3A_53 : i32
    "tpu.region"() ({
      %run_scoped3A = tpu.sem_alloc : memref<!tpu.dma_semaphore, #tpu.memory_space<semaphore_mem>>
      %dma_start3A = arith.constant 0 : i32
      %dma_start3A_64 = tpu.memref_slice %arg5[%add3A_56, %dma_start3A] : memref<20480x128xf32, #tpu.memory_space<hbm>> -> memref<128x128xf32, #tpu.memory_space<hbm>>
      %dma_start3A_65 = arith.constant 0 : i32
      %dma_start3A_66 = tpu.memref_slice %arg5[%add3A_56, %dma_start3A_65] : memref<20480x128xf32, #tpu.memory_space<hbm>> -> memref<128x128xf32, #tpu.memory_space<hbm>>
      tpu.enqueue_dma source(%arg9 : memref<128x128xf32, #tpu.memory_space<vmem>>) target(%dma_start3A_66 : memref<128x128xf32, #tpu.memory_space<hbm>>) target_semaphore(%run_scoped3A : memref<!tpu.dma_semaphore, #tpu.memory_space<semaphore_mem>>)
      %dma_wait3A = arith.constant 0 : i32
      %dma_wait3A_67 = tpu.memref_slice %arg5[%add3A_56, %dma_wait3A] : memref<20480x128xf32, #tpu.memory_space<hbm>> -> memref<128x128xf32, #tpu.memory_space<hbm>>
      %dma_wait3A_68 = arith.constant 0 : i32
      %dma_wait3A_69 = tpu.memref_slice %arg5[%add3A_56, %dma_wait3A_68] : memref<20480x128xf32, #tpu.memory_space<hbm>> -> memref<128x128xf32, #tpu.memory_space<hbm>>
      tpu.wait_dma2 semaphore(%run_scoped3A : memref<!tpu.dma_semaphore, #tpu.memory_space<semaphore_mem>>) src(%arg9 : memref<128x128xf32, #tpu.memory_space<vmem>>) dst(%dma_wait3A_69 : memref<128x128xf32, #tpu.memory_space<hbm>>)
      tpu.yield
    }) : () -> ()
    %mul3A_57 = arith.constant 640 : i32
    %mul3A_58 = arith.muli %arg1, %mul3A_57 : i32
    %add3A_59 = arith.constant 512 : i32
    %add3A_60 = arith.addi %mul3A_58, %add3A_59 : i32
    "tpu.region"() ({
      %run_scoped3A = tpu.sem_alloc : memref<!tpu.dma_semaphore, #tpu.memory_space<semaphore_mem>>
      %dma_start3A = arith.constant 0 : i32
      %dma_start3A_64 = tpu.memref_slice %arg6[%add3A_60, %dma_start3A] : memref<10240x128xf32, #tpu.memory_space<vmem_shared>> -> memref<128x128xf32, #tpu.memory_space<vmem_shared>>
      %dma_start3A_65 = arith.constant 0 : i32
      %dma_start3A_66 = tpu.memref_slice %arg6[%add3A_60, %dma_start3A_65] : memref<10240x128xf32, #tpu.memory_space<vmem_shared>> -> memref<128x128xf32, #tpu.memory_space<vmem_shared>>
      tpu.enqueue_dma source(%dma_start3A_66 : memref<128x128xf32, #tpu.memory_space<vmem_shared>>) target(%arg9 : memref<128x128xf32, #tpu.memory_space<vmem>>) target_semaphore(%run_scoped3A : memref<!tpu.dma_semaphore, #tpu.memory_space<semaphore_mem>>)
      %dma_wait3A = arith.constant 0 : i32
      %dma_wait3A_67 = tpu.memref_slice %arg6[%add3A_60, %dma_wait3A] : memref<10240x128xf32, #tpu.memory_space<vmem_shared>> -> memref<128x128xf32, #tpu.memory_space<vmem_shared>>
      %dma_wait3A_68 = arith.constant 0 : i32
      %dma_wait3A_69 = tpu.memref_slice %arg6[%add3A_60, %dma_wait3A_68] : memref<10240x128xf32, #tpu.memory_space<vmem_shared>> -> memref<128x128xf32, #tpu.memory_space<vmem_shared>>
      tpu.wait_dma2 semaphore(%run_scoped3A : memref<!tpu.dma_semaphore, #tpu.memory_space<semaphore_mem>>) src(%dma_wait3A_69 : memref<128x128xf32, #tpu.memory_space<vmem_shared>>) dst(%arg9 : memref<128x128xf32, #tpu.memory_space<vmem>>)
      tpu.yield
    }) : () -> ()
    %mul3A_61 = arith.constant 10240 : i32
    %mul3A_62 = arith.muli %arg0, %mul3A_61 : i32
    %add3A_63 = arith.addi %mul3A_62, %add3A_60 : i32
    "tpu.region"() ({
      %run_scoped3A = tpu.sem_alloc : memref<!tpu.dma_semaphore, #tpu.memory_space<semaphore_mem>>
      %dma_start3A = arith.constant 0 : i32
      %dma_start3A_64 = tpu.memref_slice %arg5[%add3A_63, %dma_start3A] : memref<20480x128xf32, #tpu.memory_space<hbm>> -> memref<128x128xf32, #tpu.memory_space<hbm>>
      %dma_start3A_65 = arith.constant 0 : i32
      %dma_start3A_66 = tpu.memref_slice %arg5[%add3A_63, %dma_start3A_65] : memref<20480x128xf32, #tpu.memory_space<hbm>> -> memref<128x128xf32, #tpu.memory_space<hbm>>
      tpu.enqueue_dma source(%arg9 : memref<128x128xf32, #tpu.memory_space<vmem>>) target(%dma_start3A_66 : memref<128x128xf32, #tpu.memory_space<hbm>>) target_semaphore(%run_scoped3A : memref<!tpu.dma_semaphore, #tpu.memory_space<semaphore_mem>>)
      %dma_wait3A = arith.constant 0 : i32
      %dma_wait3A_67 = tpu.memref_slice %arg5[%add3A_63, %dma_wait3A] : memref<20480x128xf32, #tpu.memory_space<hbm>> -> memref<128x128xf32, #tpu.memory_space<hbm>>
      %dma_wait3A_68 = arith.constant 0 : i32
      %dma_wait3A_69 = tpu.memref_slice %arg5[%add3A_63, %dma_wait3A_68] : memref<20480x128xf32, #tpu.memory_space<hbm>> -> memref<128x128xf32, #tpu.memory_space<hbm>>
      tpu.wait_dma2 semaphore(%run_scoped3A : memref<!tpu.dma_semaphore, #tpu.memory_space<semaphore_mem>>) src(%arg9 : memref<128x128xf32, #tpu.memory_space<vmem>>) dst(%dma_wait3A_69 : memref<128x128xf32, #tpu.memory_space<hbm>>)
      tpu.yield
    }) : () -> ()
    return
  }
}

#map = affine_map<(d0, d1) -> (0, 0)>
#map1 = affine_map<(d0, d1) -> (0, 0, 0)>
module attributes {stable_mosaic.version = 14 : i64} {
  func.func @_agg_body(%arg0: i32, %arg1: i32, %arg2: memref<20000x128xf32, #tpu.memory_space<hbm>>, %arg3: memref<2x1280x256xi32, #tpu.memory_space<hbm>>, %arg4: memref<128x128xf32, #tpu.memory_space<hbm>>, %arg5: memref<20480x128xf32, #tpu.memory_space<hbm>>, %arg6: memref<10240x128xf32, #tpu.memory_space<vmem_shared>>, %arg7: memref<40x256xi32, #tpu.memory_space<vmem>>, %arg8: memref<128x128xf32, #tpu.memory_space<vmem>>, %arg9: memref<128x128xf32, #tpu.memory_space<vmem>>, %arg10: memref<!tpu.dma_semaphore, #tpu.memory_space<semaphore_mem>>, %arg11: memref<!tpu.dma_semaphore, #tpu.memory_space<semaphore_mem>>, %arg12: memref<!tpu.dma_semaphore, #tpu.memory_space<semaphore_mem>>, %arg13: memref<!tpu.dma_semaphore, #tpu.memory_space<semaphore_mem>>, %arg14: memref<!tpu.dma_semaphore, #tpu.memory_space<semaphore_mem>>) attributes {dimension_semantics = [#tpu.dimension_semantics<core_parallel>, #tpu.dimension_semantics<subcore_parallel>], iteration_bounds = array<i64: 2, 16>, scalar_prefetch = 0 : i64, scratch_operands = 9 : i64, tpu.core_type = #tpu.core_type<sc_vector_subcore>, window_params = [{transform_indices = #map}, {transform_indices = #map1}, {transform_indices = #map}, {transform_indices = #map}]} {
    %mul3A = arith.constant 80 : i32
    %mul3A_0 = arith.muli %arg1, %mul3A : i32
    %dma_start3A = arith.constant 0 : i32
    %dma_start3A_1 = tpu.memref_slice %arg3[%arg0, %mul3A_0, %dma_start3A] : memref<2x1280x256xi32, #tpu.memory_space<hbm>> -> memref<1x40x256xi32, #tpu.memory_space<hbm>>
    %dma_start3A_2 = tpu.memref_squeeze %dma_start3A_1 : memref<1x40x256xi32, #tpu.memory_space<hbm>> -> memref<40x256xi32, #tpu.memory_space<hbm>>
    %dma_start3A_3 = arith.constant 0 : i32
    %dma_start3A_4 = tpu.memref_slice %arg3[%arg0, %mul3A_0, %dma_start3A_3] : memref<2x1280x256xi32, #tpu.memory_space<hbm>> -> memref<1x40x256xi32, #tpu.memory_space<hbm>>
    %dma_start3A_5 = tpu.memref_squeeze %dma_start3A_4 : memref<1x40x256xi32, #tpu.memory_space<hbm>> -> memref<40x256xi32, #tpu.memory_space<hbm>>
    tpu.enqueue_dma source(%dma_start3A_5 : memref<40x256xi32, #tpu.memory_space<hbm>>) target(%arg7 : memref<40x256xi32, #tpu.memory_space<vmem>>) target_semaphore(%arg14 : memref<!tpu.dma_semaphore, #tpu.memory_space<semaphore_mem>>)
    "tpu.region"() ({
      %run_scoped3A = tpu.sem_alloc : memref<!tpu.dma_semaphore, #tpu.memory_space<semaphore_mem>>
      tpu.enqueue_dma source(%arg4 : memref<128x128xf32, #tpu.memory_space<hbm>>) target(%arg8 : memref<128x128xf32, #tpu.memory_space<vmem>>) target_semaphore(%run_scoped3A : memref<!tpu.dma_semaphore, #tpu.memory_space<semaphore_mem>>)
      tpu.wait_dma2 semaphore(%run_scoped3A : memref<!tpu.dma_semaphore, #tpu.memory_space<semaphore_mem>>) src(%arg4 : memref<128x128xf32, #tpu.memory_space<hbm>>) dst(%arg8 : memref<128x128xf32, #tpu.memory_space<vmem>>)
      tpu.yield
    }) : () -> ()
    %mul3A_6 = arith.constant 640 : i32
    %mul3A_7 = arith.muli %arg1, %mul3A_6 : i32
    %add3A = arith.constant 0 : i32
    %add3A_8 = arith.addi %mul3A_7, %add3A : i32
    %dma_start3A_9 = arith.constant 0 : i32
    %dma_start3A_10 = tpu.memref_slice %arg6[%add3A_8, %dma_start3A_9] : memref<10240x128xf32, #tpu.memory_space<vmem_shared>> -> memref<128x128xf32, #tpu.memory_space<vmem_shared>>
    %dma_start3A_11 = arith.constant 0 : i32
    %dma_start3A_12 = tpu.memref_slice %arg6[%add3A_8, %dma_start3A_11] : memref<10240x128xf32, #tpu.memory_space<vmem_shared>> -> memref<128x128xf32, #tpu.memory_space<vmem_shared>>
    tpu.enqueue_dma source(%arg8 : memref<128x128xf32, #tpu.memory_space<vmem>>) target(%dma_start3A_12 : memref<128x128xf32, #tpu.memory_space<vmem_shared>>) target_semaphore(%arg12 : memref<!tpu.dma_semaphore, #tpu.memory_space<semaphore_mem>>)
    %mul3A_13 = arith.constant 640 : i32
    %mul3A_14 = arith.muli %arg1, %mul3A_13 : i32
    %add3A_15 = arith.constant 128 : i32
    %add3A_16 = arith.addi %mul3A_14, %add3A_15 : i32
    %dma_start3A_17 = arith.constant 0 : i32
    %dma_start3A_18 = tpu.memref_slice %arg6[%add3A_16, %dma_start3A_17] : memref<10240x128xf32, #tpu.memory_space<vmem_shared>> -> memref<128x128xf32, #tpu.memory_space<vmem_shared>>
    %dma_start3A_19 = arith.constant 0 : i32
    %dma_start3A_20 = tpu.memref_slice %arg6[%add3A_16, %dma_start3A_19] : memref<10240x128xf32, #tpu.memory_space<vmem_shared>> -> memref<128x128xf32, #tpu.memory_space<vmem_shared>>
    tpu.enqueue_dma source(%arg8 : memref<128x128xf32, #tpu.memory_space<vmem>>) target(%dma_start3A_20 : memref<128x128xf32, #tpu.memory_space<vmem_shared>>) target_semaphore(%arg13 : memref<!tpu.dma_semaphore, #tpu.memory_space<semaphore_mem>>)
    %mul3A_21 = arith.constant 640 : i32
    %mul3A_22 = arith.muli %arg1, %mul3A_21 : i32
    %dma_wait3A = arith.constant 0 : i32
    %dma_wait3A_23 = tpu.memref_slice %arg6[%mul3A_22, %dma_wait3A] : memref<10240x128xf32, #tpu.memory_space<vmem_shared>> -> memref<128x128xf32, #tpu.memory_space<vmem_shared>>
    %dma_wait3A_24 = arith.constant 0 : i32
    %dma_wait3A_25 = tpu.memref_slice %arg6[%mul3A_22, %dma_wait3A_24] : memref<10240x128xf32, #tpu.memory_space<vmem_shared>> -> memref<128x128xf32, #tpu.memory_space<vmem_shared>>
    tpu.wait_dma2 semaphore(%arg12 : memref<!tpu.dma_semaphore, #tpu.memory_space<semaphore_mem>>) src(%arg8 : memref<128x128xf32, #tpu.memory_space<vmem>>) dst(%dma_wait3A_25 : memref<128x128xf32, #tpu.memory_space<vmem_shared>>)
    %mul3A_26 = arith.constant 640 : i32
    %mul3A_27 = arith.muli %arg1, %mul3A_26 : i32
    %add3A_28 = arith.constant 256 : i32
    %add3A_29 = arith.addi %mul3A_27, %add3A_28 : i32
    %dma_start3A_30 = arith.constant 0 : i32
    %dma_start3A_31 = tpu.memref_slice %arg6[%add3A_29, %dma_start3A_30] : memref<10240x128xf32, #tpu.memory_space<vmem_shared>> -> memref<128x128xf32, #tpu.memory_space<vmem_shared>>
    %dma_start3A_32 = arith.constant 0 : i32
    %dma_start3A_33 = tpu.memref_slice %arg6[%add3A_29, %dma_start3A_32] : memref<10240x128xf32, #tpu.memory_space<vmem_shared>> -> memref<128x128xf32, #tpu.memory_space<vmem_shared>>
    tpu.enqueue_dma source(%arg8 : memref<128x128xf32, #tpu.memory_space<vmem>>) target(%dma_start3A_33 : memref<128x128xf32, #tpu.memory_space<vmem_shared>>) target_semaphore(%arg12 : memref<!tpu.dma_semaphore, #tpu.memory_space<semaphore_mem>>)
    %mul3A_34 = arith.constant 640 : i32
    %mul3A_35 = arith.muli %arg1, %mul3A_34 : i32
    %dma_wait3A_36 = arith.constant 0 : i32
    %dma_wait3A_37 = tpu.memref_slice %arg6[%mul3A_35, %dma_wait3A_36] : memref<10240x128xf32, #tpu.memory_space<vmem_shared>> -> memref<128x128xf32, #tpu.memory_space<vmem_shared>>
    %dma_wait3A_38 = arith.constant 0 : i32
    %dma_wait3A_39 = tpu.memref_slice %arg6[%mul3A_35, %dma_wait3A_38] : memref<10240x128xf32, #tpu.memory_space<vmem_shared>> -> memref<128x128xf32, #tpu.memory_space<vmem_shared>>
    tpu.wait_dma2 semaphore(%arg13 : memref<!tpu.dma_semaphore, #tpu.memory_space<semaphore_mem>>) src(%arg8 : memref<128x128xf32, #tpu.memory_space<vmem>>) dst(%dma_wait3A_39 : memref<128x128xf32, #tpu.memory_space<vmem_shared>>)
    %mul3A_40 = arith.constant 640 : i32
    %mul3A_41 = arith.muli %arg1, %mul3A_40 : i32
    %add3A_42 = arith.constant 384 : i32
    %add3A_43 = arith.addi %mul3A_41, %add3A_42 : i32
    %dma_start3A_44 = arith.constant 0 : i32
    %dma_start3A_45 = tpu.memref_slice %arg6[%add3A_43, %dma_start3A_44] : memref<10240x128xf32, #tpu.memory_space<vmem_shared>> -> memref<128x128xf32, #tpu.memory_space<vmem_shared>>
    %dma_start3A_46 = arith.constant 0 : i32
    %dma_start3A_47 = tpu.memref_slice %arg6[%add3A_43, %dma_start3A_46] : memref<10240x128xf32, #tpu.memory_space<vmem_shared>> -> memref<128x128xf32, #tpu.memory_space<vmem_shared>>
    tpu.enqueue_dma source(%arg8 : memref<128x128xf32, #tpu.memory_space<vmem>>) target(%dma_start3A_47 : memref<128x128xf32, #tpu.memory_space<vmem_shared>>) target_semaphore(%arg13 : memref<!tpu.dma_semaphore, #tpu.memory_space<semaphore_mem>>)
    %mul3A_48 = arith.constant 640 : i32
    %mul3A_49 = arith.muli %arg1, %mul3A_48 : i32
    %dma_wait3A_50 = arith.constant 0 : i32
    %dma_wait3A_51 = tpu.memref_slice %arg6[%mul3A_49, %dma_wait3A_50] : memref<10240x128xf32, #tpu.memory_space<vmem_shared>> -> memref<128x128xf32, #tpu.memory_space<vmem_shared>>
    %dma_wait3A_52 = arith.constant 0 : i32
    %dma_wait3A_53 = tpu.memref_slice %arg6[%mul3A_49, %dma_wait3A_52] : memref<10240x128xf32, #tpu.memory_space<vmem_shared>> -> memref<128x128xf32, #tpu.memory_space<vmem_shared>>
    tpu.wait_dma2 semaphore(%arg12 : memref<!tpu.dma_semaphore, #tpu.memory_space<semaphore_mem>>) src(%arg8 : memref<128x128xf32, #tpu.memory_space<vmem>>) dst(%dma_wait3A_53 : memref<128x128xf32, #tpu.memory_space<vmem_shared>>)
    %mul3A_54 = arith.constant 640 : i32
    %mul3A_55 = arith.muli %arg1, %mul3A_54 : i32
    %add3A_56 = arith.constant 512 : i32
    %add3A_57 = arith.addi %mul3A_55, %add3A_56 : i32
    %dma_start3A_58 = arith.constant 0 : i32
    %dma_start3A_59 = tpu.memref_slice %arg6[%add3A_57, %dma_start3A_58] : memref<10240x128xf32, #tpu.memory_space<vmem_shared>> -> memref<128x128xf32, #tpu.memory_space<vmem_shared>>
    %dma_start3A_60 = arith.constant 0 : i32
    %dma_start3A_61 = tpu.memref_slice %arg6[%add3A_57, %dma_start3A_60] : memref<10240x128xf32, #tpu.memory_space<vmem_shared>> -> memref<128x128xf32, #tpu.memory_space<vmem_shared>>
    tpu.enqueue_dma source(%arg8 : memref<128x128xf32, #tpu.memory_space<vmem>>) target(%dma_start3A_61 : memref<128x128xf32, #tpu.memory_space<vmem_shared>>) target_semaphore(%arg12 : memref<!tpu.dma_semaphore, #tpu.memory_space<semaphore_mem>>)
    %mul3A_62 = arith.constant 640 : i32
    %mul3A_63 = arith.muli %arg1, %mul3A_62 : i32
    %dma_wait3A_64 = arith.constant 0 : i32
    %dma_wait3A_65 = tpu.memref_slice %arg6[%mul3A_63, %dma_wait3A_64] : memref<10240x128xf32, #tpu.memory_space<vmem_shared>> -> memref<128x128xf32, #tpu.memory_space<vmem_shared>>
    %dma_wait3A_66 = arith.constant 0 : i32
    %dma_wait3A_67 = tpu.memref_slice %arg6[%mul3A_63, %dma_wait3A_66] : memref<10240x128xf32, #tpu.memory_space<vmem_shared>> -> memref<128x128xf32, #tpu.memory_space<vmem_shared>>
    tpu.wait_dma2 semaphore(%arg12 : memref<!tpu.dma_semaphore, #tpu.memory_space<semaphore_mem>>) src(%arg8 : memref<128x128xf32, #tpu.memory_space<vmem>>) dst(%dma_wait3A_67 : memref<128x128xf32, #tpu.memory_space<vmem_shared>>)
    %mul3A_68 = arith.constant 640 : i32
    %mul3A_69 = arith.muli %arg1, %mul3A_68 : i32
    %dma_wait3A_70 = arith.constant 0 : i32
    %dma_wait3A_71 = tpu.memref_slice %arg6[%mul3A_69, %dma_wait3A_70] : memref<10240x128xf32, #tpu.memory_space<vmem_shared>> -> memref<128x128xf32, #tpu.memory_space<vmem_shared>>
    %dma_wait3A_72 = arith.constant 0 : i32
    %dma_wait3A_73 = tpu.memref_slice %arg6[%mul3A_69, %dma_wait3A_72] : memref<10240x128xf32, #tpu.memory_space<vmem_shared>> -> memref<128x128xf32, #tpu.memory_space<vmem_shared>>
    tpu.wait_dma2 semaphore(%arg13 : memref<!tpu.dma_semaphore, #tpu.memory_space<semaphore_mem>>) src(%arg8 : memref<128x128xf32, #tpu.memory_space<vmem>>) dst(%dma_wait3A_73 : memref<128x128xf32, #tpu.memory_space<vmem_shared>>)
    %dma_wait3A_74 = arith.constant 0 : i32
    %dma_wait3A_75 = arith.constant 0 : i32
    %dma_wait3A_76 = tpu.memref_slice %arg3[%arg0, %dma_wait3A_74, %dma_wait3A_75] : memref<2x1280x256xi32, #tpu.memory_space<hbm>> -> memref<1x40x256xi32, #tpu.memory_space<hbm>>
    %dma_wait3A_77 = tpu.memref_squeeze %dma_wait3A_76 : memref<1x40x256xi32, #tpu.memory_space<hbm>> -> memref<40x256xi32, #tpu.memory_space<hbm>>
    %dma_wait3A_78 = arith.constant 0 : i32
    %dma_wait3A_79 = arith.constant 0 : i32
    %dma_wait3A_80 = tpu.memref_slice %arg3[%arg0, %dma_wait3A_78, %dma_wait3A_79] : memref<2x1280x256xi32, #tpu.memory_space<hbm>> -> memref<1x40x256xi32, #tpu.memory_space<hbm>>
    %dma_wait3A_81 = tpu.memref_squeeze %dma_wait3A_80 : memref<1x40x256xi32, #tpu.memory_space<hbm>> -> memref<40x256xi32, #tpu.memory_space<hbm>>
    tpu.wait_dma2 semaphore(%arg14 : memref<!tpu.dma_semaphore, #tpu.memory_space<semaphore_mem>>) src(%dma_wait3A_81 : memref<40x256xi32, #tpu.memory_space<hbm>>) dst(%arg7 : memref<40x256xi32, #tpu.memory_space<vmem>>)
    %barrier3A = arith.constant 0 : index
    tpu.barrier barrier_id(%barrier3A)
    %dma_start3A_82 = arith.constant 0 : i32
    %dma_start3A_83 = arith.constant 0 : i32
    %dma_start3A_84 = tpu.memref_slice %arg7[%dma_start3A_82, %dma_start3A_83] : memref<40x256xi32, #tpu.memory_space<vmem>> -> memref<1x128xi32, #tpu.memory_space<vmem>>
    %dma_start3A_85 = tpu.memref_squeeze %dma_start3A_84 : memref<1x128xi32, #tpu.memory_space<vmem>> -> memref<128xi32, #tpu.memory_space<vmem>>
    %dma_start3A_86 = arith.constant 0 : i32
    %dma_start3A_87 = arith.constant 0 : i32
    %dma_start3A_88 = tpu.memref_slice %arg2[%dma_start3A_86, %dma_start3A_87] : memref<20000x128xf32, #tpu.memory_space<hbm>> -> memref<20000x128xf32, #tpu.memory_space<hbm>>
    tpu.enqueue_indirect_dma source(%dma_start3A_88 : memref<20000x128xf32, #tpu.memory_space<hbm>>) target(%arg8 : memref<128x128xf32, #tpu.memory_space<vmem>>) offsets(%dma_start3A_85 : memref<128xi32, #tpu.memory_space<vmem>>) semaphore(%arg10 : memref<!tpu.dma_semaphore, #tpu.memory_space<semaphore_mem>>)
    %dma_wait3A_89 = arith.constant 0 : i32
    %dma_wait3A_90 = arith.constant 0 : i32
    %dma_wait3A_91 = tpu.memref_slice %arg2[%dma_wait3A_89, %dma_wait3A_90] : memref<20000x128xf32, #tpu.memory_space<hbm>> -> memref<128x128xf32, #tpu.memory_space<hbm>>
    %dma_wait3A_92 = arith.constant 0 : i32
    %dma_wait3A_93 = arith.constant 0 : i32
    %dma_wait3A_94 = tpu.memref_slice %arg2[%dma_wait3A_92, %dma_wait3A_93] : memref<20000x128xf32, #tpu.memory_space<hbm>> -> memref<128x128xf32, #tpu.memory_space<hbm>>
    tpu.wait_dma2 semaphore(%arg10 : memref<!tpu.dma_semaphore, #tpu.memory_space<semaphore_mem>>) src(%dma_wait3A_94 : memref<128x128xf32, #tpu.memory_space<hbm>>) dst(%arg8 : memref<128x128xf32, #tpu.memory_space<vmem>>)
    %dma_start3A_95 = arith.constant 0 : i32
    %dma_start3A_96 = arith.constant 128 : i32
    %dma_start3A_97 = tpu.memref_slice %arg7[%dma_start3A_95, %dma_start3A_96] : memref<40x256xi32, #tpu.memory_space<vmem>> -> memref<1x128xi32, #tpu.memory_space<vmem>>
    %dma_start3A_98 = tpu.memref_squeeze %dma_start3A_97 : memref<1x128xi32, #tpu.memory_space<vmem>> -> memref<128xi32, #tpu.memory_space<vmem>>
    %dma_start3A_99 = arith.constant 0 : i32
    %dma_start3A_100 = arith.constant 0 : i32
    %dma_start3A_101 = tpu.memref_slice %arg6[%dma_start3A_99, %dma_start3A_100] : memref<10240x128xf32, #tpu.memory_space<vmem_shared>> -> memref<10240x128xf32, #tpu.memory_space<vmem_shared>>
    tpu.enqueue_indirect_dma source(%arg8 : memref<128x128xf32, #tpu.memory_space<vmem>>) target(%dma_start3A_101 : memref<10240x128xf32, #tpu.memory_space<vmem_shared>>) offsets(%dma_start3A_98 : memref<128xi32, #tpu.memory_space<vmem>>) semaphore(%arg12 : memref<!tpu.dma_semaphore, #tpu.memory_space<semaphore_mem>>) {add = true}
    %dma_start3A_102 = arith.constant 1 : i32
    %dma_start3A_103 = arith.constant 0 : i32
    %dma_start3A_104 = tpu.memref_slice %arg7[%dma_start3A_102, %dma_start3A_103] : memref<40x256xi32, #tpu.memory_space<vmem>> -> memref<1x128xi32, #tpu.memory_space<vmem>>
    %dma_start3A_105 = tpu.memref_squeeze %dma_start3A_104 : memref<1x128xi32, #tpu.memory_space<vmem>> -> memref<128xi32, #tpu.memory_space<vmem>>
    %dma_start3A_106 = arith.constant 0 : i32
    %dma_start3A_107 = arith.constant 0 : i32
    %dma_start3A_108 = tpu.memref_slice %arg2[%dma_start3A_106, %dma_start3A_107] : memref<20000x128xf32, #tpu.memory_space<hbm>> -> memref<20000x128xf32, #tpu.memory_space<hbm>>
    tpu.enqueue_indirect_dma source(%dma_start3A_108 : memref<20000x128xf32, #tpu.memory_space<hbm>>) target(%arg9 : memref<128x128xf32, #tpu.memory_space<vmem>>) offsets(%dma_start3A_105 : memref<128xi32, #tpu.memory_space<vmem>>) semaphore(%arg11 : memref<!tpu.dma_semaphore, #tpu.memory_space<semaphore_mem>>)
    %scan3A = arith.constant 0 : i32
    %scan3A_109 = arith.constant 0 : i32
    %scan3A_110 = arith.constant 19 : i32
    %scan3A_111 = arith.addi %scan3A_109, %scan3A_110 : i32
    %scan3A_112 = arith.constant 1 : i32
    scf.for %scan3A_285 = %scan3A_109 to %scan3A_111 step %scan3A_112  : i32 {
      %mul3A_286 = arith.constant 2 : i32
      %mul3A_287 = arith.muli %mul3A_286, %scan3A_285 : i32
      %add3A_288 = arith.constant 1 : i32
      %add3A_289 = arith.addi %mul3A_287, %add3A_288 : i32
      %add3A_290 = arith.constant 0 : i32
      %add3A_291 = arith.addi %add3A_289, %add3A_290 : i32
      %dma_wait3A_292 = arith.constant 0 : i32
      %dma_wait3A_293 = arith.constant 0 : i32
      %dma_wait3A_294 = tpu.memref_slice %arg2[%dma_wait3A_292, %dma_wait3A_293] : memref<20000x128xf32, #tpu.memory_space<hbm>> -> memref<128x128xf32, #tpu.memory_space<hbm>>
      %dma_wait3A_295 = arith.constant 0 : i32
      %dma_wait3A_296 = arith.constant 0 : i32
      %dma_wait3A_297 = tpu.memref_slice %arg2[%dma_wait3A_295, %dma_wait3A_296] : memref<20000x128xf32, #tpu.memory_space<hbm>> -> memref<128x128xf32, #tpu.memory_space<hbm>>
      tpu.wait_dma2 semaphore(%arg11 : memref<!tpu.dma_semaphore, #tpu.memory_space<semaphore_mem>>) src(%dma_wait3A_297 : memref<128x128xf32, #tpu.memory_space<hbm>>) dst(%arg9 : memref<128x128xf32, #tpu.memory_space<vmem>>)
      %dma_wait3A_298 = arith.constant 0 : i32
      %dma_wait3A_299 = arith.constant 0 : i32
      %dma_wait3A_300 = tpu.memref_slice %arg2[%dma_wait3A_298, %dma_wait3A_299] : memref<20000x128xf32, #tpu.memory_space<hbm>> -> memref<128x128xf32, #tpu.memory_space<hbm>>
      %dma_wait3A_301 = arith.constant 0 : i32
      %dma_wait3A_302 = arith.constant 0 : i32
      %dma_wait3A_303 = tpu.memref_slice %arg2[%dma_wait3A_301, %dma_wait3A_302] : memref<20000x128xf32, #tpu.memory_space<hbm>> -> memref<128x128xf32, #tpu.memory_space<hbm>>
      tpu.wait_dma2 semaphore(%arg12 : memref<!tpu.dma_semaphore, #tpu.memory_space<semaphore_mem>>) src(%dma_wait3A_303 : memref<128x128xf32, #tpu.memory_space<hbm>>) dst(%arg8 : memref<128x128xf32, #tpu.memory_space<vmem>>)
      %dma_start3A_304 = arith.constant 128 : i32
      %dma_start3A_305 = tpu.memref_slice %arg7[%add3A_291, %dma_start3A_304] : memref<40x256xi32, #tpu.memory_space<vmem>> -> memref<1x128xi32, #tpu.memory_space<vmem>>
      %dma_start3A_306 = tpu.memref_squeeze %dma_start3A_305 : memref<1x128xi32, #tpu.memory_space<vmem>> -> memref<128xi32, #tpu.memory_space<vmem>>
      %dma_start3A_307 = arith.constant 0 : i32
      %dma_start3A_308 = arith.constant 0 : i32
      %dma_start3A_309 = tpu.memref_slice %arg6[%dma_start3A_307, %dma_start3A_308] : memref<10240x128xf32, #tpu.memory_space<vmem_shared>> -> memref<10240x128xf32, #tpu.memory_space<vmem_shared>>
      tpu.enqueue_indirect_dma source(%arg9 : memref<128x128xf32, #tpu.memory_space<vmem>>) target(%dma_start3A_309 : memref<10240x128xf32, #tpu.memory_space<vmem_shared>>) offsets(%dma_start3A_306 : memref<128xi32, #tpu.memory_space<vmem>>) semaphore(%arg13 : memref<!tpu.dma_semaphore, #tpu.memory_space<semaphore_mem>>) {add = true}
      %add3A_310 = arith.constant 1 : i32
      %add3A_311 = arith.addi %add3A_291, %add3A_310 : i32
      %dma_start3A_312 = arith.constant 0 : i32
      %dma_start3A_313 = tpu.memref_slice %arg7[%add3A_311, %dma_start3A_312] : memref<40x256xi32, #tpu.memory_space<vmem>> -> memref<1x128xi32, #tpu.memory_space<vmem>>
      %dma_start3A_314 = tpu.memref_squeeze %dma_start3A_313 : memref<1x128xi32, #tpu.memory_space<vmem>> -> memref<128xi32, #tpu.memory_space<vmem>>
      %dma_start3A_315 = arith.constant 0 : i32
      %dma_start3A_316 = arith.constant 0 : i32
      %dma_start3A_317 = tpu.memref_slice %arg2[%dma_start3A_315, %dma_start3A_316] : memref<20000x128xf32, #tpu.memory_space<hbm>> -> memref<20000x128xf32, #tpu.memory_space<hbm>>
      tpu.enqueue_indirect_dma source(%dma_start3A_317 : memref<20000x128xf32, #tpu.memory_space<hbm>>) target(%arg8 : memref<128x128xf32, #tpu.memory_space<vmem>>) offsets(%dma_start3A_314 : memref<128xi32, #tpu.memory_space<vmem>>) semaphore(%arg10 : memref<!tpu.dma_semaphore, #tpu.memory_space<semaphore_mem>>)
      %mul3A_318 = arith.constant 2 : i32
      %mul3A_319 = arith.muli %mul3A_318, %scan3A_285 : i32
      %add3A_320 = arith.constant 1 : i32
      %add3A_321 = arith.addi %mul3A_319, %add3A_320 : i32
      %add3A_322 = arith.constant 1 : i32
      %add3A_323 = arith.addi %add3A_321, %add3A_322 : i32
      %dma_wait3A_324 = arith.constant 0 : i32
      %dma_wait3A_325 = arith.constant 0 : i32
      %dma_wait3A_326 = tpu.memref_slice %arg2[%dma_wait3A_324, %dma_wait3A_325] : memref<20000x128xf32, #tpu.memory_space<hbm>> -> memref<128x128xf32, #tpu.memory_space<hbm>>
      %dma_wait3A_327 = arith.constant 0 : i32
      %dma_wait3A_328 = arith.constant 0 : i32
      %dma_wait3A_329 = tpu.memref_slice %arg2[%dma_wait3A_327, %dma_wait3A_328] : memref<20000x128xf32, #tpu.memory_space<hbm>> -> memref<128x128xf32, #tpu.memory_space<hbm>>
      tpu.wait_dma2 semaphore(%arg10 : memref<!tpu.dma_semaphore, #tpu.memory_space<semaphore_mem>>) src(%dma_wait3A_329 : memref<128x128xf32, #tpu.memory_space<hbm>>) dst(%arg8 : memref<128x128xf32, #tpu.memory_space<vmem>>)
      %dma_wait3A_330 = arith.constant 0 : i32
      %dma_wait3A_331 = arith.constant 0 : i32
      %dma_wait3A_332 = tpu.memref_slice %arg2[%dma_wait3A_330, %dma_wait3A_331] : memref<20000x128xf32, #tpu.memory_space<hbm>> -> memref<128x128xf32, #tpu.memory_space<hbm>>
      %dma_wait3A_333 = arith.constant 0 : i32
      %dma_wait3A_334 = arith.constant 0 : i32
      %dma_wait3A_335 = tpu.memref_slice %arg2[%dma_wait3A_333, %dma_wait3A_334] : memref<20000x128xf32, #tpu.memory_space<hbm>> -> memref<128x128xf32, #tpu.memory_space<hbm>>
      tpu.wait_dma2 semaphore(%arg13 : memref<!tpu.dma_semaphore, #tpu.memory_space<semaphore_mem>>) src(%dma_wait3A_335 : memref<128x128xf32, #tpu.memory_space<hbm>>) dst(%arg9 : memref<128x128xf32, #tpu.memory_space<vmem>>)
      %dma_start3A_336 = arith.constant 128 : i32
      %dma_start3A_337 = tpu.memref_slice %arg7[%add3A_323, %dma_start3A_336] : memref<40x256xi32, #tpu.memory_space<vmem>> -> memref<1x128xi32, #tpu.memory_space<vmem>>
      %dma_start3A_338 = tpu.memref_squeeze %dma_start3A_337 : memref<1x128xi32, #tpu.memory_space<vmem>> -> memref<128xi32, #tpu.memory_space<vmem>>
      %dma_start3A_339 = arith.constant 0 : i32
      %dma_start3A_340 = arith.constant 0 : i32
      %dma_start3A_341 = tpu.memref_slice %arg6[%dma_start3A_339, %dma_start3A_340] : memref<10240x128xf32, #tpu.memory_space<vmem_shared>> -> memref<10240x128xf32, #tpu.memory_space<vmem_shared>>
      tpu.enqueue_indirect_dma source(%arg8 : memref<128x128xf32, #tpu.memory_space<vmem>>) target(%dma_start3A_341 : memref<10240x128xf32, #tpu.memory_space<vmem_shared>>) offsets(%dma_start3A_338 : memref<128xi32, #tpu.memory_space<vmem>>) semaphore(%arg12 : memref<!tpu.dma_semaphore, #tpu.memory_space<semaphore_mem>>) {add = true}
      %add3A_342 = arith.constant 1 : i32
      %add3A_343 = arith.addi %add3A_323, %add3A_342 : i32
      %dma_start3A_344 = arith.constant 0 : i32
      %dma_start3A_345 = tpu.memref_slice %arg7[%add3A_343, %dma_start3A_344] : memref<40x256xi32, #tpu.memory_space<vmem>> -> memref<1x128xi32, #tpu.memory_space<vmem>>
      %dma_start3A_346 = tpu.memref_squeeze %dma_start3A_345 : memref<1x128xi32, #tpu.memory_space<vmem>> -> memref<128xi32, #tpu.memory_space<vmem>>
      %dma_start3A_347 = arith.constant 0 : i32
      %dma_start3A_348 = arith.constant 0 : i32
      %dma_start3A_349 = tpu.memref_slice %arg2[%dma_start3A_347, %dma_start3A_348] : memref<20000x128xf32, #tpu.memory_space<hbm>> -> memref<20000x128xf32, #tpu.memory_space<hbm>>
      tpu.enqueue_indirect_dma source(%dma_start3A_349 : memref<20000x128xf32, #tpu.memory_space<hbm>>) target(%arg9 : memref<128x128xf32, #tpu.memory_space<vmem>>) offsets(%dma_start3A_346 : memref<128xi32, #tpu.memory_space<vmem>>) semaphore(%arg11 : memref<!tpu.dma_semaphore, #tpu.memory_space<semaphore_mem>>)
    }
    %scan3A_113 = arith.constant 19 : i32
    %dma_wait3A_114 = arith.constant 0 : i32
    %dma_wait3A_115 = arith.constant 0 : i32
    %dma_wait3A_116 = tpu.memref_slice %arg2[%dma_wait3A_114, %dma_wait3A_115] : memref<20000x128xf32, #tpu.memory_space<hbm>> -> memref<128x128xf32, #tpu.memory_space<hbm>>
    %dma_wait3A_117 = arith.constant 0 : i32
    %dma_wait3A_118 = arith.constant 0 : i32
    %dma_wait3A_119 = tpu.memref_slice %arg2[%dma_wait3A_117, %dma_wait3A_118] : memref<20000x128xf32, #tpu.memory_space<hbm>> -> memref<128x128xf32, #tpu.memory_space<hbm>>
    tpu.wait_dma2 semaphore(%arg11 : memref<!tpu.dma_semaphore, #tpu.memory_space<semaphore_mem>>) src(%dma_wait3A_119 : memref<128x128xf32, #tpu.memory_space<hbm>>) dst(%arg9 : memref<128x128xf32, #tpu.memory_space<vmem>>)
    %dma_wait3A_120 = arith.constant 0 : i32
    %dma_wait3A_121 = arith.constant 0 : i32
    %dma_wait3A_122 = tpu.memref_slice %arg2[%dma_wait3A_120, %dma_wait3A_121] : memref<20000x128xf32, #tpu.memory_space<hbm>> -> memref<128x128xf32, #tpu.memory_space<hbm>>
    %dma_wait3A_123 = arith.constant 0 : i32
    %dma_wait3A_124 = arith.constant 0 : i32
    %dma_wait3A_125 = tpu.memref_slice %arg2[%dma_wait3A_123, %dma_wait3A_124] : memref<20000x128xf32, #tpu.memory_space<hbm>> -> memref<128x128xf32, #tpu.memory_space<hbm>>
    tpu.wait_dma2 semaphore(%arg12 : memref<!tpu.dma_semaphore, #tpu.memory_space<semaphore_mem>>) src(%dma_wait3A_125 : memref<128x128xf32, #tpu.memory_space<hbm>>) dst(%arg8 : memref<128x128xf32, #tpu.memory_space<vmem>>)
    %dma_start3A_126 = arith.constant 39 : i32
    %dma_start3A_127 = arith.constant 128 : i32
    %dma_start3A_128 = tpu.memref_slice %arg7[%dma_start3A_126, %dma_start3A_127] : memref<40x256xi32, #tpu.memory_space<vmem>> -> memref<1x128xi32, #tpu.memory_space<vmem>>
    %dma_start3A_129 = tpu.memref_squeeze %dma_start3A_128 : memref<1x128xi32, #tpu.memory_space<vmem>> -> memref<128xi32, #tpu.memory_space<vmem>>
    %dma_start3A_130 = arith.constant 0 : i32
    %dma_start3A_131 = arith.constant 0 : i32
    %dma_start3A_132 = tpu.memref_slice %arg6[%dma_start3A_130, %dma_start3A_131] : memref<10240x128xf32, #tpu.memory_space<vmem_shared>> -> memref<10240x128xf32, #tpu.memory_space<vmem_shared>>
    tpu.enqueue_indirect_dma source(%arg9 : memref<128x128xf32, #tpu.memory_space<vmem>>) target(%dma_start3A_132 : memref<10240x128xf32, #tpu.memory_space<vmem_shared>>) offsets(%dma_start3A_129 : memref<128xi32, #tpu.memory_space<vmem>>) semaphore(%arg13 : memref<!tpu.dma_semaphore, #tpu.memory_space<semaphore_mem>>) {add = true}
    %dma_wait3A_133 = arith.constant 0 : i32
    %dma_wait3A_134 = arith.constant 0 : i32
    %dma_wait3A_135 = tpu.memref_slice %arg2[%dma_wait3A_133, %dma_wait3A_134] : memref<20000x128xf32, #tpu.memory_space<hbm>> -> memref<128x128xf32, #tpu.memory_space<hbm>>
    %dma_wait3A_136 = arith.constant 0 : i32
    %dma_wait3A_137 = arith.constant 0 : i32
    %dma_wait3A_138 = tpu.memref_slice %arg2[%dma_wait3A_136, %dma_wait3A_137] : memref<20000x128xf32, #tpu.memory_space<hbm>> -> memref<128x128xf32, #tpu.memory_space<hbm>>
    tpu.wait_dma2 semaphore(%arg13 : memref<!tpu.dma_semaphore, #tpu.memory_space<semaphore_mem>>) src(%dma_wait3A_138 : memref<128x128xf32, #tpu.memory_space<hbm>>) dst(%arg9 : memref<128x128xf32, #tpu.memory_space<vmem>>)
    %add3A_139 = arith.constant 40 : i32
    %add3A_140 = arith.addi %mul3A_0, %add3A_139 : i32
    "tpu.region"() ({
      %run_scoped3A = tpu.sem_alloc : memref<!tpu.dma_semaphore, #tpu.memory_space<semaphore_mem>>
      %dma_start3A_285 = arith.constant 0 : i32
      %dma_start3A_286 = tpu.memref_slice %arg3[%arg0, %add3A_140, %dma_start3A_285] : memref<2x1280x256xi32, #tpu.memory_space<hbm>> -> memref<1x40x256xi32, #tpu.memory_space<hbm>>
      %dma_start3A_287 = tpu.memref_squeeze %dma_start3A_286 : memref<1x40x256xi32, #tpu.memory_space<hbm>> -> memref<40x256xi32, #tpu.memory_space<hbm>>
      %dma_start3A_288 = arith.constant 0 : i32
      %dma_start3A_289 = tpu.memref_slice %arg3[%arg0, %add3A_140, %dma_start3A_288] : memref<2x1280x256xi32, #tpu.memory_space<hbm>> -> memref<1x40x256xi32, #tpu.memory_space<hbm>>
      %dma_start3A_290 = tpu.memref_squeeze %dma_start3A_289 : memref<1x40x256xi32, #tpu.memory_space<hbm>> -> memref<40x256xi32, #tpu.memory_space<hbm>>
      tpu.enqueue_dma source(%dma_start3A_290 : memref<40x256xi32, #tpu.memory_space<hbm>>) target(%arg7 : memref<40x256xi32, #tpu.memory_space<vmem>>) target_semaphore(%run_scoped3A : memref<!tpu.dma_semaphore, #tpu.memory_space<semaphore_mem>>)
      %dma_wait3A_291 = arith.constant 0 : i32
      %dma_wait3A_292 = tpu.memref_slice %arg3[%arg0, %add3A_140, %dma_wait3A_291] : memref<2x1280x256xi32, #tpu.memory_space<hbm>> -> memref<1x40x256xi32, #tpu.memory_space<hbm>>
      %dma_wait3A_293 = tpu.memref_squeeze %dma_wait3A_292 : memref<1x40x256xi32, #tpu.memory_space<hbm>> -> memref<40x256xi32, #tpu.memory_space<hbm>>
      %dma_wait3A_294 = arith.constant 0 : i32
      %dma_wait3A_295 = tpu.memref_slice %arg3[%arg0, %add3A_140, %dma_wait3A_294] : memref<2x1280x256xi32, #tpu.memory_space<hbm>> -> memref<1x40x256xi32, #tpu.memory_space<hbm>>
      %dma_wait3A_296 = tpu.memref_squeeze %dma_wait3A_295 : memref<1x40x256xi32, #tpu.memory_space<hbm>> -> memref<40x256xi32, #tpu.memory_space<hbm>>
      tpu.wait_dma2 semaphore(%run_scoped3A : memref<!tpu.dma_semaphore, #tpu.memory_space<semaphore_mem>>) src(%dma_wait3A_296 : memref<40x256xi32, #tpu.memory_space<hbm>>) dst(%arg7 : memref<40x256xi32, #tpu.memory_space<vmem>>)
      tpu.yield
    }) : () -> ()
    %dma_start3A_141 = arith.constant 0 : i32
    %dma_start3A_142 = arith.constant 0 : i32
    %dma_start3A_143 = tpu.memref_slice %arg7[%dma_start3A_141, %dma_start3A_142] : memref<40x256xi32, #tpu.memory_space<vmem>> -> memref<1x128xi32, #tpu.memory_space<vmem>>
    %dma_start3A_144 = tpu.memref_squeeze %dma_start3A_143 : memref<1x128xi32, #tpu.memory_space<vmem>> -> memref<128xi32, #tpu.memory_space<vmem>>
    %dma_start3A_145 = arith.constant 0 : i32
    %dma_start3A_146 = arith.constant 0 : i32
    %dma_start3A_147 = tpu.memref_slice %arg2[%dma_start3A_145, %dma_start3A_146] : memref<20000x128xf32, #tpu.memory_space<hbm>> -> memref<20000x128xf32, #tpu.memory_space<hbm>>
    tpu.enqueue_indirect_dma source(%dma_start3A_147 : memref<20000x128xf32, #tpu.memory_space<hbm>>) target(%arg8 : memref<128x128xf32, #tpu.memory_space<vmem>>) offsets(%dma_start3A_144 : memref<128xi32, #tpu.memory_space<vmem>>) semaphore(%arg10 : memref<!tpu.dma_semaphore, #tpu.memory_space<semaphore_mem>>)
    %dma_wait3A_148 = arith.constant 0 : i32
    %dma_wait3A_149 = arith.constant 0 : i32
    %dma_wait3A_150 = tpu.memref_slice %arg2[%dma_wait3A_148, %dma_wait3A_149] : memref<20000x128xf32, #tpu.memory_space<hbm>> -> memref<128x128xf32, #tpu.memory_space<hbm>>
    %dma_wait3A_151 = arith.constant 0 : i32
    %dma_wait3A_152 = arith.constant 0 : i32
    %dma_wait3A_153 = tpu.memref_slice %arg2[%dma_wait3A_151, %dma_wait3A_152] : memref<20000x128xf32, #tpu.memory_space<hbm>> -> memref<128x128xf32, #tpu.memory_space<hbm>>
    tpu.wait_dma2 semaphore(%arg10 : memref<!tpu.dma_semaphore, #tpu.memory_space<semaphore_mem>>) src(%dma_wait3A_153 : memref<128x128xf32, #tpu.memory_space<hbm>>) dst(%arg8 : memref<128x128xf32, #tpu.memory_space<vmem>>)
    %dma_start3A_154 = arith.constant 0 : i32
    %dma_start3A_155 = arith.constant 128 : i32
    %dma_start3A_156 = tpu.memref_slice %arg7[%dma_start3A_154, %dma_start3A_155] : memref<40x256xi32, #tpu.memory_space<vmem>> -> memref<1x128xi32, #tpu.memory_space<vmem>>
    %dma_start3A_157 = tpu.memref_squeeze %dma_start3A_156 : memref<1x128xi32, #tpu.memory_space<vmem>> -> memref<128xi32, #tpu.memory_space<vmem>>
    %dma_start3A_158 = arith.constant 0 : i32
    %dma_start3A_159 = arith.constant 0 : i32
    %dma_start3A_160 = tpu.memref_slice %arg6[%dma_start3A_158, %dma_start3A_159] : memref<10240x128xf32, #tpu.memory_space<vmem_shared>> -> memref<10240x128xf32, #tpu.memory_space<vmem_shared>>
    tpu.enqueue_indirect_dma source(%arg8 : memref<128x128xf32, #tpu.memory_space<vmem>>) target(%dma_start3A_160 : memref<10240x128xf32, #tpu.memory_space<vmem_shared>>) offsets(%dma_start3A_157 : memref<128xi32, #tpu.memory_space<vmem>>) semaphore(%arg12 : memref<!tpu.dma_semaphore, #tpu.memory_space<semaphore_mem>>) {add = true}
    %dma_start3A_161 = arith.constant 1 : i32
    %dma_start3A_162 = arith.constant 0 : i32
    %dma_start3A_163 = tpu.memref_slice %arg7[%dma_start3A_161, %dma_start3A_162] : memref<40x256xi32, #tpu.memory_space<vmem>> -> memref<1x128xi32, #tpu.memory_space<vmem>>
    %dma_start3A_164 = tpu.memref_squeeze %dma_start3A_163 : memref<1x128xi32, #tpu.memory_space<vmem>> -> memref<128xi32, #tpu.memory_space<vmem>>
    %dma_start3A_165 = arith.constant 0 : i32
    %dma_start3A_166 = arith.constant 0 : i32
    %dma_start3A_167 = tpu.memref_slice %arg2[%dma_start3A_165, %dma_start3A_166] : memref<20000x128xf32, #tpu.memory_space<hbm>> -> memref<20000x128xf32, #tpu.memory_space<hbm>>
    tpu.enqueue_indirect_dma source(%dma_start3A_167 : memref<20000x128xf32, #tpu.memory_space<hbm>>) target(%arg9 : memref<128x128xf32, #tpu.memory_space<vmem>>) offsets(%dma_start3A_164 : memref<128xi32, #tpu.memory_space<vmem>>) semaphore(%arg11 : memref<!tpu.dma_semaphore, #tpu.memory_space<semaphore_mem>>)
    %scan3A_168 = arith.constant 0 : i32
    %scan3A_169 = arith.constant 0 : i32
    %scan3A_170 = arith.constant 19 : i32
    %scan3A_171 = arith.addi %scan3A_169, %scan3A_170 : i32
    %scan3A_172 = arith.constant 1 : i32
    scf.for %scan3A_285 = %scan3A_169 to %scan3A_171 step %scan3A_172  : i32 {
      %mul3A_286 = arith.constant 2 : i32
      %mul3A_287 = arith.muli %mul3A_286, %scan3A_285 : i32
      %add3A_288 = arith.constant 1 : i32
      %add3A_289 = arith.addi %mul3A_287, %add3A_288 : i32
      %add3A_290 = arith.constant 0 : i32
      %add3A_291 = arith.addi %add3A_289, %add3A_290 : i32
      %dma_wait3A_292 = arith.constant 0 : i32
      %dma_wait3A_293 = arith.constant 0 : i32
      %dma_wait3A_294 = tpu.memref_slice %arg2[%dma_wait3A_292, %dma_wait3A_293] : memref<20000x128xf32, #tpu.memory_space<hbm>> -> memref<128x128xf32, #tpu.memory_space<hbm>>
      %dma_wait3A_295 = arith.constant 0 : i32
      %dma_wait3A_296 = arith.constant 0 : i32
      %dma_wait3A_297 = tpu.memref_slice %arg2[%dma_wait3A_295, %dma_wait3A_296] : memref<20000x128xf32, #tpu.memory_space<hbm>> -> memref<128x128xf32, #tpu.memory_space<hbm>>
      tpu.wait_dma2 semaphore(%arg11 : memref<!tpu.dma_semaphore, #tpu.memory_space<semaphore_mem>>) src(%dma_wait3A_297 : memref<128x128xf32, #tpu.memory_space<hbm>>) dst(%arg9 : memref<128x128xf32, #tpu.memory_space<vmem>>)
      %dma_wait3A_298 = arith.constant 0 : i32
      %dma_wait3A_299 = arith.constant 0 : i32
      %dma_wait3A_300 = tpu.memref_slice %arg2[%dma_wait3A_298, %dma_wait3A_299] : memref<20000x128xf32, #tpu.memory_space<hbm>> -> memref<128x128xf32, #tpu.memory_space<hbm>>
      %dma_wait3A_301 = arith.constant 0 : i32
      %dma_wait3A_302 = arith.constant 0 : i32
      %dma_wait3A_303 = tpu.memref_slice %arg2[%dma_wait3A_301, %dma_wait3A_302] : memref<20000x128xf32, #tpu.memory_space<hbm>> -> memref<128x128xf32, #tpu.memory_space<hbm>>
      tpu.wait_dma2 semaphore(%arg12 : memref<!tpu.dma_semaphore, #tpu.memory_space<semaphore_mem>>) src(%dma_wait3A_303 : memref<128x128xf32, #tpu.memory_space<hbm>>) dst(%arg8 : memref<128x128xf32, #tpu.memory_space<vmem>>)
      %dma_start3A_304 = arith.constant 128 : i32
      %dma_start3A_305 = tpu.memref_slice %arg7[%add3A_291, %dma_start3A_304] : memref<40x256xi32, #tpu.memory_space<vmem>> -> memref<1x128xi32, #tpu.memory_space<vmem>>
      %dma_start3A_306 = tpu.memref_squeeze %dma_start3A_305 : memref<1x128xi32, #tpu.memory_space<vmem>> -> memref<128xi32, #tpu.memory_space<vmem>>
      %dma_start3A_307 = arith.constant 0 : i32
      %dma_start3A_308 = arith.constant 0 : i32
      %dma_start3A_309 = tpu.memref_slice %arg6[%dma_start3A_307, %dma_start3A_308] : memref<10240x128xf32, #tpu.memory_space<vmem_shared>> -> memref<10240x128xf32, #tpu.memory_space<vmem_shared>>
      tpu.enqueue_indirect_dma source(%arg9 : memref<128x128xf32, #tpu.memory_space<vmem>>) target(%dma_start3A_309 : memref<10240x128xf32, #tpu.memory_space<vmem_shared>>) offsets(%dma_start3A_306 : memref<128xi32, #tpu.memory_space<vmem>>) semaphore(%arg13 : memref<!tpu.dma_semaphore, #tpu.memory_space<semaphore_mem>>) {add = true}
      %add3A_310 = arith.constant 1 : i32
      %add3A_311 = arith.addi %add3A_291, %add3A_310 : i32
      %dma_start3A_312 = arith.constant 0 : i32
      %dma_start3A_313 = tpu.memref_slice %arg7[%add3A_311, %dma_start3A_312] : memref<40x256xi32, #tpu.memory_space<vmem>> -> memref<1x128xi32, #tpu.memory_space<vmem>>
      %dma_start3A_314 = tpu.memref_squeeze %dma_start3A_313 : memref<1x128xi32, #tpu.memory_space<vmem>> -> memref<128xi32, #tpu.memory_space<vmem>>
      %dma_start3A_315 = arith.constant 0 : i32
      %dma_start3A_316 = arith.constant 0 : i32
      %dma_start3A_317 = tpu.memref_slice %arg2[%dma_start3A_315, %dma_start3A_316] : memref<20000x128xf32, #tpu.memory_space<hbm>> -> memref<20000x128xf32, #tpu.memory_space<hbm>>
      tpu.enqueue_indirect_dma source(%dma_start3A_317 : memref<20000x128xf32, #tpu.memory_space<hbm>>) target(%arg8 : memref<128x128xf32, #tpu.memory_space<vmem>>) offsets(%dma_start3A_314 : memref<128xi32, #tpu.memory_space<vmem>>) semaphore(%arg10 : memref<!tpu.dma_semaphore, #tpu.memory_space<semaphore_mem>>)
      %mul3A_318 = arith.constant 2 : i32
      %mul3A_319 = arith.muli %mul3A_318, %scan3A_285 : i32
      %add3A_320 = arith.constant 1 : i32
      %add3A_321 = arith.addi %mul3A_319, %add3A_320 : i32
      %add3A_322 = arith.constant 1 : i32
      %add3A_323 = arith.addi %add3A_321, %add3A_322 : i32
      %dma_wait3A_324 = arith.constant 0 : i32
      %dma_wait3A_325 = arith.constant 0 : i32
      %dma_wait3A_326 = tpu.memref_slice %arg2[%dma_wait3A_324, %dma_wait3A_325] : memref<20000x128xf32, #tpu.memory_space<hbm>> -> memref<128x128xf32, #tpu.memory_space<hbm>>
      %dma_wait3A_327 = arith.constant 0 : i32
      %dma_wait3A_328 = arith.constant 0 : i32
      %dma_wait3A_329 = tpu.memref_slice %arg2[%dma_wait3A_327, %dma_wait3A_328] : memref<20000x128xf32, #tpu.memory_space<hbm>> -> memref<128x128xf32, #tpu.memory_space<hbm>>
      tpu.wait_dma2 semaphore(%arg10 : memref<!tpu.dma_semaphore, #tpu.memory_space<semaphore_mem>>) src(%dma_wait3A_329 : memref<128x128xf32, #tpu.memory_space<hbm>>) dst(%arg8 : memref<128x128xf32, #tpu.memory_space<vmem>>)
      %dma_wait3A_330 = arith.constant 0 : i32
      %dma_wait3A_331 = arith.constant 0 : i32
      %dma_wait3A_332 = tpu.memref_slice %arg2[%dma_wait3A_330, %dma_wait3A_331] : memref<20000x128xf32, #tpu.memory_space<hbm>> -> memref<128x128xf32, #tpu.memory_space<hbm>>
      %dma_wait3A_333 = arith.constant 0 : i32
      %dma_wait3A_334 = arith.constant 0 : i32
      %dma_wait3A_335 = tpu.memref_slice %arg2[%dma_wait3A_333, %dma_wait3A_334] : memref<20000x128xf32, #tpu.memory_space<hbm>> -> memref<128x128xf32, #tpu.memory_space<hbm>>
      tpu.wait_dma2 semaphore(%arg13 : memref<!tpu.dma_semaphore, #tpu.memory_space<semaphore_mem>>) src(%dma_wait3A_335 : memref<128x128xf32, #tpu.memory_space<hbm>>) dst(%arg9 : memref<128x128xf32, #tpu.memory_space<vmem>>)
      %dma_start3A_336 = arith.constant 128 : i32
      %dma_start3A_337 = tpu.memref_slice %arg7[%add3A_323, %dma_start3A_336] : memref<40x256xi32, #tpu.memory_space<vmem>> -> memref<1x128xi32, #tpu.memory_space<vmem>>
      %dma_start3A_338 = tpu.memref_squeeze %dma_start3A_337 : memref<1x128xi32, #tpu.memory_space<vmem>> -> memref<128xi32, #tpu.memory_space<vmem>>
      %dma_start3A_339 = arith.constant 0 : i32
      %dma_start3A_340 = arith.constant 0 : i32
      %dma_start3A_341 = tpu.memref_slice %arg6[%dma_start3A_339, %dma_start3A_340] : memref<10240x128xf32, #tpu.memory_space<vmem_shared>> -> memref<10240x128xf32, #tpu.memory_space<vmem_shared>>
      tpu.enqueue_indirect_dma source(%arg8 : memref<128x128xf32, #tpu.memory_space<vmem>>) target(%dma_start3A_341 : memref<10240x128xf32, #tpu.memory_space<vmem_shared>>) offsets(%dma_start3A_338 : memref<128xi32, #tpu.memory_space<vmem>>) semaphore(%arg12 : memref<!tpu.dma_semaphore, #tpu.memory_space<semaphore_mem>>) {add = true}
      %add3A_342 = arith.constant 1 : i32
      %add3A_343 = arith.addi %add3A_323, %add3A_342 : i32
      %dma_start3A_344 = arith.constant 0 : i32
      %dma_start3A_345 = tpu.memref_slice %arg7[%add3A_343, %dma_start3A_344] : memref<40x256xi32, #tpu.memory_space<vmem>> -> memref<1x128xi32, #tpu.memory_space<vmem>>
      %dma_start3A_346 = tpu.memref_squeeze %dma_start3A_345 : memref<1x128xi32, #tpu.memory_space<vmem>> -> memref<128xi32, #tpu.memory_space<vmem>>
      %dma_start3A_347 = arith.constant 0 : i32
      %dma_start3A_348 = arith.constant 0 : i32
      %dma_start3A_349 = tpu.memref_slice %arg2[%dma_start3A_347, %dma_start3A_348] : memref<20000x128xf32, #tpu.memory_space<hbm>> -> memref<20000x128xf32, #tpu.memory_space<hbm>>
      tpu.enqueue_indirect_dma source(%dma_start3A_349 : memref<20000x128xf32, #tpu.memory_space<hbm>>) target(%arg9 : memref<128x128xf32, #tpu.memory_space<vmem>>) offsets(%dma_start3A_346 : memref<128xi32, #tpu.memory_space<vmem>>) semaphore(%arg11 : memref<!tpu.dma_semaphore, #tpu.memory_space<semaphore_mem>>)
    }
    %scan3A_173 = arith.constant 19 : i32
    %dma_wait3A_174 = arith.constant 0 : i32
    %dma_wait3A_175 = arith.constant 0 : i32
    %dma_wait3A_176 = tpu.memref_slice %arg2[%dma_wait3A_174, %dma_wait3A_175] : memref<20000x128xf32, #tpu.memory_space<hbm>> -> memref<128x128xf32, #tpu.memory_space<hbm>>
    %dma_wait3A_177 = arith.constant 0 : i32
    %dma_wait3A_178 = arith.constant 0 : i32
    %dma_wait3A_179 = tpu.memref_slice %arg2[%dma_wait3A_177, %dma_wait3A_178] : memref<20000x128xf32, #tpu.memory_space<hbm>> -> memref<128x128xf32, #tpu.memory_space<hbm>>
    tpu.wait_dma2 semaphore(%arg11 : memref<!tpu.dma_semaphore, #tpu.memory_space<semaphore_mem>>) src(%dma_wait3A_179 : memref<128x128xf32, #tpu.memory_space<hbm>>) dst(%arg9 : memref<128x128xf32, #tpu.memory_space<vmem>>)
    %dma_wait3A_180 = arith.constant 0 : i32
    %dma_wait3A_181 = arith.constant 0 : i32
    %dma_wait3A_182 = tpu.memref_slice %arg2[%dma_wait3A_180, %dma_wait3A_181] : memref<20000x128xf32, #tpu.memory_space<hbm>> -> memref<128x128xf32, #tpu.memory_space<hbm>>
    %dma_wait3A_183 = arith.constant 0 : i32
    %dma_wait3A_184 = arith.constant 0 : i32
    %dma_wait3A_185 = tpu.memref_slice %arg2[%dma_wait3A_183, %dma_wait3A_184] : memref<20000x128xf32, #tpu.memory_space<hbm>> -> memref<128x128xf32, #tpu.memory_space<hbm>>
    tpu.wait_dma2 semaphore(%arg12 : memref<!tpu.dma_semaphore, #tpu.memory_space<semaphore_mem>>) src(%dma_wait3A_185 : memref<128x128xf32, #tpu.memory_space<hbm>>) dst(%arg8 : memref<128x128xf32, #tpu.memory_space<vmem>>)
    %dma_start3A_186 = arith.constant 39 : i32
    %dma_start3A_187 = arith.constant 128 : i32
    %dma_start3A_188 = tpu.memref_slice %arg7[%dma_start3A_186, %dma_start3A_187] : memref<40x256xi32, #tpu.memory_space<vmem>> -> memref<1x128xi32, #tpu.memory_space<vmem>>
    %dma_start3A_189 = tpu.memref_squeeze %dma_start3A_188 : memref<1x128xi32, #tpu.memory_space<vmem>> -> memref<128xi32, #tpu.memory_space<vmem>>
    %dma_start3A_190 = arith.constant 0 : i32
    %dma_start3A_191 = arith.constant 0 : i32
    %dma_start3A_192 = tpu.memref_slice %arg6[%dma_start3A_190, %dma_start3A_191] : memref<10240x128xf32, #tpu.memory_space<vmem_shared>> -> memref<10240x128xf32, #tpu.memory_space<vmem_shared>>
    tpu.enqueue_indirect_dma source(%arg9 : memref<128x128xf32, #tpu.memory_space<vmem>>) target(%dma_start3A_192 : memref<10240x128xf32, #tpu.memory_space<vmem_shared>>) offsets(%dma_start3A_189 : memref<128xi32, #tpu.memory_space<vmem>>) semaphore(%arg13 : memref<!tpu.dma_semaphore, #tpu.memory_space<semaphore_mem>>) {add = true}
    %dma_wait3A_193 = arith.constant 0 : i32
    %dma_wait3A_194 = arith.constant 0 : i32
    %dma_wait3A_195 = tpu.memref_slice %arg2[%dma_wait3A_193, %dma_wait3A_194] : memref<20000x128xf32, #tpu.memory_space<hbm>> -> memref<128x128xf32, #tpu.memory_space<hbm>>
    %dma_wait3A_196 = arith.constant 0 : i32
    %dma_wait3A_197 = arith.constant 0 : i32
    %dma_wait3A_198 = tpu.memref_slice %arg2[%dma_wait3A_196, %dma_wait3A_197] : memref<20000x128xf32, #tpu.memory_space<hbm>> -> memref<128x128xf32, #tpu.memory_space<hbm>>
    tpu.wait_dma2 semaphore(%arg13 : memref<!tpu.dma_semaphore, #tpu.memory_space<semaphore_mem>>) src(%dma_wait3A_198 : memref<128x128xf32, #tpu.memory_space<hbm>>) dst(%arg9 : memref<128x128xf32, #tpu.memory_space<vmem>>)
    %barrier3A_199 = arith.constant 0 : index
    tpu.barrier barrier_id(%barrier3A_199)
    %mul3A_200 = arith.constant 640 : i32
    %mul3A_201 = arith.muli %arg1, %mul3A_200 : i32
    %add3A_202 = arith.constant 0 : i32
    %add3A_203 = arith.addi %mul3A_201, %add3A_202 : i32
    "tpu.region"() ({
      %run_scoped3A = tpu.sem_alloc : memref<!tpu.dma_semaphore, #tpu.memory_space<semaphore_mem>>
      %dma_start3A_285 = arith.constant 0 : i32
      %dma_start3A_286 = tpu.memref_slice %arg6[%add3A_203, %dma_start3A_285] : memref<10240x128xf32, #tpu.memory_space<vmem_shared>> -> memref<128x128xf32, #tpu.memory_space<vmem_shared>>
      %dma_start3A_287 = arith.constant 0 : i32
      %dma_start3A_288 = tpu.memref_slice %arg6[%add3A_203, %dma_start3A_287] : memref<10240x128xf32, #tpu.memory_space<vmem_shared>> -> memref<128x128xf32, #tpu.memory_space<vmem_shared>>
      tpu.enqueue_dma source(%dma_start3A_288 : memref<128x128xf32, #tpu.memory_space<vmem_shared>>) target(%arg8 : memref<128x128xf32, #tpu.memory_space<vmem>>) target_semaphore(%run_scoped3A : memref<!tpu.dma_semaphore, #tpu.memory_space<semaphore_mem>>)
      %dma_wait3A_289 = arith.constant 0 : i32
      %dma_wait3A_290 = tpu.memref_slice %arg6[%add3A_203, %dma_wait3A_289] : memref<10240x128xf32, #tpu.memory_space<vmem_shared>> -> memref<128x128xf32, #tpu.memory_space<vmem_shared>>
      %dma_wait3A_291 = arith.constant 0 : i32
      %dma_wait3A_292 = tpu.memref_slice %arg6[%add3A_203, %dma_wait3A_291] : memref<10240x128xf32, #tpu.memory_space<vmem_shared>> -> memref<128x128xf32, #tpu.memory_space<vmem_shared>>
      tpu.wait_dma2 semaphore(%run_scoped3A : memref<!tpu.dma_semaphore, #tpu.memory_space<semaphore_mem>>) src(%dma_wait3A_292 : memref<128x128xf32, #tpu.memory_space<vmem_shared>>) dst(%arg8 : memref<128x128xf32, #tpu.memory_space<vmem>>)
      tpu.yield
    }) : () -> ()
    %mul3A_204 = arith.constant 10240 : i32
    %mul3A_205 = arith.muli %arg0, %mul3A_204 : i32
    %add3A_206 = arith.addi %mul3A_205, %add3A_203 : i32
    %dma_start3A_207 = arith.constant 0 : i32
    %dma_start3A_208 = tpu.memref_slice %arg5[%add3A_206, %dma_start3A_207] : memref<20480x128xf32, #tpu.memory_space<hbm>> -> memref<128x128xf32, #tpu.memory_space<hbm>>
    %dma_start3A_209 = arith.constant 0 : i32
    %dma_start3A_210 = tpu.memref_slice %arg5[%add3A_206, %dma_start3A_209] : memref<20480x128xf32, #tpu.memory_space<hbm>> -> memref<128x128xf32, #tpu.memory_space<hbm>>
    tpu.enqueue_dma source(%arg8 : memref<128x128xf32, #tpu.memory_space<vmem>>) target(%dma_start3A_210 : memref<128x128xf32, #tpu.memory_space<hbm>>) target_semaphore(%arg10 : memref<!tpu.dma_semaphore, #tpu.memory_space<semaphore_mem>>)
    %mul3A_211 = arith.constant 640 : i32
    %mul3A_212 = arith.muli %arg1, %mul3A_211 : i32
    %add3A_213 = arith.constant 128 : i32
    %add3A_214 = arith.addi %mul3A_212, %add3A_213 : i32
    "tpu.region"() ({
      %run_scoped3A = tpu.sem_alloc : memref<!tpu.dma_semaphore, #tpu.memory_space<semaphore_mem>>
      %dma_start3A_285 = arith.constant 0 : i32
      %dma_start3A_286 = tpu.memref_slice %arg6[%add3A_214, %dma_start3A_285] : memref<10240x128xf32, #tpu.memory_space<vmem_shared>> -> memref<128x128xf32, #tpu.memory_space<vmem_shared>>
      %dma_start3A_287 = arith.constant 0 : i32
      %dma_start3A_288 = tpu.memref_slice %arg6[%add3A_214, %dma_start3A_287] : memref<10240x128xf32, #tpu.memory_space<vmem_shared>> -> memref<128x128xf32, #tpu.memory_space<vmem_shared>>
      tpu.enqueue_dma source(%dma_start3A_288 : memref<128x128xf32, #tpu.memory_space<vmem_shared>>) target(%arg9 : memref<128x128xf32, #tpu.memory_space<vmem>>) target_semaphore(%run_scoped3A : memref<!tpu.dma_semaphore, #tpu.memory_space<semaphore_mem>>)
      %dma_wait3A_289 = arith.constant 0 : i32
      %dma_wait3A_290 = tpu.memref_slice %arg6[%add3A_214, %dma_wait3A_289] : memref<10240x128xf32, #tpu.memory_space<vmem_shared>> -> memref<128x128xf32, #tpu.memory_space<vmem_shared>>
      %dma_wait3A_291 = arith.constant 0 : i32
      %dma_wait3A_292 = tpu.memref_slice %arg6[%add3A_214, %dma_wait3A_291] : memref<10240x128xf32, #tpu.memory_space<vmem_shared>> -> memref<128x128xf32, #tpu.memory_space<vmem_shared>>
      tpu.wait_dma2 semaphore(%run_scoped3A : memref<!tpu.dma_semaphore, #tpu.memory_space<semaphore_mem>>) src(%dma_wait3A_292 : memref<128x128xf32, #tpu.memory_space<vmem_shared>>) dst(%arg9 : memref<128x128xf32, #tpu.memory_space<vmem>>)
      tpu.yield
    }) : () -> ()
    %mul3A_215 = arith.constant 10240 : i32
    %mul3A_216 = arith.muli %arg0, %mul3A_215 : i32
    %add3A_217 = arith.addi %mul3A_216, %add3A_214 : i32
    %dma_start3A_218 = arith.constant 0 : i32
    %dma_start3A_219 = tpu.memref_slice %arg5[%add3A_217, %dma_start3A_218] : memref<20480x128xf32, #tpu.memory_space<hbm>> -> memref<128x128xf32, #tpu.memory_space<hbm>>
    %dma_start3A_220 = arith.constant 0 : i32
    %dma_start3A_221 = tpu.memref_slice %arg5[%add3A_217, %dma_start3A_220] : memref<20480x128xf32, #tpu.memory_space<hbm>> -> memref<128x128xf32, #tpu.memory_space<hbm>>
    tpu.enqueue_dma source(%arg9 : memref<128x128xf32, #tpu.memory_space<vmem>>) target(%dma_start3A_221 : memref<128x128xf32, #tpu.memory_space<hbm>>) target_semaphore(%arg11 : memref<!tpu.dma_semaphore, #tpu.memory_space<semaphore_mem>>)
    %mul3A_222 = arith.constant 640 : i32
    %mul3A_223 = arith.muli %arg1, %mul3A_222 : i32
    %add3A_224 = arith.constant 256 : i32
    %add3A_225 = arith.addi %mul3A_223, %add3A_224 : i32
    %mul3A_226 = arith.constant 10240 : i32
    %mul3A_227 = arith.muli %arg0, %mul3A_226 : i32
    %dma_wait3A_228 = arith.constant 0 : i32
    %dma_wait3A_229 = tpu.memref_slice %arg5[%mul3A_227, %dma_wait3A_228] : memref<20480x128xf32, #tpu.memory_space<hbm>> -> memref<128x128xf32, #tpu.memory_space<hbm>>
    %dma_wait3A_230 = arith.constant 0 : i32
    %dma_wait3A_231 = tpu.memref_slice %arg5[%mul3A_227, %dma_wait3A_230] : memref<20480x128xf32, #tpu.memory_space<hbm>> -> memref<128x128xf32, #tpu.memory_space<hbm>>
    tpu.wait_dma2 semaphore(%arg10 : memref<!tpu.dma_semaphore, #tpu.memory_space<semaphore_mem>>) src(%arg8 : memref<128x128xf32, #tpu.memory_space<vmem>>) dst(%dma_wait3A_231 : memref<128x128xf32, #tpu.memory_space<hbm>>)
    "tpu.region"() ({
      %run_scoped3A = tpu.sem_alloc : memref<!tpu.dma_semaphore, #tpu.memory_space<semaphore_mem>>
      %dma_start3A_285 = arith.constant 0 : i32
      %dma_start3A_286 = tpu.memref_slice %arg6[%add3A_225, %dma_start3A_285] : memref<10240x128xf32, #tpu.memory_space<vmem_shared>> -> memref<128x128xf32, #tpu.memory_space<vmem_shared>>
      %dma_start3A_287 = arith.constant 0 : i32
      %dma_start3A_288 = tpu.memref_slice %arg6[%add3A_225, %dma_start3A_287] : memref<10240x128xf32, #tpu.memory_space<vmem_shared>> -> memref<128x128xf32, #tpu.memory_space<vmem_shared>>
      tpu.enqueue_dma source(%dma_start3A_288 : memref<128x128xf32, #tpu.memory_space<vmem_shared>>) target(%arg8 : memref<128x128xf32, #tpu.memory_space<vmem>>) target_semaphore(%run_scoped3A : memref<!tpu.dma_semaphore, #tpu.memory_space<semaphore_mem>>)
      %dma_wait3A_289 = arith.constant 0 : i32
      %dma_wait3A_290 = tpu.memref_slice %arg6[%add3A_225, %dma_wait3A_289] : memref<10240x128xf32, #tpu.memory_space<vmem_shared>> -> memref<128x128xf32, #tpu.memory_space<vmem_shared>>
      %dma_wait3A_291 = arith.constant 0 : i32
      %dma_wait3A_292 = tpu.memref_slice %arg6[%add3A_225, %dma_wait3A_291] : memref<10240x128xf32, #tpu.memory_space<vmem_shared>> -> memref<128x128xf32, #tpu.memory_space<vmem_shared>>
      tpu.wait_dma2 semaphore(%run_scoped3A : memref<!tpu.dma_semaphore, #tpu.memory_space<semaphore_mem>>) src(%dma_wait3A_292 : memref<128x128xf32, #tpu.memory_space<vmem_shared>>) dst(%arg8 : memref<128x128xf32, #tpu.memory_space<vmem>>)
      tpu.yield
    }) : () -> ()
    %mul3A_232 = arith.constant 10240 : i32
    %mul3A_233 = arith.muli %arg0, %mul3A_232 : i32
    %add3A_234 = arith.addi %mul3A_233, %add3A_225 : i32
    %dma_start3A_235 = arith.constant 0 : i32
    %dma_start3A_236 = tpu.memref_slice %arg5[%add3A_234, %dma_start3A_235] : memref<20480x128xf32, #tpu.memory_space<hbm>> -> memref<128x128xf32, #tpu.memory_space<hbm>>
    %dma_start3A_237 = arith.constant 0 : i32
    %dma_start3A_238 = tpu.memref_slice %arg5[%add3A_234, %dma_start3A_237] : memref<20480x128xf32, #tpu.memory_space<hbm>> -> memref<128x128xf32, #tpu.memory_space<hbm>>
    tpu.enqueue_dma source(%arg8 : memref<128x128xf32, #tpu.memory_space<vmem>>) target(%dma_start3A_238 : memref<128x128xf32, #tpu.memory_space<hbm>>) target_semaphore(%arg10 : memref<!tpu.dma_semaphore, #tpu.memory_space<semaphore_mem>>)
    %mul3A_239 = arith.constant 640 : i32
    %mul3A_240 = arith.muli %arg1, %mul3A_239 : i32
    %add3A_241 = arith.constant 384 : i32
    %add3A_242 = arith.addi %mul3A_240, %add3A_241 : i32
    %mul3A_243 = arith.constant 10240 : i32
    %mul3A_244 = arith.muli %arg0, %mul3A_243 : i32
    %dma_wait3A_245 = arith.constant 0 : i32
    %dma_wait3A_246 = tpu.memref_slice %arg5[%mul3A_244, %dma_wait3A_245] : memref<20480x128xf32, #tpu.memory_space<hbm>> -> memref<128x128xf32, #tpu.memory_space<hbm>>
    %dma_wait3A_247 = arith.constant 0 : i32
    %dma_wait3A_248 = tpu.memref_slice %arg5[%mul3A_244, %dma_wait3A_247] : memref<20480x128xf32, #tpu.memory_space<hbm>> -> memref<128x128xf32, #tpu.memory_space<hbm>>
    tpu.wait_dma2 semaphore(%arg11 : memref<!tpu.dma_semaphore, #tpu.memory_space<semaphore_mem>>) src(%arg9 : memref<128x128xf32, #tpu.memory_space<vmem>>) dst(%dma_wait3A_248 : memref<128x128xf32, #tpu.memory_space<hbm>>)
    "tpu.region"() ({
      %run_scoped3A = tpu.sem_alloc : memref<!tpu.dma_semaphore, #tpu.memory_space<semaphore_mem>>
      %dma_start3A_285 = arith.constant 0 : i32
      %dma_start3A_286 = tpu.memref_slice %arg6[%add3A_242, %dma_start3A_285] : memref<10240x128xf32, #tpu.memory_space<vmem_shared>> -> memref<128x128xf32, #tpu.memory_space<vmem_shared>>
      %dma_start3A_287 = arith.constant 0 : i32
      %dma_start3A_288 = tpu.memref_slice %arg6[%add3A_242, %dma_start3A_287] : memref<10240x128xf32, #tpu.memory_space<vmem_shared>> -> memref<128x128xf32, #tpu.memory_space<vmem_shared>>
      tpu.enqueue_dma source(%dma_start3A_288 : memref<128x128xf32, #tpu.memory_space<vmem_shared>>) target(%arg9 : memref<128x128xf32, #tpu.memory_space<vmem>>) target_semaphore(%run_scoped3A : memref<!tpu.dma_semaphore, #tpu.memory_space<semaphore_mem>>)
      %dma_wait3A_289 = arith.constant 0 : i32
      %dma_wait3A_290 = tpu.memref_slice %arg6[%add3A_242, %dma_wait3A_289] : memref<10240x128xf32, #tpu.memory_space<vmem_shared>> -> memref<128x128xf32, #tpu.memory_space<vmem_shared>>
      %dma_wait3A_291 = arith.constant 0 : i32
      %dma_wait3A_292 = tpu.memref_slice %arg6[%add3A_242, %dma_wait3A_291] : memref<10240x128xf32, #tpu.memory_space<vmem_shared>> -> memref<128x128xf32, #tpu.memory_space<vmem_shared>>
      tpu.wait_dma2 semaphore(%run_scoped3A : memref<!tpu.dma_semaphore, #tpu.memory_space<semaphore_mem>>) src(%dma_wait3A_292 : memref<128x128xf32, #tpu.memory_space<vmem_shared>>) dst(%arg9 : memref<128x128xf32, #tpu.memory_space<vmem>>)
      tpu.yield
    }) : () -> ()
    %mul3A_249 = arith.constant 10240 : i32
    %mul3A_250 = arith.muli %arg0, %mul3A_249 : i32
    %add3A_251 = arith.addi %mul3A_250, %add3A_242 : i32
    %dma_start3A_252 = arith.constant 0 : i32
    %dma_start3A_253 = tpu.memref_slice %arg5[%add3A_251, %dma_start3A_252] : memref<20480x128xf32, #tpu.memory_space<hbm>> -> memref<128x128xf32, #tpu.memory_space<hbm>>
    %dma_start3A_254 = arith.constant 0 : i32
    %dma_start3A_255 = tpu.memref_slice %arg5[%add3A_251, %dma_start3A_254] : memref<20480x128xf32, #tpu.memory_space<hbm>> -> memref<128x128xf32, #tpu.memory_space<hbm>>
    tpu.enqueue_dma source(%arg9 : memref<128x128xf32, #tpu.memory_space<vmem>>) target(%dma_start3A_255 : memref<128x128xf32, #tpu.memory_space<hbm>>) target_semaphore(%arg11 : memref<!tpu.dma_semaphore, #tpu.memory_space<semaphore_mem>>)
    %mul3A_256 = arith.constant 640 : i32
    %mul3A_257 = arith.muli %arg1, %mul3A_256 : i32
    %add3A_258 = arith.constant 512 : i32
    %add3A_259 = arith.addi %mul3A_257, %add3A_258 : i32
    %mul3A_260 = arith.constant 10240 : i32
    %mul3A_261 = arith.muli %arg0, %mul3A_260 : i32
    %dma_wait3A_262 = arith.constant 0 : i32
    %dma_wait3A_263 = tpu.memref_slice %arg5[%mul3A_261, %dma_wait3A_262] : memref<20480x128xf32, #tpu.memory_space<hbm>> -> memref<128x128xf32, #tpu.memory_space<hbm>>
    %dma_wait3A_264 = arith.constant 0 : i32
    %dma_wait3A_265 = tpu.memref_slice %arg5[%mul3A_261, %dma_wait3A_264] : memref<20480x128xf32, #tpu.memory_space<hbm>> -> memref<128x128xf32, #tpu.memory_space<hbm>>
    tpu.wait_dma2 semaphore(%arg10 : memref<!tpu.dma_semaphore, #tpu.memory_space<semaphore_mem>>) src(%arg8 : memref<128x128xf32, #tpu.memory_space<vmem>>) dst(%dma_wait3A_265 : memref<128x128xf32, #tpu.memory_space<hbm>>)
    "tpu.region"() ({
      %run_scoped3A = tpu.sem_alloc : memref<!tpu.dma_semaphore, #tpu.memory_space<semaphore_mem>>
      %dma_start3A_285 = arith.constant 0 : i32
      %dma_start3A_286 = tpu.memref_slice %arg6[%add3A_259, %dma_start3A_285] : memref<10240x128xf32, #tpu.memory_space<vmem_shared>> -> memref<128x128xf32, #tpu.memory_space<vmem_shared>>
      %dma_start3A_287 = arith.constant 0 : i32
      %dma_start3A_288 = tpu.memref_slice %arg6[%add3A_259, %dma_start3A_287] : memref<10240x128xf32, #tpu.memory_space<vmem_shared>> -> memref<128x128xf32, #tpu.memory_space<vmem_shared>>
      tpu.enqueue_dma source(%dma_start3A_288 : memref<128x128xf32, #tpu.memory_space<vmem_shared>>) target(%arg8 : memref<128x128xf32, #tpu.memory_space<vmem>>) target_semaphore(%run_scoped3A : memref<!tpu.dma_semaphore, #tpu.memory_space<semaphore_mem>>)
      %dma_wait3A_289 = arith.constant 0 : i32
      %dma_wait3A_290 = tpu.memref_slice %arg6[%add3A_259, %dma_wait3A_289] : memref<10240x128xf32, #tpu.memory_space<vmem_shared>> -> memref<128x128xf32, #tpu.memory_space<vmem_shared>>
      %dma_wait3A_291 = arith.constant 0 : i32
      %dma_wait3A_292 = tpu.memref_slice %arg6[%add3A_259, %dma_wait3A_291] : memref<10240x128xf32, #tpu.memory_space<vmem_shared>> -> memref<128x128xf32, #tpu.memory_space<vmem_shared>>
      tpu.wait_dma2 semaphore(%run_scoped3A : memref<!tpu.dma_semaphore, #tpu.memory_space<semaphore_mem>>) src(%dma_wait3A_292 : memref<128x128xf32, #tpu.memory_space<vmem_shared>>) dst(%arg8 : memref<128x128xf32, #tpu.memory_space<vmem>>)
      tpu.yield
    }) : () -> ()
    %mul3A_266 = arith.constant 10240 : i32
    %mul3A_267 = arith.muli %arg0, %mul3A_266 : i32
    %add3A_268 = arith.addi %mul3A_267, %add3A_259 : i32
    %dma_start3A_269 = arith.constant 0 : i32
    %dma_start3A_270 = tpu.memref_slice %arg5[%add3A_268, %dma_start3A_269] : memref<20480x128xf32, #tpu.memory_space<hbm>> -> memref<128x128xf32, #tpu.memory_space<hbm>>
    %dma_start3A_271 = arith.constant 0 : i32
    %dma_start3A_272 = tpu.memref_slice %arg5[%add3A_268, %dma_start3A_271] : memref<20480x128xf32, #tpu.memory_space<hbm>> -> memref<128x128xf32, #tpu.memory_space<hbm>>
    tpu.enqueue_dma source(%arg8 : memref<128x128xf32, #tpu.memory_space<vmem>>) target(%dma_start3A_272 : memref<128x128xf32, #tpu.memory_space<hbm>>) target_semaphore(%arg10 : memref<!tpu.dma_semaphore, #tpu.memory_space<semaphore_mem>>)
    %mul3A_273 = arith.constant 10240 : i32
    %mul3A_274 = arith.muli %arg0, %mul3A_273 : i32
    %dma_wait3A_275 = arith.constant 0 : i32
    %dma_wait3A_276 = tpu.memref_slice %arg5[%mul3A_274, %dma_wait3A_275] : memref<20480x128xf32, #tpu.memory_space<hbm>> -> memref<128x128xf32, #tpu.memory_space<hbm>>
    %dma_wait3A_277 = arith.constant 0 : i32
    %dma_wait3A_278 = tpu.memref_slice %arg5[%mul3A_274, %dma_wait3A_277] : memref<20480x128xf32, #tpu.memory_space<hbm>> -> memref<128x128xf32, #tpu.memory_space<hbm>>
    tpu.wait_dma2 semaphore(%arg10 : memref<!tpu.dma_semaphore, #tpu.memory_space<semaphore_mem>>) src(%arg8 : memref<128x128xf32, #tpu.memory_space<vmem>>) dst(%dma_wait3A_278 : memref<128x128xf32, #tpu.memory_space<hbm>>)
    %mul3A_279 = arith.constant 10240 : i32
    %mul3A_280 = arith.muli %arg0, %mul3A_279 : i32
    %dma_wait3A_281 = arith.constant 0 : i32
    %dma_wait3A_282 = tpu.memref_slice %arg5[%mul3A_280, %dma_wait3A_281] : memref<20480x128xf32, #tpu.memory_space<hbm>> -> memref<128x128xf32, #tpu.memory_space<hbm>>
    %dma_wait3A_283 = arith.constant 0 : i32
    %dma_wait3A_284 = tpu.memref_slice %arg5[%mul3A_280, %dma_wait3A_283] : memref<20480x128xf32, #tpu.memory_space<hbm>> -> memref<128x128xf32, #tpu.memory_space<hbm>>
    tpu.wait_dma2 semaphore(%arg11 : memref<!tpu.dma_semaphore, #tpu.memory_space<semaphore_mem>>) src(%arg9 : memref<128x128xf32, #tpu.memory_space<vmem>>) dst(%dma_wait3A_284 : memref<128x128xf32, #tpu.memory_space<hbm>>)
    return
  }
}

module attributes {stable_mosaic.version = 14 : i64} {
  func.func @_lin1_body(%arg0: i32, %arg1: memref<1000x256xf32, #tpu.memory_space<vmem>>, %arg2: memref<256x256xf32, #tpu.memory_space<vmem>>, %arg3: memref<2x1000x128xf32, #tpu.memory_space<vmem>>, %arg4: memref<2x1000x128xf32, #tpu.memory_space<vmem>>) attributes {dimension_semantics = [#tpu.dimension_semantics<arbitrary>], iteration_bounds = array<i64: 10>, scalar_prefetch = 0 : i64, scratch_operands = 0 : i64, tpu.core_type = #tpu.core_type<tc>, window_params = [{transform_indices = @transform_0, window_bounds = array<i64: 1000, 256>}, {pipeline_mode = #tpu.pipeline_mode<synchronous>, transform_indices = @transform_1, window_bounds = array<i64: 256, 256>}, {transform_indices = @transform_2, window_bounds = array<i64: 2, 1000, 128>}, {transform_indices = @transform_3, window_bounds = array<i64: 2, 1000, 128>}]} {
    %get3A = arith.constant 0 : index
    %get3A_0 = arith.constant 0 : index
    %get3A_1 = vector.load %arg1[%get3A, %get3A_0] : memref<1000x256xf32, #tpu.memory_space<vmem>>, vector<1000x256xf32>
    %get3A_2 = arith.constant 0 : index
    %get3A_3 = arith.constant 0 : index
    %get3A_4 = vector.load %arg2[%get3A_2, %get3A_3] : memref<256x256xf32, #tpu.memory_space<vmem>>, vector<256x256xf32>
    %dot_general3A = arith.constant dense<0.000000e+00> : vector<1000x256xf32>
    %dot_general3A_5 = tpu.matmul %get3A_1, %get3A_4, %dot_general3A {dimension_numbers = #tpu.dot_dimension_numbers<[1], [0], [0], [1], [0, 0, 1, 1], [], []>, transpose_lhs_hint = false} : vector<1000x256xf32>, vector<256x256xf32>, vector<1000x256xf32> -> vector<1000x256xf32>
    %get3A_6 = arith.constant 0 : index
    %get3A_7 = arith.constant 0 : index
    %get3A_8 = arith.constant 0 : index
    %get3A_9 = vector.load %arg3[%get3A_6, %get3A_7, %get3A_8] : memref<2x1000x128xf32, #tpu.memory_space<vmem>>, vector<1x1000x1xf32>
    %get3A_10 = vector.shape_cast %get3A_9 : vector<1x1000x1xf32> to vector<1000x1xf32>
    %get3A_11 = arith.constant 1 : index
    %get3A_12 = arith.constant 0 : index
    %get3A_13 = arith.constant 0 : index
    %get3A_14 = vector.load %arg3[%get3A_11, %get3A_12, %get3A_13] : memref<2x1000x128xf32, #tpu.memory_space<vmem>>, vector<1x1000x1xf32>
    %get3A_15 = vector.shape_cast %get3A_14 : vector<1x1000x1xf32> to vector<1000x1xf32>
    %add3A = arith.addf %get3A_10, %get3A_15 : vector<1000x1xf32>
    %add3A_16 = arith.constant 1.000000e+00 : f32
    %add3A_17 = vector.broadcast %add3A_16 : f32 to vector<1000x1xf32>
    %add3A_18 = arith.addf %add3A, %add3A_17 : vector<1000x1xf32>
    %rsqrt3A = math.rsqrt %add3A_18 : vector<1000x1xf32>
    %mul3A = vector.broadcast %rsqrt3A : vector<1000x1xf32> to vector<1000x256xf32>
    %mul3A_19 = arith.mulf %dot_general3A_5, %mul3A : vector<1000x256xf32>
    %slice3A = vector.extract_strided_slice %mul3A_19 {offsets = [0, 0], sizes = [1000, 128], strides = [1, 1]} : vector<1000x256xf32> to vector<1000x128xf32>
    %swap3A = arith.constant 0 : index
    %swap3A_20 = arith.constant 0 : index
    %swap3A_21 = arith.constant 0 : index
    %swap3A_22 = vector.load %arg4[%swap3A, %swap3A_20, %swap3A_21] : memref<2x1000x128xf32, #tpu.memory_space<vmem>>, vector<1x1000x128xf32>
    %swap3A_23 = vector.shape_cast %swap3A_22 : vector<1x1000x128xf32> to vector<1000x128xf32>
    %swap3A_24 = vector.shape_cast %slice3A : vector<1000x128xf32> to vector<1x1000x128xf32>
    tpu.vector_store %arg4[%swap3A, %swap3A_20, %swap3A_21], %swap3A_24 {strides = array<i32>} : memref<2x1000x128xf32, #tpu.memory_space<vmem>>, vector<1x1000x128xf32>,
    %slice3A_25 = vector.extract_strided_slice %mul3A_19 {offsets = [0, 128], sizes = [1000, 128], strides = [1, 1]} : vector<1000x256xf32> to vector<1000x128xf32>
    %swap3A_26 = arith.constant 1 : index
    %swap3A_27 = arith.constant 0 : index
    %swap3A_28 = arith.constant 0 : index
    %swap3A_29 = vector.load %arg4[%swap3A_26, %swap3A_27, %swap3A_28] : memref<2x1000x128xf32, #tpu.memory_space<vmem>>, vector<1x1000x128xf32>
    %swap3A_30 = vector.shape_cast %swap3A_29 : vector<1x1000x128xf32> to vector<1000x128xf32>
    %swap3A_31 = vector.shape_cast %slice3A_25 : vector<1000x128xf32> to vector<1x1000x128xf32>
    tpu.vector_store %arg4[%swap3A_26, %swap3A_27, %swap3A_28], %swap3A_31 {strides = array<i32>} : memref<2x1000x128xf32, #tpu.memory_space<vmem>>, vector<1x1000x128xf32>,
    return
  }
  func.func @transform_0(%arg0: i32) -> (i32, i32) {
    %c0_i32 = arith.constant 0 : i32
    %c0_i32_0 = arith.constant 0 : i32
    return %arg0, %c0_i32 : i32, i32
  }
  func.func @transform_1(%arg0: i32) -> (i32, i32) {
    %c0_i32 = arith.constant 0 : i32
    %c0_i32_0 = arith.constant 0 : i32
    %c0_i32_1 = arith.constant 0 : i32
    return %c0_i32, %c0_i32_0 : i32, i32
  }
  func.func @transform_2(%arg0: i32) -> (i32, i32, i32) {
    %c0_i32 = arith.constant 0 : i32
    %c0_i32_0 = arith.constant 0 : i32
    %c0_i32_1 = arith.constant 0 : i32
    return %c0_i32, %arg0, %c0_i32_0 : i32, i32, i32
  }
  func.func @transform_3(%arg0: i32) -> (i32, i32, i32) {
    %c0_i32 = arith.constant 0 : i32
    %c0_i32_0 = arith.constant 0 : i32
    %c0_i32_1 = arith.constant 0 : i32
    return %c0_i32, %arg0, %c0_i32_0 : i32, i32, i32
  }
}

module attributes {stable_mosaic.version = 14 : i64} {
  func.func @_lin2_body(%arg0: i32, %arg1: memref<2x1000x128xf32, #tpu.memory_space<vmem>>, %arg2: memref<2x1000x128xf32, #tpu.memory_space<vmem>>, %arg3: memref<2x1000x128xf32, #tpu.memory_space<vmem>>, %arg4: memref<256x256xf32, #tpu.memory_space<vmem>>, %arg5: memref<1x256xf32, #tpu.memory_space<vmem>>, %arg6: memref<2x1000x128xf32, #tpu.memory_space<vmem>>) attributes {dimension_semantics = [#tpu.dimension_semantics<arbitrary>], iteration_bounds = array<i64: 10>, scalar_prefetch = 0 : i64, scratch_operands = 0 : i64, tpu.core_type = #tpu.core_type<tc>, window_params = [{transform_indices = @transform_0, window_bounds = array<i64: 2, 1000, 128>}, {transform_indices = @transform_1, window_bounds = array<i64: 2, 1000, 128>}, {transform_indices = @transform_2, window_bounds = array<i64: 2, 1000, 128>}, {pipeline_mode = #tpu.pipeline_mode<synchronous>, transform_indices = @transform_3, window_bounds = array<i64: 256, 256>}, {pipeline_mode = #tpu.pipeline_mode<synchronous>, transform_indices = @transform_4, window_bounds = array<i64: 1, 256>}, {transform_indices = @transform_5, window_bounds = array<i64: 2, 1000, 128>}]} {
    %get3A = arith.constant 0 : index
    %get3A_0 = arith.constant 0 : index
    %get3A_1 = arith.constant 0 : index
    %get3A_2 = vector.load %arg3[%get3A, %get3A_0, %get3A_1] : memref<2x1000x128xf32, #tpu.memory_space<vmem>>, vector<1x1000x1xf32>
    %get3A_3 = vector.shape_cast %get3A_2 : vector<1x1000x1xf32> to vector<1000x1xf32>
    %get3A_4 = arith.constant 1 : index
    %get3A_5 = arith.constant 0 : index
    %get3A_6 = arith.constant 0 : index
    %get3A_7 = vector.load %arg3[%get3A_4, %get3A_5, %get3A_6] : memref<2x1000x128xf32, #tpu.memory_space<vmem>>, vector<1x1000x1xf32>
    %get3A_8 = vector.shape_cast %get3A_7 : vector<1x1000x1xf32> to vector<1000x1xf32>
    %add3A = arith.addf %get3A_3, %get3A_8 : vector<1000x1xf32>
    %add3A_9 = arith.constant 1.000000e+00 : f32
    %add3A_10 = vector.broadcast %add3A_9 : f32 to vector<1000x1xf32>
    %add3A_11 = arith.addf %add3A, %add3A_10 : vector<1000x1xf32>
    %rsqrt3A = math.rsqrt %add3A_11 : vector<1000x1xf32>
    %get3A_12 = arith.constant 0 : index
    %get3A_13 = arith.constant 0 : index
    %get3A_14 = arith.constant 0 : index
    %get3A_15 = vector.load %arg1[%get3A_12, %get3A_13, %get3A_14] : memref<2x1000x128xf32, #tpu.memory_space<vmem>>, vector<1x1000x128xf32>
    %get3A_16 = vector.shape_cast %get3A_15 : vector<1x1000x128xf32> to vector<1000x128xf32>
    %get3A_17 = arith.constant 0 : index
    %get3A_18 = arith.constant 0 : index
    %get3A_19 = arith.constant 0 : index
    %get3A_20 = vector.load %arg2[%get3A_17, %get3A_18, %get3A_19] : memref<2x1000x128xf32, #tpu.memory_space<vmem>>, vector<1x1000x128xf32>
    %get3A_21 = vector.shape_cast %get3A_20 : vector<1x1000x128xf32> to vector<1000x128xf32>
    %add3A_22 = arith.addf %get3A_16, %get3A_21 : vector<1000x128xf32>
    %mul3A = vector.broadcast %rsqrt3A : vector<1000x1xf32> to vector<1000x128xf32>
    %mul3A_23 = arith.mulf %mul3A, %add3A_22 : vector<1000x128xf32>
    %get3A_24 = arith.constant 0 : index
    %get3A_25 = arith.constant 0 : index
    %get3A_26 = vector.load %arg5[%get3A_24, %get3A_25] : memref<1x256xf32, #tpu.memory_space<vmem>>, vector<1x128xf32>
    %add3A_27 = vector.broadcast %get3A_26 : vector<1x128xf32> to vector<1000x128xf32>
    %add3A_28 = arith.addf %mul3A_23, %add3A_27 : vector<1000x128xf32>
    %max3A = arith.constant 0.000000e+00 : f32
    %max3A_29 = vector.broadcast %max3A : f32 to vector<1000x128xf32>
    %max3A_30 = arith.maximumf %add3A_28, %max3A_29 : vector<1000x128xf32>
    %get3A_31 = arith.constant 1 : index
    %get3A_32 = arith.constant 0 : index
    %get3A_33 = arith.constant 0 : index
    %get3A_34 = vector.load %arg1[%get3A_31, %get3A_32, %get3A_33] : memref<2x1000x128xf32, #tpu.memory_space<vmem>>, vector<1x1000x128xf32>
    %get3A_35 = vector.shape_cast %get3A_34 : vector<1x1000x128xf32> to vector<1000x128xf32>
    %get3A_36 = arith.constant 1 : index
    %get3A_37 = arith.constant 0 : index
    %get3A_38 = arith.constant 0 : index
    %get3A_39 = vector.load %arg2[%get3A_36, %get3A_37, %get3A_38] : memref<2x1000x128xf32, #tpu.memory_space<vmem>>, vector<1x1000x128xf32>
    %get3A_40 = vector.shape_cast %get3A_39 : vector<1x1000x128xf32> to vector<1000x128xf32>
    %add3A_41 = arith.addf %get3A_35, %get3A_40 : vector<1000x128xf32>
    %mul3A_42 = vector.broadcast %rsqrt3A : vector<1000x1xf32> to vector<1000x128xf32>
    %mul3A_43 = arith.mulf %mul3A_42, %add3A_41 : vector<1000x128xf32>
    %get3A_44 = arith.constant 0 : index
    %get3A_45 = arith.constant 128 : index
    %get3A_46 = vector.load %arg5[%get3A_44, %get3A_45] : memref<1x256xf32, #tpu.memory_space<vmem>>, vector<1x128xf32>
    %add3A_47 = vector.broadcast %get3A_46 : vector<1x128xf32> to vector<1000x128xf32>
    %add3A_48 = arith.addf %mul3A_43, %add3A_47 : vector<1000x128xf32>
    %max3A_49 = arith.constant 0.000000e+00 : f32
    %max3A_50 = vector.broadcast %max3A_49 : f32 to vector<1000x128xf32>
    %max3A_51 = arith.maximumf %add3A_48, %max3A_50 : vector<1000x128xf32>
    %concatenate3A = tpu.concatenate %max3A_30, %max3A_51 in 1 : vector<1000x128xf32>, vector<1000x128xf32> -> vector<1000x256xf32>
    %get3A_52 = arith.constant 0 : index
    %get3A_53 = arith.constant 0 : index
    %get3A_54 = vector.load %arg4[%get3A_52, %get3A_53] : memref<256x256xf32, #tpu.memory_space<vmem>>, vector<256x256xf32>
    %dot_general3A = arith.constant dense<0.000000e+00> : vector<1000x256xf32>
    %dot_general3A_55 = tpu.matmul %concatenate3A, %get3A_54, %dot_general3A {dimension_numbers = #tpu.dot_dimension_numbers<[1], [0], [0], [1], [0, 0, 1, 1], [], []>, transpose_lhs_hint = false} : vector<1000x256xf32>, vector<256x256xf32>, vector<1000x256xf32> -> vector<1000x256xf32>
    %mul3A_56 = vector.broadcast %rsqrt3A : vector<1000x1xf32> to vector<1000x256xf32>
    %mul3A_57 = arith.mulf %dot_general3A_55, %mul3A_56 : vector<1000x256xf32>
    %slice3A = vector.extract_strided_slice %mul3A_57 {offsets = [0, 0], sizes = [1000, 128], strides = [1, 1]} : vector<1000x256xf32> to vector<1000x128xf32>
    %swap3A = arith.constant 0 : index
    %swap3A_58 = arith.constant 0 : index
    %swap3A_59 = arith.constant 0 : index
    %swap3A_60 = vector.load %arg6[%swap3A, %swap3A_58, %swap3A_59] : memref<2x1000x128xf32, #tpu.memory_space<vmem>>, vector<1x1000x128xf32>
    %swap3A_61 = vector.shape_cast %swap3A_60 : vector<1x1000x128xf32> to vector<1000x128xf32>
    %swap3A_62 = vector.shape_cast %slice3A : vector<1000x128xf32> to vector<1x1000x128xf32>
    tpu.vector_store %arg6[%swap3A, %swap3A_58, %swap3A_59], %swap3A_62 {strides = array<i32>} : memref<2x1000x128xf32, #tpu.memory_space<vmem>>, vector<1x1000x128xf32>,
    %slice3A_63 = vector.extract_strided_slice %mul3A_57 {offsets = [0, 128], sizes = [1000, 128], strides = [1, 1]} : vector<1000x256xf32> to vector<1000x128xf32>
    %swap3A_64 = arith.constant 1 : index
    %swap3A_65 = arith.constant 0 : index
    %swap3A_66 = arith.constant 0 : index
    %swap3A_67 = vector.load %arg6[%swap3A_64, %swap3A_65, %swap3A_66] : memref<2x1000x128xf32, #tpu.memory_space<vmem>>, vector<1x1000x128xf32>
    %swap3A_68 = vector.shape_cast %swap3A_67 : vector<1x1000x128xf32> to vector<1000x128xf32>
    %swap3A_69 = vector.shape_cast %slice3A_63 : vector<1000x128xf32> to vector<1x1000x128xf32>
    tpu.vector_store %arg6[%swap3A_64, %swap3A_65, %swap3A_66], %swap3A_69 {strides = array<i32>} : memref<2x1000x128xf32, #tpu.memory_space<vmem>>, vector<1x1000x128xf32>,
    return
  }
  func.func @transform_0(%arg0: i32) -> (i32, i32, i32) {
    %c0_i32 = arith.constant 0 : i32
    %c0_i32_0 = arith.constant 0 : i32
    %c0_i32_1 = arith.constant 0 : i32
    return %c0_i32, %arg0, %c0_i32_0 : i32, i32, i32
  }
  func.func @transform_1(%arg0: i32) -> (i32, i32, i32) {
    %c0_i32 = arith.constant 0 : i32
    %c0_i32_0 = arith.constant 0 : i32
    %c0_i32_1 = arith.constant 0 : i32
    return %c0_i32, %arg0, %c0_i32_0 : i32, i32, i32
  }
  func.func @transform_2(%arg0: i32) -> (i32, i32, i32) {
    %c0_i32 = arith.constant 0 : i32
    %c0_i32_0 = arith.constant 0 : i32
    %c0_i32_1 = arith.constant 0 : i32
    return %c0_i32, %arg0, %c0_i32_0 : i32, i32, i32
  }
  func.func @transform_3(%arg0: i32) -> (i32, i32) {
    %c0_i32 = arith.constant 0 : i32
    %c0_i32_0 = arith.constant 0 : i32
    %c0_i32_1 = arith.constant 0 : i32
    return %c0_i32, %c0_i32_0 : i32, i32
  }
  func.func @transform_4(%arg0: i32) -> (i32, i32) {
    %c0_i32 = arith.constant 0 : i32
    %c0_i32_0 = arith.constant 0 : i32
    %c0_i32_1 = arith.constant 0 : i32
    return %c0_i32, %c0_i32_0 : i32, i32
  }
  func.func @transform_5(%arg0: i32) -> (i32, i32, i32) {
    %c0_i32 = arith.constant 0 : i32
    %c0_i32_0 = arith.constant 0 : i32
    %c0_i32_1 = arith.constant 0 : i32
    return %c0_i32, %arg0, %c0_i32_0 : i32, i32, i32
  }
}

module attributes {stable_mosaic.version = 14 : i64} {
  func.func @_fin_body(%arg0: i32, %arg1: memref<2x1000x128xf32, #tpu.memory_space<vmem>>, %arg2: memref<2x1000x128xf32, #tpu.memory_space<vmem>>, %arg3: memref<2x1000x128xf32, #tpu.memory_space<vmem>>, %arg4: memref<1x256xf32, #tpu.memory_space<vmem>>, %arg5: memref<1000x256xf32, #tpu.memory_space<vmem>>) attributes {dimension_semantics = [#tpu.dimension_semantics<arbitrary>], iteration_bounds = array<i64: 10>, scalar_prefetch = 0 : i64, scratch_operands = 0 : i64, tpu.core_type = #tpu.core_type<tc>, window_params = [{transform_indices = @transform_0, window_bounds = array<i64: 2, 1000, 128>}, {transform_indices = @transform_1, window_bounds = array<i64: 2, 1000, 128>}, {transform_indices = @transform_2, window_bounds = array<i64: 2, 1000, 128>}, {pipeline_mode = #tpu.pipeline_mode<synchronous>, transform_indices = @transform_3, window_bounds = array<i64: 1, 256>}, {transform_indices = @transform_4, window_bounds = array<i64: 1000, 256>}]} {
    %get3A = arith.constant 0 : index
    %get3A_0 = arith.constant 0 : index
    %get3A_1 = arith.constant 0 : index
    %get3A_2 = vector.load %arg3[%get3A, %get3A_0, %get3A_1] : memref<2x1000x128xf32, #tpu.memory_space<vmem>>, vector<1x1000x1xf32>
    %get3A_3 = vector.shape_cast %get3A_2 : vector<1x1000x1xf32> to vector<1000x1xf32>
    %get3A_4 = arith.constant 1 : index
    %get3A_5 = arith.constant 0 : index
    %get3A_6 = arith.constant 0 : index
    %get3A_7 = vector.load %arg3[%get3A_4, %get3A_5, %get3A_6] : memref<2x1000x128xf32, #tpu.memory_space<vmem>>, vector<1x1000x1xf32>
    %get3A_8 = vector.shape_cast %get3A_7 : vector<1x1000x1xf32> to vector<1000x1xf32>
    %add3A = arith.addf %get3A_3, %get3A_8 : vector<1000x1xf32>
    %add3A_9 = arith.constant 1.000000e+00 : f32
    %add3A_10 = vector.broadcast %add3A_9 : f32 to vector<1000x1xf32>
    %add3A_11 = arith.addf %add3A, %add3A_10 : vector<1000x1xf32>
    %rsqrt3A = math.rsqrt %add3A_11 : vector<1000x1xf32>
    %get3A_12 = arith.constant 0 : index
    %get3A_13 = arith.constant 0 : index
    %get3A_14 = arith.constant 0 : index
    %get3A_15 = vector.load %arg1[%get3A_12, %get3A_13, %get3A_14] : memref<2x1000x128xf32, #tpu.memory_space<vmem>>, vector<1x1000x128xf32>
    %get3A_16 = vector.shape_cast %get3A_15 : vector<1x1000x128xf32> to vector<1000x128xf32>
    %get3A_17 = arith.constant 0 : index
    %get3A_18 = arith.constant 0 : index
    %get3A_19 = arith.constant 0 : index
    %get3A_20 = vector.load %arg2[%get3A_17, %get3A_18, %get3A_19] : memref<2x1000x128xf32, #tpu.memory_space<vmem>>, vector<1x1000x128xf32>
    %get3A_21 = vector.shape_cast %get3A_20 : vector<1x1000x128xf32> to vector<1000x128xf32>
    %add3A_22 = arith.addf %get3A_16, %get3A_21 : vector<1000x128xf32>
    %mul3A = vector.broadcast %rsqrt3A : vector<1000x1xf32> to vector<1000x128xf32>
    %mul3A_23 = arith.mulf %mul3A, %add3A_22 : vector<1000x128xf32>
    %get3A_24 = arith.constant 0 : index
    %get3A_25 = arith.constant 0 : index
    %get3A_26 = vector.load %arg4[%get3A_24, %get3A_25] : memref<1x256xf32, #tpu.memory_space<vmem>>, vector<1x128xf32>
    %add3A_27 = vector.broadcast %get3A_26 : vector<1x128xf32> to vector<1000x128xf32>
    %add3A_28 = arith.addf %mul3A_23, %add3A_27 : vector<1000x128xf32>
    %get3A_29 = arith.constant 1 : index
    %get3A_30 = arith.constant 0 : index
    %get3A_31 = arith.constant 0 : index
    %get3A_32 = vector.load %arg1[%get3A_29, %get3A_30, %get3A_31] : memref<2x1000x128xf32, #tpu.memory_space<vmem>>, vector<1x1000x128xf32>
    %get3A_33 = vector.shape_cast %get3A_32 : vector<1x1000x128xf32> to vector<1000x128xf32>
    %get3A_34 = arith.constant 1 : index
    %get3A_35 = arith.constant 0 : index
    %get3A_36 = arith.constant 0 : index
    %get3A_37 = vector.load %arg2[%get3A_34, %get3A_35, %get3A_36] : memref<2x1000x128xf32, #tpu.memory_space<vmem>>, vector<1x1000x128xf32>
    %get3A_38 = vector.shape_cast %get3A_37 : vector<1x1000x128xf32> to vector<1000x128xf32>
    %add3A_39 = arith.addf %get3A_33, %get3A_38 : vector<1000x128xf32>
    %mul3A_40 = vector.broadcast %rsqrt3A : vector<1000x1xf32> to vector<1000x128xf32>
    %mul3A_41 = arith.mulf %mul3A_40, %add3A_39 : vector<1000x128xf32>
    %get3A_42 = arith.constant 0 : index
    %get3A_43 = arith.constant 128 : index
    %get3A_44 = vector.load %arg4[%get3A_42, %get3A_43] : memref<1x256xf32, #tpu.memory_space<vmem>>, vector<1x128xf32>
    %add3A_45 = vector.broadcast %get3A_44 : vector<1x128xf32> to vector<1000x128xf32>
    %add3A_46 = arith.addf %mul3A_41, %add3A_45 : vector<1000x128xf32>
    %concatenate3A = tpu.concatenate %add3A_28, %add3A_46 in 1 : vector<1000x128xf32>, vector<1000x128xf32> -> vector<1000x256xf32>
    %swap3A = arith.constant 0 : index
    %swap3A_47 = arith.constant 0 : index
    %swap3A_48 = vector.load %arg5[%swap3A, %swap3A_47] : memref<1000x256xf32, #tpu.memory_space<vmem>>, vector<1000x256xf32>
    tpu.vector_store %arg5[%swap3A, %swap3A_47], %concatenate3A {strides = array<i32>} : memref<1000x256xf32, #tpu.memory_space<vmem>>, vector<1000x256xf32>,
    return
  }
  func.func @transform_0(%arg0: i32) -> (i32, i32, i32) {
    %c0_i32 = arith.constant 0 : i32
    %c0_i32_0 = arith.constant 0 : i32
    %c0_i32_1 = arith.constant 0 : i32
    return %c0_i32, %arg0, %c0_i32_0 : i32, i32, i32
  }
  func.func @transform_1(%arg0: i32) -> (i32, i32, i32) {
    %c0_i32 = arith.constant 0 : i32
    %c0_i32_0 = arith.constant 0 : i32
    %c0_i32_1 = arith.constant 0 : i32
    return %c0_i32, %arg0, %c0_i32_0 : i32, i32, i32
  }
  func.func @transform_2(%arg0: i32) -> (i32, i32, i32) {
    %c0_i32 = arith.constant 0 : i32
    %c0_i32_0 = arith.constant 0 : i32
    %c0_i32_1 = arith.constant 0 : i32
    return %c0_i32, %arg0, %c0_i32_0 : i32, i32, i32
  }
  func.func @transform_3(%arg0: i32) -> (i32, i32) {
    %c0_i32 = arith.constant 0 : i32
    %c0_i32_0 = arith.constant 0 : i32
    %c0_i32_1 = arith.constant 0 : i32
    return %c0_i32, %c0_i32_0 : i32, i32
  }
  func.func @transform_4(%arg0: i32) -> (i32, i32) {
    %c0_i32 = arith.constant 0 : i32
    %c0_i32_0 = arith.constant 0 : i32
    return %arg0, %c0_i32 : i32, i32
  }
}

</mosaic_0001>

<sc_bundles>
// kernel: kernel.11.cloned.1.call-start
scs
__scs_entry_jumppad:
0x0: {  	(pc) =	sbr.rel $0x88, $3  }
0x1: {  	(tag) =	ssettag $0x0;
	lr =	simm.s32 $0x1  }
0x2: {  	[smem:$0x3F9B] =	sst lr;
	_ =	strace $0xD0000000  }
0x3: {  	_ = 	snop  }
0x4: {  	_ = 	snop  }
0x5: {  	_ = 	snop  }
0x6: {  	_ = 	snop  }
0x7: {  	_ = 	snop  }
__scs_overlays_trampoline_lowered:
0x8: {  	[smem:$0x3FAA] =	sst s0  }
0x9: {  	[smem:$0x3FAB] =	sst s1  }
0xa: {  	[smem:$0x3FAC] =	sst s2  }
0xb: {  	[smem:$0x3FAD] =	sst s3  }
0xc: {  	[smem:$0x3FAE] =	sst s4  }
0xd: {  	[smem:$0x3FAF] =	sst s5  }
0xe: {  	[smem:$0x3FB0] =	sst s6  }
0xf: {  	[smem:$0x3FB1] =	sst s7  }
0x10: {  	[smem:$0x3FB2] =	sst s8  }
0x11: {  	[smem:$0x3FB3] =	sst s9;
	s0 =	simm.s32 @!p0 $0x0  }
0x12: {  	s1 =	sld [smem:$0x3F99];
	s0 =	simm.s32 @p0 $0x1  }
0x13: {  	[smem:$0x3FB4] =	sst s0;
	s0 =	simm.s32 @!p1 $0x0  }
0x14: {  	s2 =	sld [smem:$0x3F98];
	s0 =	simm.s32 @p1 $0x1  }
0x15: {  	[smem:$0x3FB5] =	sst s0;
	s0 =	simm.s32 @!p2 $0x0  }
0x16: {  	s3 =	sld [smem:$0x3FDB];
	s0 =	simm.s32 @p2 $0x1  }
0x17: {  	s4 =	simm.s32 $0x1BF5;
	[smem:$0x3FB7] =	sst s0  }
0x18: {  	s0 =	sld [smem:$0x3F9A];
	_ =	swait.ge [sflag:s4], $0x0  }
0x19: {  	s7 =	sld [smem:$0x3F9B]  }
0x1a: {  	s8 =	sadd.s32 $0xFFFFE003, lr  }
0x1b: {  	s9 =	sadd.s32 $0xFFFFFEF7, lr;
	s5 =	simm.s32 $0xFFFFFFFF;
	p2 =	slt.u32 s8, $0xFFFFF086  }
0x1c: {  	p1 =	slt.u32 s9, $0xF7A;
	s5 =	simm.s32 @!p2 $0x0  }
0x1d: {  	s5 =	simm.s32 @p1 $0x1;
	p0 =	seq.s32 s7, s2  }
0x1e: {  	s7 =	smul.u32 @!p0 $0xF7A, s2;
	p2 =	seq.s32 @!p0 s5, $0x0  }
0x1f: {  	s9 =	smul.u32 $0xF7A, s1;
	s8 =	simm.s32 @!p0 $0x1BF5;
	p2 =	por !p2, p0  }
0x20: {  	[sflag:s8] =	ssyncset.s32 @!p0 $0xFFFFF086;
	s6 =	sadd.s32 @!p0 s3, s7;
	s7 =	simm.s32 @!p0 $0x108  }
0x21: {  	s3 =	sadd.s32 s3, s9;
	s6 =	sadd.s32 @!p0 $0x88, s6;
	s7 =	simm.s32 @p2 $0x1082  }
0x22: {  	[simem:s7], [sflag:s8] =	dma.local @!p0 [hbm:s6], $0xF7A  }
0x23: {  	s9 =	sor.u32 $0xD0000000, s2;
	s6 =	simm.s32 $0x108;
	_ =	swait.ge @!p0 [sflag:s8], $0x0  }
0x24: {  	s3 =	sadd.s32 $0x88, s3;
	s6 =	simm.s32 @!p1 $0x1082;
	[sflag:s4] =	ssyncset.s32 $0xFFFFF086  }
0x25: {  	[simem:s6], [sflag:s4] =	dma.local [hbm:s3], $0xF7A  }
0x26: {  	[smem:$0x3F9B] =	sst s1;
	(tag) =	ssettag s2;
	_ =	strace s9  }
0x27: {  	s1 =	sld [smem:$0x3FAB]  }
0x28: {  	s2 =	sld [smem:$0x3FAC]  }
0x29: {  	s4 =	sld [smem:$0x3FAE]  }
0x2a: {  	p0 =	seq.s32 s5, $0x0;
	s5 =	sld [smem:$0x3FAF]  }
0x2b: {  	s6 =	sld [smem:$0x3FB0]  }
0x2c: {  	s7 =	sld [smem:$0x3FB1]  }
0x2d: {  	s3 =	simm.s32 $0x108;
	s8 =	sld [smem:$0x3FB2]  }
0x2e: {  	s3 =	simm.s32 @!p0 $0x1082;
	s9 =	sld [smem:$0x3FB3]  }
0x2f: {  	lr =	sadd.s32 s0, s3;
	s0 =	sld [smem:$0x3FAA]  }
0x30: {  	s3 =	sld [smem:$0x3FAD]  }
0x31: {  	[smem:$0x3FB6] =	sst s10  }
0x32: {  	s10 =	sld [smem:$0x3FB4];
	_ =	sdelay $0x3  }
0x33: {  	p0 =	seq.s32 s10, $0x1;
	s10 =	sld [smem:$0x3FB6];
	_ =	sdelay $0x3  }
0x34: {  	[smem:$0x3FB6] =	sst s10  }
0x35: {  	s10 =	sld [smem:$0x3FB5];
	_ =	sdelay $0x3  }
0x36: {  	p1 =	seq.s32 s10, $0x1;
	s10 =	sld [smem:$0x3FB6];
	_ =	sdelay $0x3  }
0x37: {  	[smem:$0x3FB6] =	sst s10  }
0x38: {  	s10 =	sld [smem:$0x3FB7]  }
0x39: {  	_ = 	snop;
	(pc) =	sbr.ind lr, $3  }
0x3a: {  	_ = 	snop  }
0x3b: {  	_ = 	snop  }
0x3c: {  	p2 =	seq.s32 s10, $0x1;
	s10 =	sld [smem:$0x3FB6]  }
0x3d: {  	_ =	shalt  }
0x3e: {  	_ =	shalt  }
0x3f: {  	_ =	shalt  }
0x40: {  	_ =	shalt  }
0x41: {  	_ =	shalt  }
0x42: {  	_ =	shalt  }
0x43: {  	_ =	shalt  }
0x44: {  	_ =	shalt  }
0x45: {  	_ =	shalt  }
0x46: {  	_ =	shalt  }
0x47: {  	_ =	shalt  }
0x48: {  	_ =	shalt  }
0x49: {  	_ =	shalt  }
0x4a: {  	_ =	shalt  }
0x4b: {  	_ =	shalt  }
0x4c: {  	_ =	shalt  }
0x4d: {  	_ =	shalt  }
0x4e: {  	_ =	shalt  }
0x4f: {  	_ =	shalt  }
0x50: {  	_ =	shalt  }
0x51: {  	_ =	shalt  }
0x52: {  	_ =	shalt  }
0x53: {  	_ =	shalt  }
0x54: {  	_ =	shalt  }
0x55: {  	_ =	shalt  }
0x56: {  	_ =	shalt  }
0x57: {  	_ =	shalt  }
0x58: {  	_ =	shalt  }
0x59: {  	_ =	shalt  }
0x5a: {  	_ =	shalt  }
0x5b: {  	_ =	shalt  }
0x5c: {  	_ =	shalt  }
0x5d: {  	_ =	shalt  }
0x5e: {  	_ =	shalt  }
0x5f: {  	_ =	shalt  }
0x60: {  	_ =	shalt  }
0x61: {  	_ =	shalt  }
0x62: {  	_ =	shalt  }
0x63: {  	_ =	shalt  }
0x64: {  	_ =	shalt  }
0x65: {  	_ =	shalt  }
0x66: {  	_ =	shalt  }
0x67: {  	_ =	shalt  }
0x68: {  	_ =	shalt  }
0x69: {  	_ =	shalt  }
0x6a: {  	_ =	shalt  }
0x6b: {  	_ =	shalt  }
0x6c: {  	_ =	shalt  }
0x6d: {  	_ =	shalt  }
0x6e: {  	_ =	shalt  }
0x6f: {  	_ =	shalt  }
0x70: {  	_ =	shalt  }
0x71: {  	_ =	shalt  }
0x72: {  	_ =	shalt  }
0x73: {  	_ =	shalt  }
0x74: {  	_ =	shalt  }
0x75: {  	_ =	shalt  }
0x76: {  	_ =	shalt  }
0x77: {  	_ =	shalt  }
0x78: {  	_ =	shalt  }
0x79: {  	_ =	shalt  }
0x7a: {  	_ =	shalt  }
0x7b: {  	_ =	shalt  }
0x7c: {  	_ =	shalt  }
0x7d: {  	_ =	shalt  }
0x7e: {  	_ =	shalt  }
0x7f: {  	_ =	shalt  }
0x80: {  	_ =	shalt  }
0x81: {  	_ =	shalt  }
0x82: {  	_ =	shalt  }
0x83: {  	_ =	shalt  }
0x84: {  	_ =	shalt  }
0x85: {  	_ =	shalt  }
0x86: {  	_ =	shalt  }
0x87: {  	_ =	shalt  }
.Lfunc_end0:
.L_simem_size_0:
called_computation.1_lowered:
.L_overlay_start_0:
0x88: {  	s2 =	sld [smem:$0x3FD9]  }
0x89: {  	s3 =	sld [smem:$0x3FFE];
	_ =	sdelay $0x1  }
0x8a: {  	s1 =	srdreg.scid  }
0x8b: {  	s0 =	sand.u32 $0x1, s1  }
0x8c: {  	s17 =	sshll.u32 s0, $0xA;
	s2 =	sadd.s32 s3, s2  }
0x8d: {  	s2 =	sadd.s32 s2, s17  }
0x8e: {  	[smem:$0x3FC2] =	sst s2  }
0x8f: {  	_ = 	snop  }
0x90: {  	s2 =	sld [smem:$0x3FD0];
	(tm) =	ssettm $0x1  }
0x91: {  	s18 =	sld [smem:$0x3FFB];
	_ =	sdelay $0x3  }
0x92: {  	_ =	strace s18  }
0x93: {  	s3 =	sld [smem:$0x3FFC];
	_ =	sdelay $0x3  }
0x94: {  	_ =	strace s3  }
0x95: {  	s3 =	sld [smem:$0x3FFD];
	_ =	sdelay $0x3  }
0x96: {  	_ =	strace s3  }
0x97: {  	_ =	strace $0x8FFFFFFF  }
0x98: {  	s19 =	sld [smem:$0x3FDB];
	_ =	sdelay $0x1  }
0x99: {  	s4 =	simm.s32 $_scs_section_size  }
0x9a: {  	s5 =	simm.s32 $_size__tile_overlayer_lowered;
	s6 =	simm.s32 $_tile_overlayer_lowered  }
0x9b: {  	s22 =	simm.s32 $0x1BFF;
	s21 =	sshll.u32 s6, $0x1;
	s3 =	sadd.s32 s4, s19  }
0x9c: {  	s7 =	simm.s32 $0x0;
	s20 =	sshll.u32 s5, $0x1;
	s5 =	sadd.s32 s21, s3  }
0x9d: {  	[timem:s7], [sflag:s22] =	dma.local [hbm:s5], s20  }
0x9e: {  	_ =	swait.ge [sflag:s22], s20  }
0x9f: {  	s4 =	ssub.s32 $0x0, s20;
	[sflag:s22] =	ssyncset.done $0x0  }
0xa0: {  	[sflag:s22] =	ssyncadd.s32 s4;
	_ =	sdelay $0x1  }
0xa1: {  	s23 =	simm.s32 $0x1B8B  }
0xa2: {  	_ =	swait.ge [sflag:s23], $0x1  }
0xa3: {  	[sflag:s23] =	ssyncset.done $0x0  }
0xa4: {  	s25 =	simm.s32 $0x1B8E;
	s24 =	sld [smem:$0x3FFE];
	[sflag:s23] =	ssyncadd.s32 $0xFFFFFFFF  }
0xa5: {  	s26 =	simm.s32 $execute0_lowered;
	[smem:$0x3FD2] =	sst s25  }
0xa6: {  	s5 =	sshll.u32 s26, $0x1;
	_ =	strace $0x80000049;
	[dreg:$0x1] =	wrdreg $0xFFFFFFFF  }
0xa7: {  	s28 =	simm.s32 $_size_execute0_lowered;
	s3 =	sadd.s32 s3, s5;
	[dreg:$0x0] =	wrdreg $0x0  }
0xa8: {  	s5 =	sshll.u32 s28, $0x1;
	[dreg:$0x2] =	wrdreg s3  }
0xa9: {  	[dreg:$0x3] =	wrdreg s5  }
0xaa: {  	[dreg:$0x4] =	wrdreg $0xC0  }
0xab: {  	_ =	task [dreg:s7], $0x5FFFF  }
0xac: {  	[dreg:$0x1] =	wrdreg $0xFFFFFFFF  }
0xad: {  	[dreg:$0x0] =	wrdreg $0x60  }
0xae: {  	[dreg:$0x2] =	wrdreg s2  }
0xaf: {  	[dreg:$0x3] =	wrdreg s24  }
0xb0: {  	[dreg:$0x4] =	wrdreg $0x0  }
0xb1: {  	[dreg:$0x5] =	wrdreg $0x9  }
0xb2: {  	_ =	task.clear_ibuf [dreg:s7], $0x6FFFF;
	_ =	strace $0x90000049  }
0xb3: {  	s29 =	simm.s32 $0x9;
	_ =	strace $0x8000004B  }
0xb4: {  	_ =	swait.ge [sflag:s29], $0x1  }
0xb5: {  	[sflag:s29] =	ssyncadd.s32 $0xFFFFFFFF  }
0xb6: {  	_ =	strace $0x9000004B  }
0xb7: {  	_ =	sfence  }
0xb8: {  	s30 =	sld [smem:$0x0];
	_ =	sdelay $0x2  }
0xb9: {  	s31 =	sshll.u32 s1, $0xD;
	s1 =	sshrl.u32 s1, $0x2  }
0xba: {  	s3 =	sand.u32 $0x4000, s31;
	s1 =	sadd.s32 s1, s30  }
0xbb: {  	s0 =	sor.u32 s3, s0;
	s1 =	sshll.u32 s1, $0x11  }
0xbc: {  	s0 =	sor.u32 s1, s0  }
0xbd: {  	s0 =	sadd.s32 $0x8F2B, s0  }
0xbe: {  	[sflag:s0] =	ssyncadd.remote.s32 $0x1  }
0xbf: {  	_ =	sfence.sel $0xFFFF  }
0xc0: {  	[dreg:$0x0] =	wrdreg $0xFFFFFFFF;
	(pc) =	sbr.abs _section_cstart, $3  }
0xc1: {  	[dreg:$0x1] =	wrdreg $0xFFFFFFFF  }
0xc2: {  	_ =	task.clear_ibuf [dreg:s7], $0x2FFFF;
	_ =	strace $0x9FFFFFFF  }
0xc3: {  	(tm) =	ssettm $0x7FFFFFFF  }
tec
execute0_lowered:
.L_overlay_start_1:
0x0: {  	(tag) =	ssettag $0x1  }
0x1: {  	s1 =	rddreg [dreg:$0x0]  }
0x2: {  	s0 =	srdreg.scid;
	s2 =	rddreg [dreg:$0x1]  }
0x3: {  	s8 =	stileid.u32;
	s3 =	rddreg [dreg:$0x2];
	s4 =	simm.s32 $0x0  }
0x4: {  	s28 =	simm.s32 $0x14400;
	s29 =	simm.s32 $0x14080;
	s6 =	smul.u32 $0x5000, s8  }
0x5: {  	s30 =	simm.s32 $0x1A800;
	s31 =	simm.s32 $0x2;
	s14 =	smul.u32 $0x280, s8  }
0x6: {  	s0 =	sand.u32 $0x1, s0;
	[smem:$0x7FF] =	sst s4;
	s8 =	smul.u32 $0x50000, s8  }
0x7: {  	s9 =	sadd.s32 $0x3C00, s2;
	s5 =	smul.u32 $0x50000, s0;
	_ =	strace $0x8000004A  }
0x8: {  	s7 =	ssub.s32 $0x2, s0;
	[dreg:$0x4] =	wrdreg s9;
	s0 =	smul.u32 $0x2800, s0  }
0x9: {  	s17 =	sshrl.u32 s7, $0x1;
	s18 =	sshrl.u32 s8, $0x2;
	s11 =	sadd.s32 $0x80, s14  }
0xa: {  	s15 =	sadd.s32 $0x100, s14;
	s16 =	sadd.s32 $0x180, s14;
	s5 =	sadd.s32 s6, s5  }
0xb: {  	s12 =	ssub.s32 s7, s17;
	s7 =	sadd.s32 s18, s3;
	s20 =	sshll.u32 s11, $0x7  }
0xc: {  	s21 =	sshll.u32 s15, $0x7;
	s10 =	sshll.u32 s16, $0x7;
	s17 =	sadd.s32 $0x200, s14  }
0xd: {  	s6 =	sadd.s32 s14, s0;
	s14 =	sadd.s32 s0, s11;
	s24 =	sadd.s32 s0, s15  }
0xe: {  	s25 =	sadd.s32 s0, s16;
	s5 =	sshrl.u32 s5, $0x3;
	s8 =	sadd.s32 s20, s3  }
0xf: {  	s9 =	sadd.s32 s21, s3;
	s10 =	sadd.s32 s10, s3;
	s13 =	sshll.u32 s17, $0x7  }
0x10: {  	s6 =	sshll.u32 s6, $0x4;
	s14 =	sshll.u32 s14, $0x4;
	s0 =	sadd.s32 s0, s17  }
0x11: {  	s18 =	smax.u32 s12, $0x1;
	s20 =	simm.s32 $0x16800;
	s21 =	simm.s32 $0x6  }
0x12: {  	s5 =	sadd.s32 s5, s2;
	s2 =	sadd.s32 $0x68C00, s2;
	s11 =	sadd.s32 s13, s3  }
0x13: {  	s0 =	sshll.u32 s0, $0x4;
	s19 =	sadd.s32 $0x54C00, s5;
	s5 =	sadd.s32 $0x55100, s5  }
0x14: {  	s22 =	sadd.s32 s2, s6;
	s23 =	sadd.s32 s2, s14;
	[dreg:$0x5] =	wrdreg s19  }
0x15: {  	s6 =	sshll.u32 s25, $0x4;
	s17 =	sadd.s32 s2, s0;
	[dreg:$0x6] =	wrdreg s5  }
0x16: {  	s25 =	simm.s32 $0x80;
	s0 =	simm.s32 $0x0;
	[dreg:$0x7] =	wrdreg s22  }
0x17: {  	[dreg:$0x8] =	wrdreg s23;
	s5 =	sshll.u32 s24, $0x4;
	s26 =	sadd.s32 s2, s6  }
0x18: {  	s19 =	simm.s32 $0x14000;
	s22 =	simm.s32 $0x3;
	s23 =	simm.s32 $0x4  }
0x19: {  	s24 =	simm.s32 $0x5;
	s5 =	sadd.s32 s2, s5;
	[dreg:$0xa] =	wrdreg s26  }
0x1a: {  	s26 =	simm.s32 $0x1;
	s2 =	simm.s32 $0x16780;
	[dreg:$0x9] =	wrdreg s5  }
.LBB2_1:
0x1b: {  	s5 =	rddreg [dreg:$0x5]  }
0x1c: {  	[tilespmem:s19], [sflag:$0x5] =	stream.linear.gather [hbm4b:s5+s4], $0x2800, $0x38;
	[tilespmem:$0x1E800] =	vst v63  }
0x1d: {  	s14 =	rddreg [dreg:$0x4]  }
0x1e: {  	[tilespmem:s20], [sflag:$0x6] =	stream.linear.gather [hbm4b:s14+s4], $0x4000, $0x38;
	[tilespmem:$0x1E800] =	vst v63  }
0x1f: {  	_ =	swait.ge [sflag:s21], $0x4000  }
0x20: {  	[sflag:s21] =	ssyncset.done $0x0  }
0x21: {  	[sflag:s21] =	ssyncadd.s32 $0xFFFFC000  }
0x22: {  	[spmem:s7] =	stream.linear.scatter [tilespmem:s20], [sflag:$0x3], $0x4000, $0x38;
	[tilespmem:$0x1E800] =	vst v63  }
0x23: {  	_ = 	snop  }
0x24: {  	[spmem:s8] =	stream.linear.scatter [tilespmem:s20], [sflag:$0x4], $0x4000, $0x38;
	[tilespmem:$0x1E800] =	vst v63  }
0x25: {  	_ =	swait.ge [sflag:s22], $0x4000  }
0x26: {  	[sflag:s22] =	ssyncset.done $0x0  }
0x27: {  	[sflag:s22] =	ssyncadd.s32 $0xFFFFC000  }
0x28: {  	[spmem:s9] =	stream.linear.scatter [tilespmem:s20], [sflag:$0x3], $0x4000, $0x38;
	[tilespmem:$0x1E800] =	vst v63  }
0x29: {  	_ =	swait.ge [sflag:s23], $0x4000  }
0x2a: {  	[sflag:s23] =	ssyncset.done $0x0  }
0x2b: {  	[sflag:s23] =	ssyncadd.s32 $0xFFFFC000  }
0x2c: {  	[spmem:s10] =	stream.linear.scatter [tilespmem:s20], [sflag:$0x4], $0x4000, $0x38;
	[tilespmem:$0x1E800] =	vst v63  }
0x2d: {  	_ =	swait.ge [sflag:s22], $0x4000  }
0x2e: {  	[sflag:s22] =	ssyncset.done $0x0  }
0x2f: {  	[sflag:s22] =	ssyncadd.s32 $0xFFFFC000  }
0x30: {  	[spmem:s11] =	stream.linear.scatter [tilespmem:s20], [sflag:$0x3], $0x4000, $0x38;
	[tilespmem:$0x1E800] =	vst v63  }
0x31: {  	_ =	swait.ge [sflag:s22], $0x4000  }
0x32: {  	[sflag:s22] =	ssyncset.done $0x0  }
0x33: {  	[sflag:s22] =	ssyncadd.s32 $0xFFFFC000  }
0x34: {  	_ =	swait.ge [sflag:s23], $0x4000  }
0x35: {  	[sflag:s23] =	ssyncset.done $0x0  }
0x36: {  	[sflag:s23] =	ssyncadd.s32 $0xFFFFC000  }
0x37: {  	_ =	swait.ge [sflag:s24], $0x2800  }
0x38: {  	[sflag:s24] =	ssyncset.done $0x0  }
0x39: {  	[sflag:s24] =	ssyncadd.s32 $0xFFFFD800  }
0x3a: {  	[bflag:$0x0] =	sbarrier.arrive $0xFFFF  }
0x3b: {  	[tilespmem:s20], [sflag:$0x1] =	stream.indirect.gather [hbm4b:s1+s25], $0x80, s19, s25, $0xb8;
	[tilespmem:$0x1E800] =	vst v63  }
0x3c: {  	_ =	swait.ge [sflag:s26], $0x4000  }
0x3d: {  	[sflag:s26] =	ssyncset.done $0x0  }
0x3e: {  	[sflag:s26] =	ssyncadd.s32 $0xFFFFC000  }
0x3f: {  	[spmem:s3] =	stream.indirect.scatter.add.f32 [tilespmem:s20], [sflag:$0x3], $0x80, s28, s25, $0xb8;
	[tilespmem:$0x1E800] =	vst v63  }
0x40: {  	_ = 	snop  }
0x41: {  	[tilespmem:s30], [sflag:$0x2] =	stream.indirect.gather [hbm4b:s1+s25], $0x80, s29, s25, $0xb8;
	[tilespmem:$0x1E800] =	vst v63  }
0x42: {  	_ =	swait.ge [sflag:s31], $0x4000  }
0x43: {  	s6 =	sand.u32 $0x3800, s4;
	s15 =	simm.s32 $0x0;
	[sflag:s31] =	ssyncset.done $0x0  }
0x44: {  	s12 =	simm.s32 $0x100;
	s13 =	sand.u32 $0x300, s15;
	[sflag:s31] =	ssyncadd.s32 $0xFFFFC000  }
0x45: {  	s12 =	sand.u32 $0x300, s12;
	s5 =	simm.s32 $0x200;
	_ =	swait.ge [sflag:s22], $0x4000  }
0x46: {  	s6 =	sor.u32 s13, s6;
	s16 =	sand.u32 $0x7800, s5;
	[sflag:s22] =	ssyncset.done $0x0  }
0x47: {  	s12 =	sor.u32 s12, s16;
	s6 =	sor.u32 $0x14480, s6;
	[sflag:s22] =	ssyncadd.s32 $0xFFFFC000  }
0x48: {  	[spmem:s3] =	stream.indirect.scatter.add.f32 [tilespmem:s30], [sflag:$0x4], $0x80, s6, s25, $0xb8;
	[tilespmem:$0x1E800] =	vst v63  }
0x49: {  	s14 =	sadd.s32 $0x14000, s12  }
0x4a: {  	[tilespmem:s20], [sflag:$0x1] =	stream.indirect.gather [hbm4b:s1+s25], $0x80, s14, s25, $0xb8;
	[tilespmem:$0x1E800] =	vst v63  }
0x4b: {  	_ =	swait.ge [sflag:s26], $0x4000  }
0x4c: {  	[sflag:s26] =	ssyncset.done $0x0  }
0x4d: {  	[sflag:s26] =	ssyncadd.s32 $0xFFFFC000  }
0x4e: {  	_ =	swait.ge [sflag:s23], $0x4000  }
0x4f: {  	s15 =	simm.s32 $0x180;
	[sflag:s23] =	ssyncset.done $0x0  }
0x50: {  	s16 =	simm.s32 $0x300;
	s6 =	sor.u32 $0x400, s14;
	[sflag:s23] =	ssyncadd.s32 $0xFFFFC000  }
0x51: {  	[spmem:s3] =	stream.indirect.scatter.add.f32 [tilespmem:s20], [sflag:$0x3], $0x80, s6, s25, $0xb8;
	[tilespmem:$0x1E800] =	vst v63  }
0x52: {  	s12 =	sand.u32 $0x7800, s16;
	s6 =	sand.u32 $0x380, s15  }
0x53: {  	s12 =	sor.u32 s6, s12;
	s6 =	simm.s32 $0x280  }
.LBB2_2:
0x54: {  	p0 =	sne.s32 s6, $0x1380;
	s12 =	sadd.s32 $0x14000, s12  }
0x55: {  	s13 =	smov.u32 s6;
	s6 =	sadd.s32 $0x100, s6;
	s14 =	smov.u32 s5  }
0x56: {  	[tilespmem:s30], [sflag:$0x2] =	stream.indirect.gather [hbm4b:s1+s25], $0x80, s12, s25, $0xb8;
	[tilespmem:$0x1E800] =	vst v63  }
0x57: {  	s12 =	sand.u32 $0x3800, s5;
	_ =	swait.ge [sflag:s31], $0x4000  }
0x58: {  	s15 =	sadd.s32 $0xFFFFFE80, s13;
	s16 =	sadd.s32 $0xFFFFFF80, s13;
	[sflag:s31] =	ssyncset.done $0x0  }
0x59: {  	s15 =	sand.u32 $0x300, s15;
	s16 =	sand.u32 $0x300, s16;
	[sflag:s31] =	ssyncadd.s32 $0xFFFFC000  }
0x5a: {  	s5 =	sadd.s32 $0x200, s5;
	s12 =	sor.u32 s15, s12;
	_ =	swait.ge [sflag:s22], $0x4000  }
0x5b: {  	s15 =	sand.u32 $0x7800, s5;
	s12 =	sor.u32 $0x14480, s12;
	[sflag:s22] =	ssyncset.done $0x0  }
0x5c: {  	s15 =	sor.u32 s16, s15;
	[sflag:s22] =	ssyncadd.s32 $0xFFFFC000  }
0x5d: {  	[spmem:s3] =	stream.indirect.scatter.add.f32 [tilespmem:s30], [sflag:$0x4], $0x80, s12, s25, $0xb8;
	[tilespmem:$0x1E800] =	vst v63  }
0x5e: {  	s12 =	sadd.s32 $0x14000, s15  }
0x5f: {  	[tilespmem:s20], [sflag:$0x1] =	stream.indirect.gather [hbm4b:s1+s25], $0x80, s12, s25, $0xb8;
	[tilespmem:$0x1E800] =	vst v63  }
0x60: {  	_ =	swait.ge [sflag:s26], $0x4000  }
0x61: {  	[sflag:s26] =	ssyncset.done $0x0  }
.Ltmp0:
0x62: {  	[sflag:s26] =	ssyncadd.s32 $0xFFFFC000;
	(pc) =	sbr.rel @p0 .LBB2_2-.Ltmp0, $4  }
0x63: {  	s14 =	sadd.s32 $0x300, s14;
	s13 =	sand.u32 $0x380, s13;
	_ =	swait.ge [sflag:s23], $0x4000  }
0x64: {  	s15 =	sor.u32 $0x400, s12;
	s12 =	sand.u32 $0x7800, s14;
	[sflag:s23] =	ssyncset.done $0x0  }
0x65: {  	s12 =	sor.u32 s13, s12;
	[sflag:s23] =	ssyncadd.s32 $0xFFFFC000  }
0x66: {  	[spmem:s3] =	stream.indirect.scatter.add.f32 [tilespmem:s20], [sflag:$0x3], $0x80, s15, s25, $0xb8;
	[tilespmem:$0x1E800] =	vst v63  }
0x67: {  	s5 =	sadd.s32 $0x14000, s12  }
0x68: {  	[tilespmem:s30], [sflag:$0x2] =	stream.indirect.gather [hbm4b:s1+s25], $0x80, s5, s25, $0xb8;
	[tilespmem:$0x1E800] =	vst v63  }
0x69: {  	_ =	swait.ge [sflag:s31], $0x4000  }
0x6a: {  	[sflag:s31] =	ssyncset.done $0x0  }
0x6b: {  	[sflag:s31] =	ssyncadd.s32 $0xFFFFC000  }
0x6c: {  	_ =	swait.ge [sflag:s22], $0x4000  }
0x6d: {  	[sflag:s22] =	ssyncset.done $0x0  }
0x6e: {  	[sflag:s22] =	ssyncadd.s32 $0xFFFFC000  }
0x6f: {  	[spmem:s3] =	stream.indirect.scatter.add.f32 [tilespmem:s30], [sflag:$0x4], $0x80, s2, s25, $0xb8;
	[tilespmem:$0x1E800] =	vst v63  }
0x70: {  	_ =	swait.ge [sflag:s23], $0x4000  }
0x71: {  	[sflag:s23] =	ssyncset.done $0x0  }
0x72: {  	s15 =	simm.s32 $0x0;
	s6 =	rddreg [dreg:$0x6];
	[sflag:s23] =	ssyncadd.s32 $0xFFFFC000  }
0x73: {  	[tilespmem:s19], [sflag:$0x6] =	stream.linear.gather [hbm4b:s6+s15], $0x2800, $0x38;
	[tilespmem:$0x1E800] =	vst v63  }
0x74: {  	_ =	swait.ge [sflag:s21], $0x2800  }
0x75: {  	[sflag:s21] =	ssyncset.done $0x0  }
0x76: {  	[sflag:s21] =	ssyncadd.s32 $0xFFFFD800  }
0x77: {  	[tilespmem:s20], [sflag:$0x1] =	stream.indirect.gather [hbm4b:s1+s25], $0x80, s19, s25, $0xb8;
	[tilespmem:$0x1E800] =	vst v63  }
0x78: {  	_ =	swait.ge [sflag:s26], $0x4000  }
0x79: {  	[sflag:s26] =	ssyncset.done $0x0  }
0x7a: {  	[sflag:s26] =	ssyncadd.s32 $0xFFFFC000  }
0x7b: {  	[spmem:s3] =	stream.indirect.scatter.add.f32 [tilespmem:s20], [sflag:$0x3], $0x80, s28, s25, $0xb8;
	[tilespmem:$0x1E800] =	vst v63  }
0x7c: {  	_ = 	snop  }
0x7d: {  	[tilespmem:s30], [sflag:$0x2] =	stream.indirect.gather [hbm4b:s1+s25], $0x80, s29, s25, $0xb8;
	[tilespmem:$0x1E800] =	vst v63  }
0x7e: {  	_ =	swait.ge [sflag:s31], $0x4000  }
0x7f: {  	s14 =	simm.s32 $0x0;
	s16 =	sand.u32 $0x3800, s15;
	[sflag:s31] =	ssyncset.done $0x0  }
0x80: {  	s13 =	sand.u32 $0x300, s14;
	s5 =	simm.s32 $0x200;
	[sflag:s31] =	ssyncadd.s32 $0xFFFFC000  }
0x81: {  	s15 =	simm.s32 $0x100;
	s6 =	sor.u32 s13, s16;
	_ =	swait.ge [sflag:s22], $0x4000  }
0x82: {  	s16 =	sand.u32 $0x7800, s5;
	s12 =	sand.u32 $0x300, s15;
	[sflag:s22] =	ssyncset.done $0x0  }
0x83: {  	s6 =	sor.u32 $0x14480, s6;
	s12 =	sor.u32 s12, s16;
	[sflag:s22] =	ssyncadd.s32 $0xFFFFC000  }
0x84: {  	[spmem:s3] =	stream.indirect.scatter.add.f32 [tilespmem:s30], [sflag:$0x4], $0x80, s6, s25, $0xb8;
	[tilespmem:$0x1E800] =	vst v63  }
0x85: {  	s14 =	sadd.s32 $0x14000, s12  }
0x86: {  	[tilespmem:s20], [sflag:$0x1] =	stream.indirect.gather [hbm4b:s1+s25], $0x80, s14, s25, $0xb8;
	[tilespmem:$0x1E800] =	vst v63  }
0x87: {  	_ =	swait.ge [sflag:s26], $0x4000  }
0x88: {  	[sflag:s26] =	ssyncset.done $0x0  }
0x89: {  	[sflag:s26] =	ssyncadd.s32 $0xFFFFC000  }
0x8a: {  	s15 =	simm.s32 $0x180;
	_ =	swait.ge [sflag:s23], $0x4000  }
0x8b: {  	s16 =	simm.s32 $0x300;
	s12 =	sand.u32 $0x380, s15;
	[sflag:s23] =	ssyncset.done $0x0  }
0x8c: {  	s13 =	sand.u32 $0x7800, s16;
	s6 =	sor.u32 $0x400, s14;
	[sflag:s23] =	ssyncadd.s32 $0xFFFFC000  }
0x8d: {  	[spmem:s3] =	stream.indirect.scatter.add.f32 [tilespmem:s20], [sflag:$0x3], $0x80, s6, s25, $0xb8;
	[tilespmem:$0x1E800] =	vst v63  }
0x8e: {  	s12 =	sor.u32 s12, s13;
	s6 =	simm.s32 $0x280  }
.LBB2_4:
0x8f: {  	p0 =	sne.s32 s6, $0x1380;
	s12 =	sadd.s32 $0x14000, s12  }
0x90: {  	s13 =	smov.u32 s6;
	s6 =	sadd.s32 $0x100, s6;
	s14 =	smov.u32 s5  }
0x91: {  	[tilespmem:s30], [sflag:$0x2] =	stream.indirect.gather [hbm4b:s1+s25], $0x80, s12, s25, $0xb8;
	[tilespmem:$0x1E800] =	vst v63  }
0x92: {  	s12 =	sand.u32 $0x3800, s5;
	_ =	swait.ge [sflag:s31], $0x4000  }
0x93: {  	s15 =	sadd.s32 $0xFFFFFE80, s13;
	s16 =	sadd.s32 $0xFFFFFF80, s13;
	[sflag:s31] =	ssyncset.done $0x0  }
0x94: {  	s15 =	sand.u32 $0x300, s15;
	s16 =	sand.u32 $0x300, s16;
	[sflag:s31] =	ssyncadd.s32 $0xFFFFC000  }
0x95: {  	s5 =	sadd.s32 $0x200, s5;
	s12 =	sor.u32 s15, s12;
	_ =	swait.ge [sflag:s22], $0x4000  }
0x96: {  	s15 =	sand.u32 $0x7800, s5;
	s12 =	sor.u32 $0x14480, s12;
	[sflag:s22] =	ssyncset.done $0x0  }
0x97: {  	s15 =	sor.u32 s16, s15;
	[sflag:s22] =	ssyncadd.s32 $0xFFFFC000  }
0x98: {  	[spmem:s3] =	stream.indirect.scatter.add.f32 [tilespmem:s30], [sflag:$0x4], $0x80, s12, s25, $0xb8;
	[tilespmem:$0x1E800] =	vst v63  }
0x99: {  	s12 =	sadd.s32 $0x14000, s15  }
0x9a: {  	[tilespmem:s20], [sflag:$0x1] =	stream.indirect.gather [hbm4b:s1+s25], $0x80, s12, s25, $0xb8;
	[tilespmem:$0x1E800] =	vst v63  }
0x9b: {  	_ =	swait.ge [sflag:s26], $0x4000  }
0x9c: {  	[sflag:s26] =	ssyncset.done $0x0  }
.Ltmp1:
0x9d: {  	[sflag:s26] =	ssyncadd.s32 $0xFFFFC000;
	(pc) =	sbr.rel @p0 .LBB2_4-.Ltmp1, $4  }
0x9e: {  	s14 =	sadd.s32 $0x300, s14;
	s13 =	sand.u32 $0x380, s13;
	_ =	swait.ge [sflag:s23], $0x4000  }
0x9f: {  	s15 =	sor.u32 $0x400, s12;
	s12 =	sand.u32 $0x7800, s14;
	[sflag:s23] =	ssyncset.done $0x0  }
0xa0: {  	s12 =	sor.u32 s13, s12;
	[sflag:s23] =	ssyncadd.s32 $0xFFFFC000  }
0xa1: {  	[spmem:s3] =	stream.indirect.scatter.add.f32 [tilespmem:s20], [sflag:$0x3], $0x80, s15, s25, $0xb8;
	[tilespmem:$0x1E800] =	vst v63  }
0xa2: {  	s5 =	sadd.s32 $0x14000, s12  }
0xa3: {  	[tilespmem:s30], [sflag:$0x2] =	stream.indirect.gather [hbm4b:s1+s25], $0x80, s5, s25, $0xb8;
	[tilespmem:$0x1E800] =	vst v63  }
0xa4: {  	_ =	swait.ge [sflag:s31], $0x4000  }
0xa5: {  	[sflag:s31] =	ssyncset.done $0x0  }
0xa6: {  	[sflag:s31] =	ssyncadd.s32 $0xFFFFC000  }
0xa7: {  	_ =	swait.ge [sflag:s22], $0x4000  }
0xa8: {  	[sflag:s22] =	ssyncset.done $0x0  }
0xa9: {  	[sflag:s22] =	ssyncadd.s32 $0xFFFFC000  }
0xaa: {  	[spmem:s3] =	stream.indirect.scatter.add.f32 [tilespmem:s30], [sflag:$0x4], $0x80, s2, s25, $0xb8;
	[tilespmem:$0x1E800] =	vst v63  }
0xab: {  	_ =	swait.ge [sflag:s23], $0x4000  }
0xac: {  	[sflag:s23] =	ssyncset.done $0x0  }
0xad: {  	[sflag:s23] =	ssyncadd.s32 $0xFFFFC000  }
0xae: {  	[bflag:$0x0] =	sbarrier.arrive $0xFFFF  }
0xaf: {  	[tilespmem:s20], [sflag:$0x6] =	stream.linear.gather [spmem:s7], $0x4000, $0x38;
	[tilespmem:$0x1E800] =	vst v63  }
0xb0: {  	_ =	swait.ge [sflag:s21], $0x4000  }
0xb1: {  	[sflag:s21] =	ssyncset.done $0x0  }
0xb2: {  	s13 =	rddreg [dreg:$0x7];
	[sflag:s21] =	ssyncadd.s32 $0xFFFFC000  }
0xb3: {  	[hbm4b:s13+s4] =	stream.linear.scatter [tilespmem:s20], [sflag:$0x1], $0x4000, $0x38;
	[tilespmem:$0x1E800] =	vst v63  }
0xb4: {  	_ = 	snop  }
0xb5: {  	[tilespmem:s30], [sflag:$0x6] =	stream.linear.gather [spmem:s8], $0x4000, $0x38;
	[tilespmem:$0x1E800] =	vst v63  }
0xb6: {  	_ =	swait.ge [sflag:s21], $0x4000  }
0xb7: {  	[sflag:s21] =	ssyncset.done $0x0  }
0xb8: {  	s14 =	rddreg [dreg:$0x8];
	[sflag:s21] =	ssyncadd.s32 $0xFFFFC000  }
0xb9: {  	[hbm4b:s14+s4] =	stream.linear.scatter [tilespmem:s30], [sflag:$0x2], $0x4000, $0x38;
	[tilespmem:$0x1E800] =	vst v63  }
0xba: {  	_ =	swait.ge [sflag:s26], $0x4000  }
0xbb: {  	[sflag:s26] =	ssyncset.done $0x0  }
0xbc: {  	[sflag:s26] =	ssyncadd.s32 $0xFFFFC000  }
0xbd: {  	[tilespmem:s20], [sflag:$0x6] =	stream.linear.gather [spmem:s9], $0x4000, $0x38;
	[tilespmem:$0x1E800] =	vst v63  }
0xbe: {  	_ =	swait.ge [sflag:s21], $0x4000  }
0xbf: {  	[sflag:s21] =	ssyncset.done $0x0  }
0xc0: {  	s15 =	rddreg [dreg:$0x9];
	[sflag:s21] =	ssyncadd.s32 $0xFFFFC000  }
0xc1: {  	[hbm4b:s15+s4] =	stream.linear.scatter [tilespmem:s20], [sflag:$0x1], $0x4000, $0x38;
	[tilespmem:$0x1E800] =	vst v63  }
0xc2: {  	_ =	swait.ge [sflag:s31], $0x4000  }
0xc3: {  	[sflag:s31] =	ssyncset.done $0x0  }
0xc4: {  	[sflag:s31] =	ssyncadd.s32 $0xFFFFC000  }
0xc5: {  	[tilespmem:s30], [sflag:$0x6] =	stream.linear.gather [spmem:s10], $0x4000, $0x38;
	[tilespmem:$0x1E800] =	vst v63  }
0xc6: {  	_ =	swait.ge [sflag:s21], $0x4000  }
0xc7: {  	[sflag:s21] =	ssyncset.done $0x0  }
0xc8: {  	s16 =	rddreg [dreg:$0xa];
	[sflag:s21] =	ssyncadd.s32 $0xFFFFC000  }
0xc9: {  	[hbm4b:s16+s4] =	stream.linear.scatter [tilespmem:s30], [sflag:$0x2], $0x4000, $0x38;
	[tilespmem:$0x1E800] =	vst v63  }
0xca: {  	_ =	swait.ge [sflag:s26], $0x4000  }
0xcb: {  	[sflag:s26] =	ssyncset.done $0x0  }
0xcc: {  	[sflag:s26] =	ssyncadd.s32 $0xFFFFC000  }
0xcd: {  	[tilespmem:s20], [sflag:$0x6] =	stream.linear.gather [spmem:s11], $0x4000, $0x38;
	[tilespmem:$0x1E800] =	vst v63  }
0xce: {  	_ =	swait.ge [sflag:s21], $0x4000  }
0xcf: {  	[sflag:s21] =	ssyncset.done $0x0  }
0xd0: {  	s0 =	sadd.s32 $0x1, s0;
	[sflag:s21] =	ssyncadd.s32 $0xFFFFC000  }
0xd1: {  	[hbm4b:s17+s4] =	stream.linear.scatter [tilespmem:s20], [sflag:$0x1], $0x4000, $0x38;
	[tilespmem:$0x1E800] =	vst v63  }
0xd2: {  	p0 =	sne.s32 s0, s18;
	_ =	swait.ge [sflag:s26], $0x4000  }
.Ltmp2:
0xd3: {  	[sflag:s26] =	ssyncset.done $0x0;
	(pc) =	sbr.rel @p0 .LBB2_1-.Ltmp2, $4  }
0xd4: {  	[sflag:s26] =	ssyncadd.s32 $0xFFFFC000  }
0xd5: {  	_ =	swait.ge [sflag:s31], $0x4000  }
0xd6: {  	[sflag:s31] =	ssyncset.done $0x0  }
0xd7: {  	[sflag:s31] =	ssyncadd.s32 $0xFFFFC000  }
0xd8: {  	_ =	sfence.sel $0x180000  }
0xd9: {  	[bflag:$0x0] =	sbarrier.arrive $0xFFFF  }
0xda: {  	_ =	strace $0x9000004A  }
0xdb: {  	s0 =	stileid.u32;
	[bflag:$0x2] =	sbarrier.arrive $0xFFFF  }
0xdc: {  	p0 =	sne.s32 s0, $0x0;
	s0 =	rddreg [dreg:$0x3]  }
0xdd: {  	s0 =	sadd.s32 @!p0 $0x100000, s0  }
0xde: {  	[sflag:s0] =	ssyncadd.tile.s32 @!p0 $0x1;
	_ =	shalt  }
.Lfunc_end2:
_tile_overlayer_lowered:
.L_overlay_start_2:
0xdf: {  	(tag) =	ssettag $0x2  }
0xe0: {  	s0 =	rddreg [dreg:$0x0];
	s2 =	stileid.u32  }
0xe1: {  	s1 =	rddreg [dreg:$0x1];
	p0 =	sne.s32 s2, $0x0  }
0xe2: {  	s3 =	rddreg [dreg:$0x2];
	[bflag:$0x3] =	sbarrier.arrive $0xFFFF;
	s2 =	simm.s32 @!p0 $0x1C06  }
0xe3: {  	[timem:s3], [sflag:s2] =	dma.local @!p0 [hbm:s0], s1  }
0xe4: {  	s0 =	simm.s32 @!p0 $0x6  }
0xe5: {  	_ =	swait.ge @!p0 [sflag:s0], s1  }
0xe6: {  	s1 =	ssub.s32 @!p0 $0x0, s1;
	[sflag:s0] =	ssyncset.done @!p0 $0x0  }
0xe7: {  	[sflag:s0] =	ssyncadd.s32 @!p0 s1  }
0xe8: {  	[bflag:$0x3] =	sbarrier.arrive $0xFFFF  }
0xe9: {  	_ =	shalt  }

// kernel: kernel.14.cloned.1.call-start
scs
__scs_entry_jumppad:
0x0: {  	(pc) =	sbr.rel $0x88, $3  }
0x1: {  	(tag) =	ssettag $0x0;
	lr =	simm.s32 $0x1  }
0x2: {  	[smem:$0x3F9B] =	sst lr;
	_ =	strace $0xD0000000  }
0x3: {  	_ = 	snop  }
0x4: {  	_ = 	snop  }
0x5: {  	_ = 	snop  }
0x6: {  	_ = 	snop  }
0x7: {  	_ = 	snop  }
__scs_overlays_trampoline_lowered:
0x8: {  	[smem:$0x3FAA] =	sst s0  }
0x9: {  	[smem:$0x3FAB] =	sst s1  }
0xa: {  	[smem:$0x3FAC] =	sst s2  }
0xb: {  	[smem:$0x3FAD] =	sst s3  }
0xc: {  	[smem:$0x3FAE] =	sst s4  }
0xd: {  	[smem:$0x3FAF] =	sst s5  }
0xe: {  	[smem:$0x3FB0] =	sst s6  }
0xf: {  	[smem:$0x3FB1] =	sst s7  }
0x10: {  	[smem:$0x3FB2] =	sst s8  }
0x11: {  	[smem:$0x3FB3] =	sst s9;
	s0 =	simm.s32 @!p0 $0x0  }
0x12: {  	s1 =	sld [smem:$0x3F99];
	s0 =	simm.s32 @p0 $0x1  }
0x13: {  	[smem:$0x3FB4] =	sst s0;
	s0 =	simm.s32 @!p1 $0x0  }
0x14: {  	s2 =	sld [smem:$0x3F98];
	s0 =	simm.s32 @p1 $0x1  }
0x15: {  	[smem:$0x3FB5] =	sst s0;
	s0 =	simm.s32 @!p2 $0x0  }
0x16: {  	s3 =	sld [smem:$0x3FDB];
	s0 =	simm.s32 @p2 $0x1  }
0x17: {  	s4 =	simm.s32 $0x1BF5;
	[smem:$0x3FB7] =	sst s0  }
0x18: {  	s0 =	sld [smem:$0x3F9A];
	_ =	swait.ge [sflag:s4], $0x0  }
0x19: {  	s7 =	sld [smem:$0x3F9B]  }
0x1a: {  	s8 =	sadd.s32 $0xFFFFE003, lr  }
0x1b: {  	s9 =	sadd.s32 $0xFFFFFEF7, lr;
	s5 =	simm.s32 $0xFFFFFFFF;
	p2 =	slt.u32 s8, $0xFFFFF086  }
0x1c: {  	p1 =	slt.u32 s9, $0xF7A;
	s5 =	simm.s32 @!p2 $0x0  }
0x1d: {  	s5 =	simm.s32 @p1 $0x1;
	p0 =	seq.s32 s7, s2  }
0x1e: {  	s7 =	smul.u32 @!p0 $0xF7A, s2;
	p2 =	seq.s32 @!p0 s5, $0x0  }
0x1f: {  	s9 =	smul.u32 $0xF7A, s1;
	s8 =	simm.s32 @!p0 $0x1BF5;
	p2 =	por !p2, p0  }
0x20: {  	[sflag:s8] =	ssyncset.s32 @!p0 $0xFFFFF086;
	s6 =	sadd.s32 @!p0 s3, s7;
	s7 =	simm.s32 @!p0 $0x108  }
0x21: {  	s3 =	sadd.s32 s3, s9;
	s6 =	sadd.s32 @!p0 $0x88, s6;
	s7 =	simm.s32 @p2 $0x1082  }
0x22: {  	[simem:s7], [sflag:s8] =	dma.local @!p0 [hbm:s6], $0xF7A  }
0x23: {  	s9 =	sor.u32 $0xD0000000, s2;
	s6 =	simm.s32 $0x108;
	_ =	swait.ge @!p0 [sflag:s8], $0x0  }
0x24: {  	s3 =	sadd.s32 $0x88, s3;
	s6 =	simm.s32 @!p1 $0x1082;
	[sflag:s4] =	ssyncset.s32 $0xFFFFF086  }
0x25: {  	[simem:s6], [sflag:s4] =	dma.local [hbm:s3], $0xF7A  }
0x26: {  	[smem:$0x3F9B] =	sst s1;
	(tag) =	ssettag s2;
	_ =	strace s9  }
0x27: {  	s1 =	sld [smem:$0x3FAB]  }
0x28: {  	s2 =	sld [smem:$0x3FAC]  }
0x29: {  	s4 =	sld [smem:$0x3FAE]  }
0x2a: {  	p0 =	seq.s32 s5, $0x0;
	s5 =	sld [smem:$0x3FAF]  }
0x2b: {  	s6 =	sld [smem:$0x3FB0]  }
0x2c: {  	s7 =	sld [smem:$0x3FB1]  }
0x2d: {  	s3 =	simm.s32 $0x108;
	s8 =	sld [smem:$0x3FB2]  }
0x2e: {  	s3 =	simm.s32 @!p0 $0x1082;
	s9 =	sld [smem:$0x3FB3]  }
0x2f: {  	lr =	sadd.s32 s0, s3;
	s0 =	sld [smem:$0x3FAA]  }
0x30: {  	s3 =	sld [smem:$0x3FAD]  }
0x31: {  	[smem:$0x3FB6] =	sst s10  }
0x32: {  	s10 =	sld [smem:$0x3FB4];
	_ =	sdelay $0x3  }
0x33: {  	p0 =	seq.s32 s10, $0x1;
	s10 =	sld [smem:$0x3FB6];
	_ =	sdelay $0x3  }
0x34: {  	[smem:$0x3FB6] =	sst s10  }
0x35: {  	s10 =	sld [smem:$0x3FB5];
	_ =	sdelay $0x3  }
0x36: {  	p1 =	seq.s32 s10, $0x1;
	s10 =	sld [smem:$0x3FB6];
	_ =	sdelay $0x3  }
0x37: {  	[smem:$0x3FB6] =	sst s10  }
0x38: {  	s10 =	sld [smem:$0x3FB7]  }
0x39: {  	_ = 	snop;
	(pc) =	sbr.ind lr, $3  }
0x3a: {  	_ = 	snop  }
0x3b: {  	_ = 	snop  }
0x3c: {  	p2 =	seq.s32 s10, $0x1;
	s10 =	sld [smem:$0x3FB6]  }
0x3d: {  	_ =	shalt  }
0x3e: {  	_ =	shalt  }
0x3f: {  	_ =	shalt  }
0x40: {  	_ =	shalt  }
0x41: {  	_ =	shalt  }
0x42: {  	_ =	shalt  }
0x43: {  	_ =	shalt  }
0x44: {  	_ =	shalt  }
0x45: {  	_ =	shalt  }
0x46: {  	_ =	shalt  }
0x47: {  	_ =	shalt  }
0x48: {  	_ =	shalt  }
0x49: {  	_ =	shalt  }
0x4a: {  	_ =	shalt  }
0x4b: {  	_ =	shalt  }
0x4c: {  	_ =	shalt  }
0x4d: {  	_ =	shalt  }
0x4e: {  	_ =	shalt  }
0x4f: {  	_ =	shalt  }
0x50: {  	_ =	shalt  }
0x51: {  	_ =	shalt  }
0x52: {  	_ =	shalt  }
0x53: {  	_ =	shalt  }
0x54: {  	_ =	shalt  }
0x55: {  	_ =	shalt  }
0x56: {  	_ =	shalt  }
0x57: {  	_ =	shalt  }
0x58: {  	_ =	shalt  }
0x59: {  	_ =	shalt  }
0x5a: {  	_ =	shalt  }
0x5b: {  	_ =	shalt  }
0x5c: {  	_ =	shalt  }
0x5d: {  	_ =	shalt  }
0x5e: {  	_ =	shalt  }
0x5f: {  	_ =	shalt  }
0x60: {  	_ =	shalt  }
0x61: {  	_ =	shalt  }
0x62: {  	_ =	shalt  }
0x63: {  	_ =	shalt  }
0x64: {  	_ =	shalt  }
0x65: {  	_ =	shalt  }
0x66: {  	_ =	shalt  }
0x67: {  	_ =	shalt  }
0x68: {  	_ =	shalt  }
0x69: {  	_ =	shalt  }
0x6a: {  	_ =	shalt  }
0x6b: {  	_ =	shalt  }
0x6c: {  	_ =	shalt  }
0x6d: {  	_ =	shalt  }
0x6e: {  	_ =	shalt  }
0x6f: {  	_ =	shalt  }
0x70: {  	_ =	shalt  }
0x71: {  	_ =	shalt  }
0x72: {  	_ =	shalt  }
0x73: {  	_ =	shalt  }
0x74: {  	_ =	shalt  }
0x75: {  	_ =	shalt  }
0x76: {  	_ =	shalt  }
0x77: {  	_ =	shalt  }
0x78: {  	_ =	shalt  }
0x79: {  	_ =	shalt  }
0x7a: {  	_ =	shalt  }
0x7b: {  	_ =	shalt  }
0x7c: {  	_ =	shalt  }
0x7d: {  	_ =	shalt  }
0x7e: {  	_ =	shalt  }
0x7f: {  	_ =	shalt  }
0x80: {  	_ =	shalt  }
0x81: {  	_ =	shalt  }
0x82: {  	_ =	shalt  }
0x83: {  	_ =	shalt  }
0x84: {  	_ =	shalt  }
0x85: {  	_ =	shalt  }
0x86: {  	_ =	shalt  }
0x87: {  	_ =	shalt  }
.Lfunc_end0:
.L_simem_size_0:
called_computation.2_lowered:
.L_overlay_start_0:
0x88: {  	s2 =	sld [smem:$0x3FD9]  }
0x89: {  	s3 =	sld [smem:$0x3FFE];
	_ =	sdelay $0x1  }
0x8a: {  	s1 =	srdreg.scid  }
0x8b: {  	s0 =	sand.u32 $0x1, s1  }
0x8c: {  	s17 =	sshll.u32 s0, $0xA;
	s2 =	sadd.s32 s3, s2  }
0x8d: {  	s2 =	sadd.s32 s2, s17  }
0x8e: {  	[smem:$0x3FC2] =	sst s2  }
0x8f: {  	_ = 	snop  }
0x90: {  	s2 =	sld [smem:$0x3FD0];
	(tm) =	ssettm $0x1  }
0x91: {  	s18 =	sld [smem:$0x3FFB];
	_ =	sdelay $0x3  }
0x92: {  	_ =	strace s18  }
0x93: {  	s3 =	sld [smem:$0x3FFC];
	_ =	sdelay $0x3  }
0x94: {  	_ =	strace s3  }
0x95: {  	s3 =	sld [smem:$0x3FFD];
	_ =	sdelay $0x3  }
0x96: {  	_ =	strace s3  }
0x97: {  	_ =	strace $0x8FFFFFFF  }
0x98: {  	s19 =	sld [smem:$0x3FDB];
	_ =	sdelay $0x1  }
0x99: {  	s4 =	simm.s32 $_scs_section_size  }
0x9a: {  	s5 =	simm.s32 $_size__tile_overlayer_lowered;
	s6 =	simm.s32 $_tile_overlayer_lowered  }
0x9b: {  	s22 =	simm.s32 $0x1BFF;
	s21 =	sshll.u32 s6, $0x1;
	s3 =	sadd.s32 s4, s19  }
0x9c: {  	s7 =	simm.s32 $0x0;
	s20 =	sshll.u32 s5, $0x1;
	s5 =	sadd.s32 s21, s3  }
0x9d: {  	[timem:s7], [sflag:s22] =	dma.local [hbm:s5], s20  }
0x9e: {  	_ =	swait.ge [sflag:s22], s20  }
0x9f: {  	s4 =	ssub.s32 $0x0, s20;
	[sflag:s22] =	ssyncset.done $0x0  }
0xa0: {  	[sflag:s22] =	ssyncadd.s32 s4;
	_ =	sdelay $0x1  }
0xa1: {  	s23 =	simm.s32 $0x1B8B  }
0xa2: {  	_ =	swait.ge [sflag:s23], $0x1  }
0xa3: {  	[sflag:s23] =	ssyncset.done $0x0  }
0xa4: {  	s25 =	simm.s32 $0x1B8E;
	s24 =	sld [smem:$0x3FFE];
	[sflag:s23] =	ssyncadd.s32 $0xFFFFFFFF  }
0xa5: {  	s26 =	simm.s32 $execute0_lowered;
	[smem:$0x3FD2] =	sst s25  }
0xa6: {  	s5 =	sshll.u32 s26, $0x1;
	_ =	strace $0x8000004C;
	[dreg:$0x1] =	wrdreg $0xFFFFFFFF  }
0xa7: {  	s28 =	simm.s32 $_size_execute0_lowered;
	s3 =	sadd.s32 s3, s5;
	[dreg:$0x0] =	wrdreg $0x0  }
0xa8: {  	s5 =	sshll.u32 s28, $0x1;
	[dreg:$0x2] =	wrdreg s3  }
0xa9: {  	[dreg:$0x3] =	wrdreg s5  }
0xaa: {  	[dreg:$0x4] =	wrdreg $0xC0  }
0xab: {  	_ =	task [dreg:s7], $0x5FFFF  }
0xac: {  	[dreg:$0x1] =	wrdreg $0xFFFFFFFF  }
0xad: {  	[dreg:$0x0] =	wrdreg $0x60  }
0xae: {  	[dreg:$0x2] =	wrdreg s2  }
0xaf: {  	[dreg:$0x3] =	wrdreg s24  }
0xb0: {  	[dreg:$0x4] =	wrdreg $0x0  }
0xb1: {  	[dreg:$0x5] =	wrdreg $0x9  }
0xb2: {  	_ =	task.clear_ibuf [dreg:s7], $0x6FFFF;
	_ =	strace $0x9000004C  }
0xb3: {  	s29 =	simm.s32 $0x9;
	_ =	strace $0x8000004E  }
0xb4: {  	_ =	swait.ge [sflag:s29], $0x1  }
0xb5: {  	[sflag:s29] =	ssyncadd.s32 $0xFFFFFFFF  }
0xb6: {  	_ =	strace $0x9000004E  }
0xb7: {  	_ =	sfence  }
0xb8: {  	s30 =	sld [smem:$0x0];
	_ =	sdelay $0x2  }
0xb9: {  	s31 =	sshll.u32 s1, $0xD;
	s1 =	sshrl.u32 s1, $0x2  }
0xba: {  	s3 =	sand.u32 $0x4000, s31;
	s1 =	sadd.s32 s1, s30  }
0xbb: {  	s0 =	sor.u32 s3, s0;
	s1 =	sshll.u32 s1, $0x11  }
0xbc: {  	s0 =	sor.u32 s1, s0  }
0xbd: {  	s0 =	sadd.s32 $0x8F2B, s0  }
0xbe: {  	[sflag:s0] =	ssyncadd.remote.s32 $0x1  }
0xbf: {  	_ =	sfence.sel $0xFFFF  }
0xc0: {  	[dreg:$0x0] =	wrdreg $0xFFFFFFFF;
	(pc) =	sbr.abs _section_cstart, $3  }
0xc1: {  	[dreg:$0x1] =	wrdreg $0xFFFFFFFF  }
0xc2: {  	_ =	task.clear_ibuf [dreg:s7], $0x2FFFF;
	_ =	strace $0x9FFFFFFF  }
0xc3: {  	(tm) =	ssettm $0x7FFFFFFF  }
tec
execute0_lowered:
.L_overlay_start_1:
0x0: {  	(tag) =	ssettag $0x1  }
0x1: {  	s1 =	rddreg [dreg:$0x0]  }
0x2: {  	s0 =	srdreg.scid;
	s2 =	rddreg [dreg:$0x1]  }
0x3: {  	s8 =	stileid.u32;
	s3 =	rddreg [dreg:$0x2];
	s4 =	simm.s32 $0x0  }
0x4: {  	s28 =	simm.s32 $0x14400;
	s29 =	simm.s32 $0x14080;
	s6 =	smul.u32 $0x5000, s8  }
0x5: {  	s30 =	simm.s32 $0x1A800;
	s31 =	simm.s32 $0x2;
	s14 =	smul.u32 $0x280, s8  }
0x6: {  	s0 =	sand.u32 $0x1, s0;
	[smem:$0x7FF] =	sst s4;
	s8 =	smul.u32 $0x50000, s8  }
0x7: {  	s9 =	sadd.s32 $0x3C00, s2;
	s5 =	smul.u32 $0x50000, s0;
	_ =	strace $0x8000004D  }
0x8: {  	s7 =	ssub.s32 $0x2, s0;
	[dreg:$0x4] =	wrdreg s9;
	s0 =	smul.u32 $0x2800, s0  }
0x9: {  	s17 =	sshrl.u32 s7, $0x1;
	s18 =	sshrl.u32 s8, $0x2;
	s11 =	sadd.s32 $0x80, s14  }
0xa: {  	s15 =	sadd.s32 $0x100, s14;
	s16 =	sadd.s32 $0x180, s14;
	s5 =	sadd.s32 s6, s5  }
0xb: {  	s12 =	ssub.s32 s7, s17;
	s7 =	sadd.s32 s18, s3;
	s20 =	sshll.u32 s11, $0x7  }
0xc: {  	s21 =	sshll.u32 s15, $0x7;
	s10 =	sshll.u32 s16, $0x7;
	s17 =	sadd.s32 $0x200, s14  }
0xd: {  	s6 =	sadd.s32 s14, s0;
	s14 =	sadd.s32 s0, s11;
	s24 =	sadd.s32 s0, s15  }
0xe: {  	s25 =	sadd.s32 s0, s16;
	s5 =	sshrl.u32 s5, $0x3;
	s8 =	sadd.s32 s20, s3  }
0xf: {  	s9 =	sadd.s32 s21, s3;
	s10 =	sadd.s32 s10, s3;
	s13 =	sshll.u32 s17, $0x7  }
0x10: {  	s6 =	sshll.u32 s6, $0x4;
	s14 =	sshll.u32 s14, $0x4;
	s0 =	sadd.s32 s0, s17  }
0x11: {  	s18 =	smax.u32 s12, $0x1;
	s20 =	simm.s32 $0x16800;
	s21 =	simm.s32 $0x6  }
0x12: {  	s5 =	sadd.s32 s5, s2;
	s2 =	sadd.s32 $0x68C00, s2;
	s11 =	sadd.s32 s13, s3  }
0x13: {  	s0 =	sshll.u32 s0, $0x4;
	s19 =	sadd.s32 $0x54C00, s5;
	s5 =	sadd.s32 $0x55100, s5  }
0x14: {  	s22 =	sadd.s32 s2, s6;
	s23 =	sadd.s32 s2, s14;
	[dreg:$0x5] =	wrdreg s19  }
0x15: {  	s6 =	sshll.u32 s25, $0x4;
	s17 =	sadd.s32 s2, s0;
	[dreg:$0x6] =	wrdreg s5  }
0x16: {  	s25 =	simm.s32 $0x80;
	s0 =	simm.s32 $0x0;
	[dreg:$0x7] =	wrdreg s22  }
0x17: {  	[dreg:$0x8] =	wrdreg s23;
	s5 =	sshll.u32 s24, $0x4;
	s26 =	sadd.s32 s2, s6  }
0x18: {  	s19 =	simm.s32 $0x14000;
	s22 =	simm.s32 $0x3;
	s23 =	simm.s32 $0x4  }
0x19: {  	s24 =	simm.s32 $0x5;
	s5 =	sadd.s32 s2, s5;
	[dreg:$0xa] =	wrdreg s26  }
0x1a: {  	s26 =	simm.s32 $0x1;
	s2 =	simm.s32 $0x16780;
	[dreg:$0x9] =	wrdreg s5  }
.LBB2_1:
0x1b: {  	s5 =	rddreg [dreg:$0x5]  }
0x1c: {  	[tilespmem:s19], [sflag:$0x5] =	stream.linear.gather [hbm4b:s5+s4], $0x2800, $0x38;
	[tilespmem:$0x1E800] =	vst v63  }
0x1d: {  	s14 =	rddreg [dreg:$0x4]  }
0x1e: {  	[tilespmem:s20], [sflag:$0x6] =	stream.linear.gather [hbm4b:s14+s4], $0x4000, $0x38;
	[tilespmem:$0x1E800] =	vst v63  }
0x1f: {  	_ =	swait.ge [sflag:s21], $0x4000  }
0x20: {  	[sflag:s21] =	ssyncset.done $0x0  }
0x21: {  	[sflag:s21] =	ssyncadd.s32 $0xFFFFC000  }
0x22: {  	[spmem:s7] =	stream.linear.scatter [tilespmem:s20], [sflag:$0x3], $0x4000, $0x38;
	[tilespmem:$0x1E800] =	vst v63  }
0x23: {  	_ = 	snop  }
0x24: {  	[spmem:s8] =	stream.linear.scatter [tilespmem:s20], [sflag:$0x4], $0x4000, $0x38;
	[tilespmem:$0x1E800] =	vst v63  }
0x25: {  	_ =	swait.ge [sflag:s22], $0x4000  }
0x26: {  	[sflag:s22] =	ssyncset.done $0x0  }
0x27: {  	[sflag:s22] =	ssyncadd.s32 $0xFFFFC000  }
0x28: {  	[spmem:s9] =	stream.linear.scatter [tilespmem:s20], [sflag:$0x3], $0x4000, $0x38;
	[tilespmem:$0x1E800] =	vst v63  }
0x29: {  	_ =	swait.ge [sflag:s23], $0x4000  }
0x2a: {  	[sflag:s23] =	ssyncset.done $0x0  }
0x2b: {  	[sflag:s23] =	ssyncadd.s32 $0xFFFFC000  }
0x2c: {  	[spmem:s10] =	stream.linear.scatter [tilespmem:s20], [sflag:$0x4], $0x4000, $0x38;
	[tilespmem:$0x1E800] =	vst v63  }
0x2d: {  	_ =	swait.ge [sflag:s22], $0x4000  }
0x2e: {  	[sflag:s22] =	ssyncset.done $0x0  }
0x2f: {  	[sflag:s22] =	ssyncadd.s32 $0xFFFFC000  }
0x30: {  	[spmem:s11] =	stream.linear.scatter [tilespmem:s20], [sflag:$0x3], $0x4000, $0x38;
	[tilespmem:$0x1E800] =	vst v63  }
0x31: {  	_ =	swait.ge [sflag:s22], $0x4000  }
0x32: {  	[sflag:s22] =	ssyncset.done $0x0  }
0x33: {  	[sflag:s22] =	ssyncadd.s32 $0xFFFFC000  }
0x34: {  	_ =	swait.ge [sflag:s23], $0x4000  }
0x35: {  	[sflag:s23] =	ssyncset.done $0x0  }
0x36: {  	[sflag:s23] =	ssyncadd.s32 $0xFFFFC000  }
0x37: {  	_ =	swait.ge [sflag:s24], $0x2800  }
0x38: {  	[sflag:s24] =	ssyncset.done $0x0  }
0x39: {  	[sflag:s24] =	ssyncadd.s32 $0xFFFFD800  }
0x3a: {  	[bflag:$0x0] =	sbarrier.arrive $0xFFFF  }
0x3b: {  	[tilespmem:s20], [sflag:$0x1] =	stream.indirect.gather [hbm4b:s1+s25], $0x80, s19, s25, $0xb8;
	[tilespmem:$0x1E800] =	vst v63  }
0x3c: {  	_ =	swait.ge [sflag:s26], $0x4000  }
0x3d: {  	[sflag:s26] =	ssyncset.done $0x0  }
0x3e: {  	[sflag:s26] =	ssyncadd.s32 $0xFFFFC000  }
0x3f: {  	[spmem:s3] =	stream.indirect.scatter.add.f32 [tilespmem:s20], [sflag:$0x3], $0x80, s28, s25, $0xb8;
	[tilespmem:$0x1E800] =	vst v63  }
0x40: {  	_ = 	snop  }
0x41: {  	[tilespmem:s30], [sflag:$0x2] =	stream.indirect.gather [hbm4b:s1+s25], $0x80, s29, s25, $0xb8;
	[tilespmem:$0x1E800] =	vst v63  }
0x42: {  	_ =	swait.ge [sflag:s31], $0x4000  }
0x43: {  	s6 =	sand.u32 $0x3800, s4;
	s15 =	simm.s32 $0x0;
	[sflag:s31] =	ssyncset.done $0x0  }
0x44: {  	s12 =	simm.s32 $0x100;
	s13 =	sand.u32 $0x300, s15;
	[sflag:s31] =	ssyncadd.s32 $0xFFFFC000  }
0x45: {  	s12 =	sand.u32 $0x300, s12;
	s5 =	simm.s32 $0x200;
	_ =	swait.ge [sflag:s22], $0x4000  }
0x46: {  	s6 =	sor.u32 s13, s6;
	s16 =	sand.u32 $0x7800, s5;
	[sflag:s22] =	ssyncset.done $0x0  }
0x47: {  	s12 =	sor.u32 s12, s16;
	s6 =	sor.u32 $0x14480, s6;
	[sflag:s22] =	ssyncadd.s32 $0xFFFFC000  }
0x48: {  	[spmem:s3] =	stream.indirect.scatter.add.f32 [tilespmem:s30], [sflag:$0x4], $0x80, s6, s25, $0xb8;
	[tilespmem:$0x1E800] =	vst v63  }
0x49: {  	s14 =	sadd.s32 $0x14000, s12  }
0x4a: {  	[tilespmem:s20], [sflag:$0x1] =	stream.indirect.gather [hbm4b:s1+s25], $0x80, s14, s25, $0xb8;
	[tilespmem:$0x1E800] =	vst v63  }
0x4b: {  	_ =	swait.ge [sflag:s26], $0x4000  }
0x4c: {  	[sflag:s26] =	ssyncset.done $0x0  }
0x4d: {  	[sflag:s26] =	ssyncadd.s32 $0xFFFFC000  }
0x4e: {  	_ =	swait.ge [sflag:s23], $0x4000  }
0x4f: {  	s15 =	simm.s32 $0x180;
	[sflag:s23] =	ssyncset.done $0x0  }
0x50: {  	s16 =	simm.s32 $0x300;
	s6 =	sor.u32 $0x400, s14;
	[sflag:s23] =	ssyncadd.s32 $0xFFFFC000  }
0x51: {  	[spmem:s3] =	stream.indirect.scatter.add.f32 [tilespmem:s20], [sflag:$0x3], $0x80, s6, s25, $0xb8;
	[tilespmem:$0x1E800] =	vst v63  }
0x52: {  	s12 =	sand.u32 $0x7800, s16;
	s6 =	sand.u32 $0x380, s15  }
0x53: {  	s12 =	sor.u32 s6, s12;
	s6 =	simm.s32 $0x280  }
.LBB2_2:
0x54: {  	p0 =	sne.s32 s6, $0x1380;
	s12 =	sadd.s32 $0x14000, s12  }
0x55: {  	s13 =	smov.u32 s6;
	s6 =	sadd.s32 $0x100, s6;
	s14 =	smov.u32 s5  }
0x56: {  	[tilespmem:s30], [sflag:$0x2] =	stream.indirect.gather [hbm4b:s1+s25], $0x80, s12, s25, $0xb8;
	[tilespmem:$0x1E800] =	vst v63  }
0x57: {  	s12 =	sand.u32 $0x3800, s5;
	_ =	swait.ge [sflag:s31], $0x4000  }
0x58: {  	s15 =	sadd.s32 $0xFFFFFE80, s13;
	s16 =	sadd.s32 $0xFFFFFF80, s13;
	[sflag:s31] =	ssyncset.done $0x0  }
0x59: {  	s15 =	sand.u32 $0x300, s15;
	s16 =	sand.u32 $0x300, s16;
	[sflag:s31] =	ssyncadd.s32 $0xFFFFC000  }
0x5a: {  	s5 =	sadd.s32 $0x200, s5;
	s12 =	sor.u32 s15, s12;
	_ =	swait.ge [sflag:s22], $0x4000  }
0x5b: {  	s15 =	sand.u32 $0x7800, s5;
	s12 =	sor.u32 $0x14480, s12;
	[sflag:s22] =	ssyncset.done $0x0  }
0x5c: {  	s15 =	sor.u32 s16, s15;
	[sflag:s22] =	ssyncadd.s32 $0xFFFFC000  }
0x5d: {  	[spmem:s3] =	stream.indirect.scatter.add.f32 [tilespmem:s30], [sflag:$0x4], $0x80, s12, s25, $0xb8;
	[tilespmem:$0x1E800] =	vst v63  }
0x5e: {  	s12 =	sadd.s32 $0x14000, s15  }
0x5f: {  	[tilespmem:s20], [sflag:$0x1] =	stream.indirect.gather [hbm4b:s1+s25], $0x80, s12, s25, $0xb8;
	[tilespmem:$0x1E800] =	vst v63  }
0x60: {  	_ =	swait.ge [sflag:s26], $0x4000  }
0x61: {  	[sflag:s26] =	ssyncset.done $0x0  }
.Ltmp0:
0x62: {  	[sflag:s26] =	ssyncadd.s32 $0xFFFFC000;
	(pc) =	sbr.rel @p0 .LBB2_2-.Ltmp0, $4  }
0x63: {  	s14 =	sadd.s32 $0x300, s14;
	s13 =	sand.u32 $0x380, s13;
	_ =	swait.ge [sflag:s23], $0x4000  }
0x64: {  	s15 =	sor.u32 $0x400, s12;
	s12 =	sand.u32 $0x7800, s14;
	[sflag:s23] =	ssyncset.done $0x0  }
0x65: {  	s12 =	sor.u32 s13, s12;
	[sflag:s23] =	ssyncadd.s32 $0xFFFFC000  }
0x66: {  	[spmem:s3] =	stream.indirect.scatter.add.f32 [tilespmem:s20], [sflag:$0x3], $0x80, s15, s25, $0xb8;
	[tilespmem:$0x1E800] =	vst v63  }
0x67: {  	s5 =	sadd.s32 $0x14000, s12  }
0x68: {  	[tilespmem:s30], [sflag:$0x2] =	stream.indirect.gather [hbm4b:s1+s25], $0x80, s5, s25, $0xb8;
	[tilespmem:$0x1E800] =	vst v63  }
0x69: {  	_ =	swait.ge [sflag:s31], $0x4000  }
0x6a: {  	[sflag:s31] =	ssyncset.done $0x0  }
0x6b: {  	[sflag:s31] =	ssyncadd.s32 $0xFFFFC000  }
0x6c: {  	_ =	swait.ge [sflag:s22], $0x4000  }
0x6d: {  	[sflag:s22] =	ssyncset.done $0x0  }
0x6e: {  	[sflag:s22] =	ssyncadd.s32 $0xFFFFC000  }
0x6f: {  	[spmem:s3] =	stream.indirect.scatter.add.f32 [tilespmem:s30], [sflag:$0x4], $0x80, s2, s25, $0xb8;
	[tilespmem:$0x1E800] =	vst v63  }
0x70: {  	_ =	swait.ge [sflag:s23], $0x4000  }
0x71: {  	[sflag:s23] =	ssyncset.done $0x0  }
0x72: {  	s15 =	simm.s32 $0x0;
	s6 =	rddreg [dreg:$0x6];
	[sflag:s23] =	ssyncadd.s32 $0xFFFFC000  }
0x73: {  	[tilespmem:s19], [sflag:$0x6] =	stream.linear.gather [hbm4b:s6+s15], $0x2800, $0x38;
	[tilespmem:$0x1E800] =	vst v63  }
0x74: {  	_ =	swait.ge [sflag:s21], $0x2800  }
0x75: {  	[sflag:s21] =	ssyncset.done $0x0  }
0x76: {  	[sflag:s21] =	ssyncadd.s32 $0xFFFFD800  }
0x77: {  	[tilespmem:s20], [sflag:$0x1] =	stream.indirect.gather [hbm4b:s1+s25], $0x80, s19, s25, $0xb8;
	[tilespmem:$0x1E800] =	vst v63  }
0x78: {  	_ =	swait.ge [sflag:s26], $0x4000  }
0x79: {  	[sflag:s26] =	ssyncset.done $0x0  }
0x7a: {  	[sflag:s26] =	ssyncadd.s32 $0xFFFFC000  }
0x7b: {  	[spmem:s3] =	stream.indirect.scatter.add.f32 [tilespmem:s20], [sflag:$0x3], $0x80, s28, s25, $0xb8;
	[tilespmem:$0x1E800] =	vst v63  }
0x7c: {  	_ = 	snop  }
0x7d: {  	[tilespmem:s30], [sflag:$0x2] =	stream.indirect.gather [hbm4b:s1+s25], $0x80, s29, s25, $0xb8;
	[tilespmem:$0x1E800] =	vst v63  }
0x7e: {  	_ =	swait.ge [sflag:s31], $0x4000  }
0x7f: {  	s14 =	simm.s32 $0x0;
	s16 =	sand.u32 $0x3800, s15;
	[sflag:s31] =	ssyncset.done $0x0  }
0x80: {  	s13 =	sand.u32 $0x300, s14;
	s5 =	simm.s32 $0x200;
	[sflag:s31] =	ssyncadd.s32 $0xFFFFC000  }
0x81: {  	s15 =	simm.s32 $0x100;
	s6 =	sor.u32 s13, s16;
	_ =	swait.ge [sflag:s22], $0x4000  }
0x82: {  	s16 =	sand.u32 $0x7800, s5;
	s12 =	sand.u32 $0x300, s15;
	[sflag:s22] =	ssyncset.done $0x0  }
0x83: {  	s6 =	sor.u32 $0x14480, s6;
	s12 =	sor.u32 s12, s16;
	[sflag:s22] =	ssyncadd.s32 $0xFFFFC000  }
0x84: {  	[spmem:s3] =	stream.indirect.scatter.add.f32 [tilespmem:s30], [sflag:$0x4], $0x80, s6, s25, $0xb8;
	[tilespmem:$0x1E800] =	vst v63  }
0x85: {  	s14 =	sadd.s32 $0x14000, s12  }
0x86: {  	[tilespmem:s20], [sflag:$0x1] =	stream.indirect.gather [hbm4b:s1+s25], $0x80, s14, s25, $0xb8;
	[tilespmem:$0x1E800] =	vst v63  }
0x87: {  	_ =	swait.ge [sflag:s26], $0x4000  }
0x88: {  	[sflag:s26] =	ssyncset.done $0x0  }
0x89: {  	[sflag:s26] =	ssyncadd.s32 $0xFFFFC000  }
0x8a: {  	s15 =	simm.s32 $0x180;
	_ =	swait.ge [sflag:s23], $0x4000  }
0x8b: {  	s16 =	simm.s32 $0x300;
	s12 =	sand.u32 $0x380, s15;
	[sflag:s23] =	ssyncset.done $0x0  }
0x8c: {  	s13 =	sand.u32 $0x7800, s16;
	s6 =	sor.u32 $0x400, s14;
	[sflag:s23] =	ssyncadd.s32 $0xFFFFC000  }
0x8d: {  	[spmem:s3] =	stream.indirect.scatter.add.f32 [tilespmem:s20], [sflag:$0x3], $0x80, s6, s25, $0xb8;
	[tilespmem:$0x1E800] =	vst v63  }
0x8e: {  	s12 =	sor.u32 s12, s13;
	s6 =	simm.s32 $0x280  }
.LBB2_4:
0x8f: {  	p0 =	sne.s32 s6, $0x1380;
	s12 =	sadd.s32 $0x14000, s12  }
0x90: {  	s13 =	smov.u32 s6;
	s6 =	sadd.s32 $0x100, s6;
	s14 =	smov.u32 s5  }
0x91: {  	[tilespmem:s30], [sflag:$0x2] =	stream.indirect.gather [hbm4b:s1+s25], $0x80, s12, s25, $0xb8;
	[tilespmem:$0x1E800] =	vst v63  }
0x92: {  	s12 =	sand.u32 $0x3800, s5;
	_ =	swait.ge [sflag:s31], $0x4000  }
0x93: {  	s15 =	sadd.s32 $0xFFFFFE80, s13;
	s16 =	sadd.s32 $0xFFFFFF80, s13;
	[sflag:s31] =	ssyncset.done $0x0  }
0x94: {  	s15 =	sand.u32 $0x300, s15;
	s16 =	sand.u32 $0x300, s16;
	[sflag:s31] =	ssyncadd.s32 $0xFFFFC000  }
0x95: {  	s5 =	sadd.s32 $0x200, s5;
	s12 =	sor.u32 s15, s12;
	_ =	swait.ge [sflag:s22], $0x4000  }
0x96: {  	s15 =	sand.u32 $0x7800, s5;
	s12 =	sor.u32 $0x14480, s12;
	[sflag:s22] =	ssyncset.done $0x0  }
0x97: {  	s15 =	sor.u32 s16, s15;
	[sflag:s22] =	ssyncadd.s32 $0xFFFFC000  }
0x98: {  	[spmem:s3] =	stream.indirect.scatter.add.f32 [tilespmem:s30], [sflag:$0x4], $0x80, s12, s25, $0xb8;
	[tilespmem:$0x1E800] =	vst v63  }
0x99: {  	s12 =	sadd.s32 $0x14000, s15  }
0x9a: {  	[tilespmem:s20], [sflag:$0x1] =	stream.indirect.gather [hbm4b:s1+s25], $0x80, s12, s25, $0xb8;
	[tilespmem:$0x1E800] =	vst v63  }
0x9b: {  	_ =	swait.ge [sflag:s26], $0x4000  }
0x9c: {  	[sflag:s26] =	ssyncset.done $0x0  }
.Ltmp1:
0x9d: {  	[sflag:s26] =	ssyncadd.s32 $0xFFFFC000;
	(pc) =	sbr.rel @p0 .LBB2_4-.Ltmp1, $4  }
0x9e: {  	s14 =	sadd.s32 $0x300, s14;
	s13 =	sand.u32 $0x380, s13;
	_ =	swait.ge [sflag:s23], $0x4000  }
0x9f: {  	s15 =	sor.u32 $0x400, s12;
	s12 =	sand.u32 $0x7800, s14;
	[sflag:s23] =	ssyncset.done $0x0  }
0xa0: {  	s12 =	sor.u32 s13, s12;
	[sflag:s23] =	ssyncadd.s32 $0xFFFFC000  }
0xa1: {  	[spmem:s3] =	stream.indirect.scatter.add.f32 [tilespmem:s20], [sflag:$0x3], $0x80, s15, s25, $0xb8;
	[tilespmem:$0x1E800] =	vst v63  }
0xa2: {  	s5 =	sadd.s32 $0x14000, s12  }
0xa3: {  	[tilespmem:s30], [sflag:$0x2] =	stream.indirect.gather [hbm4b:s1+s25], $0x80, s5, s25, $0xb8;
	[tilespmem:$0x1E800] =	vst v63  }
0xa4: {  	_ =	swait.ge [sflag:s31], $0x4000  }
0xa5: {  	[sflag:s31] =	ssyncset.done $0x0  }
0xa6: {  	[sflag:s31] =	ssyncadd.s32 $0xFFFFC000  }
0xa7: {  	_ =	swait.ge [sflag:s22], $0x4000  }
0xa8: {  	[sflag:s22] =	ssyncset.done $0x0  }
0xa9: {  	[sflag:s22] =	ssyncadd.s32 $0xFFFFC000  }
0xaa: {  	[spmem:s3] =	stream.indirect.scatter.add.f32 [tilespmem:s30], [sflag:$0x4], $0x80, s2, s25, $0xb8;
	[tilespmem:$0x1E800] =	vst v63  }
0xab: {  	_ =	swait.ge [sflag:s23], $0x4000  }
0xac: {  	[sflag:s23] =	ssyncset.done $0x0  }
0xad: {  	[sflag:s23] =	ssyncadd.s32 $0xFFFFC000  }
0xae: {  	[bflag:$0x0] =	sbarrier.arrive $0xFFFF  }
0xaf: {  	[tilespmem:s20], [sflag:$0x6] =	stream.linear.gather [spmem:s7], $0x4000, $0x38;
	[tilespmem:$0x1E800] =	vst v63  }
0xb0: {  	_ =	swait.ge [sflag:s21], $0x4000  }
0xb1: {  	[sflag:s21] =	ssyncset.done $0x0  }
0xb2: {  	s13 =	rddreg [dreg:$0x7];
	[sflag:s21] =	ssyncadd.s32 $0xFFFFC000  }
0xb3: {  	[hbm4b:s13+s4] =	stream.linear.scatter [tilespmem:s20], [sflag:$0x1], $0x4000, $0x38;
	[tilespmem:$0x1E800] =	vst v63  }
0xb4: {  	_ = 	snop  }
0xb5: {  	[tilespmem:s30], [sflag:$0x6] =	stream.linear.gather [spmem:s8], $0x4000, $0x38;
	[tilespmem:$0x1E800] =	vst v63  }
0xb6: {  	_ =	swait.ge [sflag:s21], $0x4000  }
0xb7: {  	[sflag:s21] =	ssyncset.done $0x0  }
0xb8: {  	s14 =	rddreg [dreg:$0x8];
	[sflag:s21] =	ssyncadd.s32 $0xFFFFC000  }
0xb9: {  	[hbm4b:s14+s4] =	stream.linear.scatter [tilespmem:s30], [sflag:$0x2], $0x4000, $0x38;
	[tilespmem:$0x1E800] =	vst v63  }
0xba: {  	_ =	swait.ge [sflag:s26], $0x4000  }
0xbb: {  	[sflag:s26] =	ssyncset.done $0x0  }
0xbc: {  	[sflag:s26] =	ssyncadd.s32 $0xFFFFC000  }
0xbd: {  	[tilespmem:s20], [sflag:$0x6] =	stream.linear.gather [spmem:s9], $0x4000, $0x38;
	[tilespmem:$0x1E800] =	vst v63  }
0xbe: {  	_ =	swait.ge [sflag:s21], $0x4000  }
0xbf: {  	[sflag:s21] =	ssyncset.done $0x0  }
0xc0: {  	s15 =	rddreg [dreg:$0x9];
	[sflag:s21] =	ssyncadd.s32 $0xFFFFC000  }
0xc1: {  	[hbm4b:s15+s4] =	stream.linear.scatter [tilespmem:s20], [sflag:$0x1], $0x4000, $0x38;
	[tilespmem:$0x1E800] =	vst v63  }
0xc2: {  	_ =	swait.ge [sflag:s31], $0x4000  }
0xc3: {  	[sflag:s31] =	ssyncset.done $0x0  }
0xc4: {  	[sflag:s31] =	ssyncadd.s32 $0xFFFFC000  }
0xc5: {  	[tilespmem:s30], [sflag:$0x6] =	stream.linear.gather [spmem:s10], $0x4000, $0x38;
	[tilespmem:$0x1E800] =	vst v63  }
0xc6: {  	_ =	swait.ge [sflag:s21], $0x4000  }
0xc7: {  	[sflag:s21] =	ssyncset.done $0x0  }
0xc8: {  	s16 =	rddreg [dreg:$0xa];
	[sflag:s21] =	ssyncadd.s32 $0xFFFFC000  }
0xc9: {  	[hbm4b:s16+s4] =	stream.linear.scatter [tilespmem:s30], [sflag:$0x2], $0x4000, $0x38;
	[tilespmem:$0x1E800] =	vst v63  }
0xca: {  	_ =	swait.ge [sflag:s26], $0x4000  }
0xcb: {  	[sflag:s26] =	ssyncset.done $0x0  }
0xcc: {  	[sflag:s26] =	ssyncadd.s32 $0xFFFFC000  }
0xcd: {  	[tilespmem:s20], [sflag:$0x6] =	stream.linear.gather [spmem:s11], $0x4000, $0x38;
	[tilespmem:$0x1E800] =	vst v63  }
0xce: {  	_ =	swait.ge [sflag:s21], $0x4000  }
0xcf: {  	[sflag:s21] =	ssyncset.done $0x0  }
0xd0: {  	s0 =	sadd.s32 $0x1, s0;
	[sflag:s21] =	ssyncadd.s32 $0xFFFFC000  }
0xd1: {  	[hbm4b:s17+s4] =	stream.linear.scatter [tilespmem:s20], [sflag:$0x1], $0x4000, $0x38;
	[tilespmem:$0x1E800] =	vst v63  }
0xd2: {  	p0 =	sne.s32 s0, s18;
	_ =	swait.ge [sflag:s26], $0x4000  }
.Ltmp2:
0xd3: {  	[sflag:s26] =	ssyncset.done $0x0;
	(pc) =	sbr.rel @p0 .LBB2_1-.Ltmp2, $4  }
0xd4: {  	[sflag:s26] =	ssyncadd.s32 $0xFFFFC000  }
0xd5: {  	_ =	swait.ge [sflag:s31], $0x4000  }
0xd6: {  	[sflag:s31] =	ssyncset.done $0x0  }
0xd7: {  	[sflag:s31] =	ssyncadd.s32 $0xFFFFC000  }
0xd8: {  	_ =	sfence.sel $0x180000  }
0xd9: {  	[bflag:$0x0] =	sbarrier.arrive $0xFFFF  }
0xda: {  	_ =	strace $0x9000004D  }
0xdb: {  	s0 =	stileid.u32;
	[bflag:$0x2] =	sbarrier.arrive $0xFFFF  }
0xdc: {  	p0 =	sne.s32 s0, $0x0;
	s0 =	rddreg [dreg:$0x3]  }
0xdd: {  	s0 =	sadd.s32 @!p0 $0x100000, s0  }
0xde: {  	[sflag:s0] =	ssyncadd.tile.s32 @!p0 $0x1;
	_ =	shalt  }
.Lfunc_end2:
_tile_overlayer_lowered:
.L_overlay_start_2:
0xdf: {  	(tag) =	ssettag $0x2  }
0xe0: {  	s0 =	rddreg [dreg:$0x0];
	s2 =	stileid.u32  }
0xe1: {  	s1 =	rddreg [dreg:$0x1];
	p0 =	sne.s32 s2, $0x0  }
0xe2: {  	s3 =	rddreg [dreg:$0x2];
	[bflag:$0x3] =	sbarrier.arrive $0xFFFF;
	s2 =	simm.s32 @!p0 $0x1C06  }
0xe3: {  	[timem:s3], [sflag:s2] =	dma.local @!p0 [hbm:s0], s1  }
0xe4: {  	s0 =	simm.s32 @!p0 $0x6  }
0xe5: {  	_ =	swait.ge @!p0 [sflag:s0], s1  }
0xe6: {  	s1 =	ssub.s32 @!p0 $0x0, s1;
	[sflag:s0] =	ssyncset.done @!p0 $0x0  }
0xe7: {  	[sflag:s0] =	ssyncadd.s32 @!p0 s1  }
0xe8: {  	[bflag:$0x3] =	sbarrier.arrive $0xFFFF  }
0xe9: {  	_ =	shalt  }

// kernel: kernel.8.cloned.1.call-start
scs
__scs_entry_jumppad:
0x0: {  	(pc) =	sbr.rel $0x88, $3  }
0x1: {  	(tag) =	ssettag $0x0;
	lr =	simm.s32 $0x1  }
0x2: {  	[smem:$0x3F9B] =	sst lr;
	_ =	strace $0xD0000000  }
0x3: {  	_ = 	snop  }
0x4: {  	_ = 	snop  }
0x5: {  	_ = 	snop  }
0x6: {  	_ = 	snop  }
0x7: {  	_ = 	snop  }
__scs_overlays_trampoline_lowered:
0x8: {  	[smem:$0x3FAA] =	sst s0  }
0x9: {  	[smem:$0x3FAB] =	sst s1  }
0xa: {  	[smem:$0x3FAC] =	sst s2  }
0xb: {  	[smem:$0x3FAD] =	sst s3  }
0xc: {  	[smem:$0x3FAE] =	sst s4  }
0xd: {  	[smem:$0x3FAF] =	sst s5  }
0xe: {  	[smem:$0x3FB0] =	sst s6  }
0xf: {  	[smem:$0x3FB1] =	sst s7  }
0x10: {  	[smem:$0x3FB2] =	sst s8  }
0x11: {  	[smem:$0x3FB3] =	sst s9;
	s0 =	simm.s32 @!p0 $0x0  }
0x12: {  	s1 =	sld [smem:$0x3F99];
	s0 =	simm.s32 @p0 $0x1  }
0x13: {  	[smem:$0x3FB4] =	sst s0;
	s0 =	simm.s32 @!p1 $0x0  }
0x14: {  	s2 =	sld [smem:$0x3F98];
	s0 =	simm.s32 @p1 $0x1  }
0x15: {  	[smem:$0x3FB5] =	sst s0;
	s0 =	simm.s32 @!p2 $0x0  }
0x16: {  	s3 =	sld [smem:$0x3FDB];
	s0 =	simm.s32 @p2 $0x1  }
0x17: {  	s4 =	simm.s32 $0x1BF5;
	[smem:$0x3FB7] =	sst s0  }
0x18: {  	s0 =	sld [smem:$0x3F9A];
	_ =	swait.ge [sflag:s4], $0x0  }
0x19: {  	s7 =	sld [smem:$0x3F9B]  }
0x1a: {  	s8 =	sadd.s32 $0xFFFFE003, lr  }
0x1b: {  	s9 =	sadd.s32 $0xFFFFFEF7, lr;
	s5 =	simm.s32 $0xFFFFFFFF;
	p2 =	slt.u32 s8, $0xFFFFF086  }
0x1c: {  	p1 =	slt.u32 s9, $0xF7A;
	s5 =	simm.s32 @!p2 $0x0  }
0x1d: {  	s5 =	simm.s32 @p1 $0x1;
	p0 =	seq.s32 s7, s2  }
0x1e: {  	s7 =	smul.u32 @!p0 $0xF7A, s2;
	p2 =	seq.s32 @!p0 s5, $0x0  }
0x1f: {  	s9 =	smul.u32 $0xF7A, s1;
	s8 =	simm.s32 @!p0 $0x1BF5;
	p2 =	por !p2, p0  }
0x20: {  	[sflag:s8] =	ssyncset.s32 @!p0 $0xFFFFF086;
	s6 =	sadd.s32 @!p0 s3, s7;
	s7 =	simm.s32 @!p0 $0x108  }
0x21: {  	s3 =	sadd.s32 s3, s9;
	s6 =	sadd.s32 @!p0 $0x88, s6;
	s7 =	simm.s32 @p2 $0x1082  }
0x22: {  	[simem:s7], [sflag:s8] =	dma.local @!p0 [hbm:s6], $0xF7A  }
0x23: {  	s9 =	sor.u32 $0xD0000000, s2;
	s6 =	simm.s32 $0x108;
	_ =	swait.ge @!p0 [sflag:s8], $0x0  }
0x24: {  	s3 =	sadd.s32 $0x88, s3;
	s6 =	simm.s32 @!p1 $0x1082;
	[sflag:s4] =	ssyncset.s32 $0xFFFFF086  }
0x25: {  	[simem:s6], [sflag:s4] =	dma.local [hbm:s3], $0xF7A  }
0x26: {  	[smem:$0x3F9B] =	sst s1;
	(tag) =	ssettag s2;
	_ =	strace s9  }
0x27: {  	s1 =	sld [smem:$0x3FAB]  }
0x28: {  	s2 =	sld [smem:$0x3FAC]  }
0x29: {  	s4 =	sld [smem:$0x3FAE]  }
0x2a: {  	p0 =	seq.s32 s5, $0x0;
	s5 =	sld [smem:$0x3FAF]  }
0x2b: {  	s6 =	sld [smem:$0x3FB0]  }
0x2c: {  	s7 =	sld [smem:$0x3FB1]  }
0x2d: {  	s3 =	simm.s32 $0x108;
	s8 =	sld [smem:$0x3FB2]  }
0x2e: {  	s3 =	simm.s32 @!p0 $0x1082;
	s9 =	sld [smem:$0x3FB3]  }
0x2f: {  	lr =	sadd.s32 s0, s3;
	s0 =	sld [smem:$0x3FAA]  }
0x30: {  	s3 =	sld [smem:$0x3FAD]  }
0x31: {  	[smem:$0x3FB6] =	sst s10  }
0x32: {  	s10 =	sld [smem:$0x3FB4];
	_ =	sdelay $0x3  }
0x33: {  	p0 =	seq.s32 s10, $0x1;
	s10 =	sld [smem:$0x3FB6];
	_ =	sdelay $0x3  }
0x34: {  	[smem:$0x3FB6] =	sst s10  }
0x35: {  	s10 =	sld [smem:$0x3FB5];
	_ =	sdelay $0x3  }
0x36: {  	p1 =	seq.s32 s10, $0x1;
	s10 =	sld [smem:$0x3FB6];
	_ =	sdelay $0x3  }
0x37: {  	[smem:$0x3FB6] =	sst s10  }
0x38: {  	s10 =	sld [smem:$0x3FB7]  }
0x39: {  	_ = 	snop;
	(pc) =	sbr.ind lr, $3  }
0x3a: {  	_ = 	snop  }
0x3b: {  	_ = 	snop  }
0x3c: {  	p2 =	seq.s32 s10, $0x1;
	s10 =	sld [smem:$0x3FB6]  }
0x3d: {  	_ =	shalt  }
0x3e: {  	_ =	shalt  }
0x3f: {  	_ =	shalt  }
0x40: {  	_ =	shalt  }
0x41: {  	_ =	shalt  }
0x42: {  	_ =	shalt  }
0x43: {  	_ =	shalt  }
0x44: {  	_ =	shalt  }
0x45: {  	_ =	shalt  }
0x46: {  	_ =	shalt  }
0x47: {  	_ =	shalt  }
0x48: {  	_ =	shalt  }
0x49: {  	_ =	shalt  }
0x4a: {  	_ =	shalt  }
0x4b: {  	_ =	shalt  }
0x4c: {  	_ =	shalt  }
0x4d: {  	_ =	shalt  }
0x4e: {  	_ =	shalt  }
0x4f: {  	_ =	shalt  }
0x50: {  	_ =	shalt  }
0x51: {  	_ =	shalt  }
0x52: {  	_ =	shalt  }
0x53: {  	_ =	shalt  }
0x54: {  	_ =	shalt  }
0x55: {  	_ =	shalt  }
0x56: {  	_ =	shalt  }
0x57: {  	_ =	shalt  }
0x58: {  	_ =	shalt  }
0x59: {  	_ =	shalt  }
0x5a: {  	_ =	shalt  }
0x5b: {  	_ =	shalt  }
0x5c: {  	_ =	shalt  }
0x5d: {  	_ =	shalt  }
0x5e: {  	_ =	shalt  }
0x5f: {  	_ =	shalt  }
0x60: {  	_ =	shalt  }
0x61: {  	_ =	shalt  }
0x62: {  	_ =	shalt  }
0x63: {  	_ =	shalt  }
0x64: {  	_ =	shalt  }
0x65: {  	_ =	shalt  }
0x66: {  	_ =	shalt  }
0x67: {  	_ =	shalt  }
0x68: {  	_ =	shalt  }
0x69: {  	_ =	shalt  }
0x6a: {  	_ =	shalt  }
0x6b: {  	_ =	shalt  }
0x6c: {  	_ =	shalt  }
0x6d: {  	_ =	shalt  }
0x6e: {  	_ =	shalt  }
0x6f: {  	_ =	shalt  }
0x70: {  	_ =	shalt  }
0x71: {  	_ =	shalt  }
0x72: {  	_ =	shalt  }
0x73: {  	_ =	shalt  }
0x74: {  	_ =	shalt  }
0x75: {  	_ =	shalt  }
0x76: {  	_ =	shalt  }
0x77: {  	_ =	shalt  }
0x78: {  	_ =	shalt  }
0x79: {  	_ =	shalt  }
0x7a: {  	_ =	shalt  }
0x7b: {  	_ =	shalt  }
0x7c: {  	_ =	shalt  }
0x7d: {  	_ =	shalt  }
0x7e: {  	_ =	shalt  }
0x7f: {  	_ =	shalt  }
0x80: {  	_ =	shalt  }
0x81: {  	_ =	shalt  }
0x82: {  	_ =	shalt  }
0x83: {  	_ =	shalt  }
0x84: {  	_ =	shalt  }
0x85: {  	_ =	shalt  }
0x86: {  	_ =	shalt  }
0x87: {  	_ =	shalt  }
.Lfunc_end0:
.L_simem_size_0:
called_computation_lowered:
.L_overlay_start_0:
0x88: {  	s2 =	sld [smem:$0x3FD9]  }
0x89: {  	s3 =	sld [smem:$0x3FFE];
	_ =	sdelay $0x1  }
0x8a: {  	s1 =	srdreg.scid  }
0x8b: {  	s0 =	sand.u32 $0x1, s1  }
0x8c: {  	s17 =	sshll.u32 s0, $0xA;
	s2 =	sadd.s32 s3, s2  }
0x8d: {  	s2 =	sadd.s32 s2, s17  }
0x8e: {  	[smem:$0x3FC2] =	sst s2  }
0x8f: {  	_ = 	snop  }
0x90: {  	s2 =	sld [smem:$0x3FD0];
	(tm) =	ssettm $0x1  }
0x91: {  	s18 =	sld [smem:$0x3FFB];
	_ =	sdelay $0x3  }
0x92: {  	_ =	strace s18  }
0x93: {  	s3 =	sld [smem:$0x3FFC];
	_ =	sdelay $0x3  }
0x94: {  	_ =	strace s3  }
0x95: {  	s3 =	sld [smem:$0x3FFD];
	_ =	sdelay $0x3  }
0x96: {  	_ =	strace s3  }
0x97: {  	_ =	strace $0x8FFFFFFF  }
0x98: {  	s19 =	sld [smem:$0x3FDB];
	_ =	sdelay $0x1  }
0x99: {  	s4 =	simm.s32 $_scs_section_size  }
0x9a: {  	s5 =	simm.s32 $_size__tile_overlayer_lowered;
	s6 =	simm.s32 $_tile_overlayer_lowered  }
0x9b: {  	s22 =	simm.s32 $0x1BFF;
	s21 =	sshll.u32 s6, $0x1;
	s3 =	sadd.s32 s4, s19  }
0x9c: {  	s7 =	simm.s32 $0x0;
	s20 =	sshll.u32 s5, $0x1;
	s5 =	sadd.s32 s21, s3  }
0x9d: {  	[timem:s7], [sflag:s22] =	dma.local [hbm:s5], s20  }
0x9e: {  	_ =	swait.ge [sflag:s22], s20  }
0x9f: {  	s4 =	ssub.s32 $0x0, s20;
	[sflag:s22] =	ssyncset.done $0x0  }
0xa0: {  	[sflag:s22] =	ssyncadd.s32 s4;
	_ =	sdelay $0x1  }
0xa1: {  	s23 =	simm.s32 $0x1B8B  }
0xa2: {  	_ =	swait.ge [sflag:s23], $0x1  }
0xa3: {  	[sflag:s23] =	ssyncset.done $0x0  }
0xa4: {  	s25 =	simm.s32 $0x1B8E;
	s24 =	sld [smem:$0x3FFE];
	[sflag:s23] =	ssyncadd.s32 $0xFFFFFFFF  }
0xa5: {  	s26 =	simm.s32 $execute0_lowered;
	[smem:$0x3FD2] =	sst s25  }
0xa6: {  	s5 =	sshll.u32 s26, $0x1;
	_ =	strace $0x80000046;
	[dreg:$0x1] =	wrdreg $0xFFFFFFFF  }
0xa7: {  	s28 =	simm.s32 $_size_execute0_lowered;
	s3 =	sadd.s32 s3, s5;
	[dreg:$0x0] =	wrdreg $0x0  }
0xa8: {  	s5 =	sshll.u32 s28, $0x1;
	[dreg:$0x2] =	wrdreg s3  }
0xa9: {  	[dreg:$0x3] =	wrdreg s5  }
0xaa: {  	[dreg:$0x4] =	wrdreg $0xC0  }
0xab: {  	_ =	task [dreg:s7], $0x5FFFF  }
0xac: {  	[dreg:$0x1] =	wrdreg $0xFFFFFFFF  }
0xad: {  	[dreg:$0x0] =	wrdreg $0x60  }
0xae: {  	[dreg:$0x2] =	wrdreg s2  }
0xaf: {  	[dreg:$0x3] =	wrdreg s24  }
0xb0: {  	[dreg:$0x4] =	wrdreg $0x0  }
0xb1: {  	[dreg:$0x5] =	wrdreg $0x9  }
0xb2: {  	_ =	task.clear_ibuf [dreg:s7], $0x6FFFF;
	_ =	strace $0x90000046  }
0xb3: {  	s29 =	simm.s32 $0x9;
	_ =	strace $0x80000048  }
0xb4: {  	_ =	swait.ge [sflag:s29], $0x1  }
0xb5: {  	[sflag:s29] =	ssyncadd.s32 $0xFFFFFFFF  }
0xb6: {  	_ =	strace $0x90000048  }
0xb7: {  	_ =	sfence  }
0xb8: {  	s30 =	sld [smem:$0x0];
	_ =	sdelay $0x2  }
0xb9: {  	s31 =	sshll.u32 s1, $0xD;
	s1 =	sshrl.u32 s1, $0x2  }
0xba: {  	s3 =	sand.u32 $0x4000, s31;
	s1 =	sadd.s32 s1, s30  }
0xbb: {  	s0 =	sor.u32 s3, s0;
	s1 =	sshll.u32 s1, $0x11  }
0xbc: {  	s0 =	sor.u32 s1, s0  }
0xbd: {  	s0 =	sadd.s32 $0x8F2B, s0  }
0xbe: {  	[sflag:s0] =	ssyncadd.remote.s32 $0x1  }
0xbf: {  	_ =	sfence.sel $0xFFFF  }
0xc0: {  	[dreg:$0x0] =	wrdreg $0xFFFFFFFF;
	(pc) =	sbr.abs _section_cstart, $3  }
0xc1: {  	[dreg:$0x1] =	wrdreg $0xFFFFFFFF  }
0xc2: {  	_ =	task.clear_ibuf [dreg:s7], $0x2FFFF;
	_ =	strace $0x9FFFFFFF  }
0xc3: {  	(tm) =	ssettm $0x7FFFFFFF  }
tec
execute0_lowered:
.L_overlay_start_1:
0x0: {  	(tag) =	ssettag $0x1  }
0x1: {  	s6 =	rddreg [dreg:$0x0]  }
0x2: {  	s7 =	rddreg [dreg:$0x1];
	s1 =	srdreg.scid  }
0x3: {  	s0 =	stileid.u32;
	s2 =	rddreg [dreg:$0x2];
	s3 =	simm.s32 $0x0  }
0x4: {  	s22 =	simm.s32 $0x80;
	s23 =	simm.s32 $0x1;
	s8 =	sand.u32 $0x1, s1  }
0x5: {  	s4 =	sshll.u32 s0, $0x1;
	s1 =	rddreg [dreg:$0x3];
	s11 =	smul.u32 $0x280, s0  }
0x6: {  	[smem:$0x7FF] =	sst s3;
	s13 =	smul.u32 $0x50000, s0;
	s5 =	sadd.s32 $0x3C00, s7  }
0x7: {  	s16 =	sadd.s32 $0x4C00, s7;
	s4 =	sor.u32 s8, s4;
	s18 =	smul.u32 $0x2800, s8  }
0x8: {  	_ =	strace $0x80000047;
	s10 =	ssub.s32 $0x2, s8;
	s9 =	smul.u32 $0x280, s4  }
0x9: {  	s4 =	sadd.s32 $0x4400, s7;
	s12 =	sshrl.u32 s10, $0x1;
	s24 =	sshrl.u32 s13, $0x2  }
0xa: {  	s25 =	sadd.s32 $0x80, s11;
	s14 =	sadd.s32 $0x100, s11;
	s15 =	sadd.s32 $0x180, s11  }
0xb: {  	s19 =	sadd.s32 $0x200, s11;
	s17 =	ssub.s32 s10, s12;
	s7 =	sadd.s32 s24, s2  }
0xc: {  	s26 =	sshll.u32 s25, $0x7;
	s28 =	sshll.u32 s14, $0x7;
	s29 =	sshll.u32 s15, $0x7  }
0xd: {  	s11 =	sadd.s32 s11, s18;
	s30 =	sshll.u32 s19, $0x7;
	s21 =	sadd.s32 s18, s25  }
0xe: {  	s14 =	sadd.s32 s18, s14;
	s15 =	sadd.s32 s18, s15;
	s18 =	sadd.s32 s18, s19  }
0xf: {  	s19 =	simm.s32 $0x2;
	s24 =	simm.s32 $0x0;
	s6 =	sadd.s32 s6, s9  }
0x10: {  	s8 =	sadd.s32 s26, s2;
	s9 =	sadd.s32 s28, s2;
	s10 =	sadd.s32 s29, s2  }
0x11: {  	s20 =	sshll.u32 s11, $0x4;
	s11 =	sadd.s32 s30, s2;
	s31 =	sshll.u32 s21, $0x4  }
0x12: {  	s14 =	sshll.u32 s14, $0x4;
	s15 =	sshll.u32 s15, $0x4;
	s18 =	sshll.u32 s18, $0x4  }
0x13: {  	s17 =	smax.u32 s17, $0x1;
	s21 =	simm.s32 $0x19400;
	s12 =	sadd.s32 s16, s20  }
0x14: {  	s13 =	sadd.s32 s16, s31;
	s14 =	sadd.s32 s16, s14;
	s15 =	sadd.s32 s16, s15  }
0x15: {  	s16 =	sadd.s32 s16, s18;
	s18 =	simm.s32 $0x14000;
	s20 =	simm.s32 $0x15400  }
.LBB2_1:
0x16: {  	[tilespmem:s18], [sflag:$0x2] =	stream.linear.gather [hbm4b:s6+s3], $0x1400, $0x38;
	[tilespmem:$0x1D400] =	vst v63  }
0x17: {  	_ =	swait.ge [sflag:s19], $0x1400  }
0x18: {  	[sflag:s19] =	ssyncset.done $0x0  }
0x19: {  	[sflag:s19] =	ssyncadd.s32 $0xFFFFEC00  }
0x1a: {  	[tilespmem:s20], [sflag:$0x2] =	stream.linear.gather [hbm4b:s4+s3], $0x4000, $0x38;
	[tilespmem:$0x1D400] =	vst v63  }
0x1b: {  	_ =	swait.ge [sflag:s19], $0x4000  }
0x1c: {  	[sflag:s19] =	ssyncset.done $0x0  }
0x1d: {  	[sflag:s19] =	ssyncadd.s32 $0xFFFFC000  }
0x1e: {  	[tilespmem:s21], [sflag:$0x2] =	stream.linear.gather [hbm4b:s5+s3], $0x4000, $0x38;
	[tilespmem:$0x1D400] =	vst v63  }
0x1f: {  	_ =	swait.ge [sflag:s19], $0x4000  }
0x20: {  	[sflag:s19] =	ssyncset.done $0x0  }
0x21: {  	[sflag:s19] =	ssyncadd.s32 $0xFFFFC000  }
0x22: {  	[spmem:s7] =	stream.linear.scatter [tilespmem:s21], [sflag:$0x2], $0x4000, $0x38;
	[tilespmem:$0x1D400] =	vst v63  }
0x23: {  	_ =	swait.ge [sflag:s19], $0x4000  }
0x24: {  	[sflag:s19] =	ssyncset.done $0x0  }
0x25: {  	[sflag:s19] =	ssyncadd.s32 $0xFFFFC000  }
0x26: {  	[spmem:s8] =	stream.linear.scatter [tilespmem:s21], [sflag:$0x2], $0x4000, $0x38;
	[tilespmem:$0x1D400] =	vst v63  }
0x27: {  	_ =	swait.ge [sflag:s19], $0x4000  }
0x28: {  	[sflag:s19] =	ssyncset.done $0x0  }
0x29: {  	[sflag:s19] =	ssyncadd.s32 $0xFFFFC000  }
0x2a: {  	[spmem:s9] =	stream.linear.scatter [tilespmem:s21], [sflag:$0x2], $0x4000, $0x38;
	[tilespmem:$0x1D400] =	vst v63  }
0x2b: {  	_ =	swait.ge [sflag:s19], $0x4000  }
0x2c: {  	[sflag:s19] =	ssyncset.done $0x0  }
0x2d: {  	[sflag:s19] =	ssyncadd.s32 $0xFFFFC000  }
0x2e: {  	[spmem:s10] =	stream.linear.scatter [tilespmem:s21], [sflag:$0x2], $0x4000, $0x38;
	[tilespmem:$0x1D400] =	vst v63  }
0x2f: {  	_ =	swait.ge [sflag:s19], $0x4000  }
0x30: {  	[sflag:s19] =	ssyncset.done $0x0  }
0x31: {  	[sflag:s19] =	ssyncadd.s32 $0xFFFFC000  }
0x32: {  	[spmem:s11] =	stream.linear.scatter [tilespmem:s21], [sflag:$0x2], $0x4000, $0x38;
	[tilespmem:$0x1D400] =	vst v63  }
0x33: {  	_ =	swait.ge [sflag:s19], $0x4000  }
0x34: {  	[sflag:s19] =	ssyncset.done $0x0  }
0x35: {  	[sflag:s19] =	ssyncadd.s32 $0xFFFFC000  }
0x36: {  	s25 =	simm.s32 $0x14000;
	[bflag:$0x0] =	sbarrier.arrive $0xFFFF  }
0x37: {  	[spmem:s2] =	stream.indirect.scatter.add.f32 [tilespmem:s20], [sflag:$0x1], $0x80, s25, s22, $0xb8;
	[tilespmem:$0x1D400] =	vst v63  }
0x38: {  	s25 =	simm.s32 $0x200;
	_ =	swait.ge [sflag:s23], $0x4000  }
.LBB2_2:
0x39: {  	s26 =	sshra.s32 s25, $0x2;
	[sflag:s23] =	ssyncset.done $0x0;
	p0 =	sne.s32 s25, $0x4E00  }
.Ltmp0:
0x3a: {  	s26 =	sadd.s32 $0x14000, s26;
	[sflag:s23] =	ssyncadd.s32 $0xFFFFC000;
	(pc) =	sbr.rel @p0 .LBB2_2-.Ltmp0, $3  }
0x3b: {  	[spmem:s2] =	stream.indirect.scatter.add.f32 [tilespmem:s20], [sflag:$0x1], $0x80, s26, s22, $0xb8;
	[tilespmem:$0x1D400] =	vst v63  }
0x3c: {  	s25 =	sadd.s32 $0x200, s25;
	_ =	sdelay $0x1  }
0x3d: {  	_ =	swait.ge [sflag:s23], $0x4000  }
0x3e: {  	[sflag:s23] =	ssyncset.done $0x0  }
0x3f: {  	[sflag:s23] =	ssyncadd.s32 $0xFFFFC000  }
0x40: {  	[bflag:$0x0] =	sbarrier.arrive $0xFFFF  }
0x41: {  	[tilespmem:s21], [sflag:$0x2] =	stream.linear.gather [spmem:s7], $0x4000, $0x38;
	[tilespmem:$0x1D400] =	vst v63  }
0x42: {  	_ =	swait.ge [sflag:s19], $0x4000  }
0x43: {  	[sflag:s19] =	ssyncset.done $0x0  }
0x44: {  	[sflag:s19] =	ssyncadd.s32 $0xFFFFC000  }
0x45: {  	[hbm4b:s12+s3] =	stream.linear.scatter [tilespmem:s21], [sflag:$0x2], $0x4000, $0x38;
	[tilespmem:$0x1D400] =	vst v63  }
0x46: {  	_ =	swait.ge [sflag:s19], $0x4000  }
0x47: {  	[sflag:s19] =	ssyncset.done $0x0  }
0x48: {  	[sflag:s19] =	ssyncadd.s32 $0xFFFFC000  }
0x49: {  	[tilespmem:s21], [sflag:$0x2] =	stream.linear.gather [spmem:s8], $0x4000, $0x38;
	[tilespmem:$0x1D400] =	vst v63  }
0x4a: {  	_ =	swait.ge [sflag:s19], $0x4000  }
0x4b: {  	[sflag:s19] =	ssyncset.done $0x0  }
0x4c: {  	[sflag:s19] =	ssyncadd.s32 $0xFFFFC000  }
0x4d: {  	[hbm4b:s13+s3] =	stream.linear.scatter [tilespmem:s21], [sflag:$0x2], $0x4000, $0x38;
	[tilespmem:$0x1D400] =	vst v63  }
0x4e: {  	_ =	swait.ge [sflag:s19], $0x4000  }
0x4f: {  	[sflag:s19] =	ssyncset.done $0x0  }
0x50: {  	[sflag:s19] =	ssyncadd.s32 $0xFFFFC000  }
0x51: {  	[tilespmem:s21], [sflag:$0x2] =	stream.linear.gather [spmem:s9], $0x4000, $0x38;
	[tilespmem:$0x1D400] =	vst v63  }
0x52: {  	_ =	swait.ge [sflag:s19], $0x4000  }
0x53: {  	[sflag:s19] =	ssyncset.done $0x0  }
0x54: {  	[sflag:s19] =	ssyncadd.s32 $0xFFFFC000  }
0x55: {  	[hbm4b:s14+s3] =	stream.linear.scatter [tilespmem:s21], [sflag:$0x2], $0x4000, $0x38;
	[tilespmem:$0x1D400] =	vst v63  }
0x56: {  	_ =	swait.ge [sflag:s19], $0x4000  }
0x57: {  	[sflag:s19] =	ssyncset.done $0x0  }
0x58: {  	[sflag:s19] =	ssyncadd.s32 $0xFFFFC000  }
0x59: {  	[tilespmem:s21], [sflag:$0x2] =	stream.linear.gather [spmem:s10], $0x4000, $0x38;
	[tilespmem:$0x1D400] =	vst v63  }
0x5a: {  	_ =	swait.ge [sflag:s19], $0x4000  }
0x5b: {  	[sflag:s19] =	ssyncset.done $0x0  }
0x5c: {  	[sflag:s19] =	ssyncadd.s32 $0xFFFFC000  }
0x5d: {  	[hbm4b:s15+s3] =	stream.linear.scatter [tilespmem:s21], [sflag:$0x2], $0x4000, $0x38;
	[tilespmem:$0x1D400] =	vst v63  }
0x5e: {  	_ =	swait.ge [sflag:s19], $0x4000  }
0x5f: {  	[sflag:s19] =	ssyncset.done $0x0  }
0x60: {  	[sflag:s19] =	ssyncadd.s32 $0xFFFFC000  }
0x61: {  	[tilespmem:s21], [sflag:$0x2] =	stream.linear.gather [spmem:s11], $0x4000, $0x38;
	[tilespmem:$0x1D400] =	vst v63  }
0x62: {  	s24 =	sadd.s32 $0x1, s24;
	_ =	swait.ge [sflag:s19], $0x4000  }
0x63: {  	p0 =	sne.s32 s24, s17;
	[sflag:s19] =	ssyncset.done $0x0  }
.Ltmp1:
0x64: {  	[sflag:s19] =	ssyncadd.s32 $0xFFFFC000;
	(pc) =	sbr.rel @p0 .LBB2_1-.Ltmp1, $4  }
0x65: {  	[hbm4b:s16+s3] =	stream.linear.scatter [tilespmem:s21], [sflag:$0x2], $0x4000, $0x38;
	[tilespmem:$0x1D400] =	vst v63  }
0x66: {  	_ =	swait.ge [sflag:s19], $0x4000  }
0x67: {  	[sflag:s19] =	ssyncset.done $0x0  }
0x68: {  	[sflag:s19] =	ssyncadd.s32 $0xFFFFC000  }
0x69: {  	_ =	sfence.sel $0x180000  }
0x6a: {  	[bflag:$0x0] =	sbarrier.arrive $0xFFFF  }
0x6b: {  	p0 =	sne.s32 s0, $0x0;
	_ =	strace $0x90000047  }
0x6c: {  	s0 =	sadd.s32 @!p0 $0x100000, s1;
	[bflag:$0x2] =	sbarrier.arrive $0xFFFF  }
0x6d: {  	[sflag:s0] =	ssyncadd.tile.s32 @!p0 $0x1;
	_ =	shalt  }
.Lfunc_end2:
_tile_overlayer_lowered:
.L_overlay_start_2:
0x6e: {  	(tag) =	ssettag $0x2  }
0x6f: {  	s0 =	rddreg [dreg:$0x0];
	s2 =	stileid.u32  }
0x70: {  	s1 =	rddreg [dreg:$0x1];
	p0 =	sne.s32 s2, $0x0  }
0x71: {  	s3 =	rddreg [dreg:$0x2];
	[bflag:$0x3] =	sbarrier.arrive $0xFFFF;
	s2 =	simm.s32 @!p0 $0x1C02  }
0x72: {  	[timem:s3], [sflag:s2] =	dma.local @!p0 [hbm:s0], s1  }
0x73: {  	s0 =	simm.s32 @!p0 $0x2  }
0x74: {  	_ =	swait.ge @!p0 [sflag:s0], s1  }
0x75: {  	s1 =	ssub.s32 @!p0 $0x0, s1;
	[sflag:s0] =	ssyncset.done @!p0 $0x0  }
0x76: {  	[sflag:s0] =	ssyncadd.s32 @!p0 s1  }
0x77: {  	[bflag:$0x3] =	sbarrier.arrive $0xFFFF  }
0x78: {  	_ =	shalt  }

</sc_bundles>
